<compile_context>
chip_gen: v7x
topology: tpu7x:2x2x1
jax: 0.10.2.dev20260603
libtpu: 0.0.44.dev20260713+nightly
codegen_flags: <defaults>
</compile_context>

<pallas_src>
import functools

import jax
import jax.numpy as jnp
from jax import lax
from jax.experimental import pallas as pl
from jax.experimental.pallas import tpu as pltpu
from jax.experimental.pallas import tpu_sc as plsc

_DIN, _D1, _D2, _D3, _D4 = 4, 64, 128, 256, 64
_N, _E, _G, _NEF = 1024, 2048, 32, 3
_NW = 32
_BPW = _E // _NW


_LAYERS = (
    ("conv_a", _DIN, 128, _D1, 128, 64),
    ("conv_b", _D1, 128, _D2, 128, 16),
    ("conv_c", _D2, 128, _D3, 256, 8),
    ("conv_d", _D3, 256, _D4, 64, 8),
)


def _mesh():
    return plsc.VectorSubcoreMesh(core_axis_name="c", subcore_axis_name="s")


def _make_gather(din_tab):
    @functools.partial(
        pl.kernel, mesh=_mesh(),
        out_type=jax.ShapeDtypeStruct((_E, din_tab), jnp.float32),
        scratch_types=[pltpu.VMEM((_BPW,), jnp.int32),
                       pltpu.VMEM((_BPW, din_tab), jnp.float32),
                       pltpu.SemaphoreType.DMA],
    )
    def gather(table_hbm, idx_hbm, out_hbm, idx_v, rows_v, sem):
        wid = lax.axis_index("s") * 2 + lax.axis_index("c")
        base = wid * _BPW
        pltpu.sync_copy(idx_hbm.at[pl.ds(base, _BPW)], idx_v)
        pltpu.async_copy(table_hbm.at[idx_v], rows_v, sem).wait()
        pltpu.sync_copy(rows_v, out_hbm.at[pl.ds(base, _BPW)])

    return gather


def _full(shape):
    return pl.BlockSpec(shape, lambda k: (0, 0))


def _dot(a, b):
    return jnp.dot(a, b, preferred_element_type=jnp.float32)


def _onehot_matmul(onehot, dense):
    hi = dense.astype(jnp.bfloat16).astype(jnp.float32)
    return (jnp.dot(onehot, hi, preferred_element_type=jnp.float32)
            + jnp.dot(onehot, dense - hi, preferred_element_type=jnp.float32))


def _pad_cols(v, width):
    if v.shape[1] == width:
        return v
    return jnp.concatenate(
        [v, jnp.zeros((v.shape[0], width - v.shape[1]), jnp.float32)], axis=1)


def _msg_body(din, din_tab, dout, dout_tab, kc, nk, head, *refs):
    if head:
        (h_ref, xs_ref, dst, ea1, ea2, w1, b1, w2, b2, w3c, b3r, root, bias,
         batch_row, l1w, l1b, l2w, l2b, l3w, l3b, ow, ob,
         out_ref, h2_scr, xs_scr, msg_scr) = refs
    else:
        (h_ref, xs_ref, dst, ea1, ea2, w1, b1, w2, b2, w3c, b3r, root, bias,
         out_ref, h2_scr, xs_scr, msg_scr) = refs
    k = pl.program_id(0)

    @pl.when(k == 0)
    def _init():
        ea = ea1[...] + ea2[...]
        h1 = jnp.maximum(_dot(ea, w1[...]) + b1[...], 0.0)
        h2 = jnp.maximum(_dot(h1, w2[...]) + b2[...], 0.0)
        h2b = h2.astype(jnp.bfloat16)
        for i in range(nk):
            h2_scr[i] = h2b[:, i * kc:(i + 1) * kc]
        xs = xs_ref[...][:, :din]
        xs_scr[...] = xs.astype(jnp.bfloat16)
        msg_scr[...] = _dot(xs, b3r[...])

    h2c = h2_scr[k].astype(jnp.float32)
    xs = xs_scr[...]
    u = _dot(xs, w3c[...])
    msg = msg_scr[...]
    for j in range(kc):
        msg = msg + h2c[:, j:j + 1] * u[:, j * dout:(j + 1) * dout]
    msg_scr[...] = msg

    @pl.when(k == nk - 1)
    def _fini():
        row_ids = jax.lax.broadcasted_iota(jnp.int32, (_N, _E), 0)
        sca = (dst[...] == row_ids).astype(jnp.float32)
        agg = _onehot_matmul(sca, msg_scr[...])
        h = h_ref[...][:, :din]
        hn = jnp.maximum(agg + _dot(h, root[...]) + bias[...], 0.0)
        if not head:
            out_ref[...] = _pad_cols(hn, dout_tab)
        else:
            h = _dot(hn, l1w[...]) + l1b[...]
            h = _dot(h, l2w[...]) + l2b[...]
            h = _dot(h, l3w[...]) + l3b[...]
            g_ids = jax.lax.broadcasted_iota(jnp.int32, (_G, _N), 0)
            starts = jnp.sum((batch_row[...] < g_ids).astype(jnp.int32),
                             axis=1, keepdims=True)
            n_ids = jax.lax.broadcasted_iota(jnp.int32, (_G, _N), 1)
            out = ob[...]
            for t in range(3):
                sel = (n_ids == starts + t).astype(jnp.float32)
                ft = _dot(sel, h)
                out = out + _dot(ft, ow[...][64 * t:64 * (t + 1), :])
            out_ref[...] = out


def kernel(x, edge_index, edge_attr1, edge_attr2, batch, params):
    src = edge_index[0]
    dst_row = edge_index[1].reshape(1, _E)
    batch_row = batch.reshape(1, _N)
    t = jnp.pad(x, ((0, 0), (0, 128 - _DIN)))
    for (name, din, din_tab, dout, dout_tab, kc) in _LAYERS:
        p = params[name]
        m = p["mlp"]
        head = name == "conv_d"
        w3c = m["W3"].reshape(64, din, dout).transpose(1, 0, 2)
        w3c = w3c.reshape(din, 64 * dout).astype(jnp.bfloat16)
        b3r = m["b3"].reshape(din, dout)
        nk = 64 // kc

        xs = _make_gather(din_tab)(t, src)

        ops = [t, xs, dst_row, edge_attr1, edge_attr2,
               m["W1"], m["b1"].reshape(1, 64), m["W2"], m["b2"].reshape(1, 64),
               w3c, b3r, p["root"], p["bias"].reshape(1, dout)]
        in_specs = [
            _full((_N, din_tab)), _full((_E, din_tab)), _full((1, _E)),
            _full((_E, _NEF)), _full((_E, _NEF)),
            _full((_NEF, 64)), _full((1, 64)), _full((64, 64)),
            _full((1, 64)),
            pl.BlockSpec((din, kc * dout), lambda k: (0, k)),
            _full((din, dout)), _full((din, dout)), _full((1, dout)),
        ]
        if head:
            ops += [batch_row, params["lin1W"], params["lin1b"].reshape(1, 128),
                    params["lin2W"], params["lin2b"].reshape(1, 64),
                    params["lin3W"], params["lin3b"].reshape(1, 64),
                    params["outW"], params["outb"].reshape(1, 1)]
            in_specs += [_full((1, _N)), _full((_D4, 128)), _full((1, 128)),
                         _full((128, 64)), _full((1, 64)), _full((64, 64)),
                         _full((1, 64)), _full((192, 1)), _full((1, 1))]
            out_shape = jax.ShapeDtypeStruct((_G, 1), jnp.float32)
            out_specs = _full((_G, 1))
        else:
            out_shape = jax.ShapeDtypeStruct((_N, dout_tab), jnp.float32)
            out_specs = _full((_N, dout_tab))
        t = pl.pallas_call(
            functools.partial(_msg_body, din, din_tab, dout, dout_tab, kc,
                              nk, head),
            grid=(nk,),
            in_specs=in_specs,
            out_specs=out_specs,
            out_shape=out_shape,
            scratch_shapes=[pltpu.VMEM((nk, _E, kc), jnp.bfloat16),
                            pltpu.VMEM((_E, din), jnp.bfloat16),
                            pltpu.VMEM((_E, dout), jnp.float32)],
        )(*ops)

    return t

# --- scband reference (transcript-rebuilt; emitter-appended) ---
"""Pipeline reference for scband-net-25993142075982 (READ-ONLY COPY).

The authoritative reference and input builder live on the scoring server;
editing this copy changes nothing except your own understanding.
"""

import jax, jax.numpy as jnp
import numpy as np

DIN, D1, D2, D3, D4 = 4, 64, 128, 256, 64
N_NODES, N_EDGES, N_GRAPHS, NEF = 1024, 2048, 32, 3


def _mlp_params(key, dout):
    k1, k2, k3 = jax.random.split(key, 3)
    return {
        "W1": jax.random.normal(k1, (NEF, 64)) * 0.05, "b1": jnp.zeros((64,)),
        "W2": jax.random.normal(k2, (64, 64)) * 0.05, "b2": jnp.zeros((64,)),
        "W3": jax.random.normal(k3, (64, dout)) * 0.05, "b3": jnp.zeros((dout,)),
    }


def _conv_params(key, din, dout):
    k1, k2 = jax.random.split(key)
    return {"mlp": _mlp_params(k1, din * dout),
            "root": jax.random.normal(k2, (din, dout)) * 0.05,
            "bias": jnp.zeros((dout,))}


def setup_inputs(seed: int = 0) -> dict:
    key = jax.random.key(seed)
    ks = jax.random.split(key, 16)
    x = jax.random.normal(ks[0], (N_NODES, DIN), dtype=jnp.float32)
    edge_index = jax.random.randint(ks[1], (2, N_EDGES), 0, N_NODES, dtype=jnp.int32)
    edge_attr1 = jax.random.normal(ks[2], (N_EDGES, NEF), dtype=jnp.float32)
    edge_attr2 = jax.random.normal(ks[3], (N_EDGES, NEF), dtype=jnp.float32)
    batch = jnp.sort(jax.random.randint(ks[4], (N_NODES,), 0, N_GRAPHS, dtype=jnp.int32))
    params = {
        "conv_a": _conv_params(ks[5], DIN, D1),
        "conv_b": _conv_params(ks[6], D1, D2),
        "conv_c": _conv_params(ks[7], D2, D3),
        "conv_d": _conv_params(ks[8], D3, D4),
        "lin1W": jax.random.normal(ks[9], (D4, 128)) * 0.05, "lin1b": jnp.zeros((128,)),
        "lin2W": jax.random.normal(ks[10], (128, 64)) * 0.05, "lin2b": jnp.zeros((64,)),
        "lin3W": jax.random.normal(ks[11], (64, 64)) * 0.05, "lin3b": jnp.zeros((64,)),
        "outW": jax.random.normal(ks[12], (3 * 64, 1)) * 0.05, "outb": jnp.zeros((1,)),
    }
    return {"x": x, "edge_index": edge_index, "edge_attr1": edge_attr1,
            "edge_attr2": edge_attr2, "batch": batch, "params": params}


def _edge_mlp(p, e):
    h = jnp.maximum(e @ p["W1"] + p["b1"], 0.0)
    h = jnp.maximum(h @ p["W2"] + p["b2"], 0.0)
    return h @ p["W3"] + p["b3"]


def _nnconv(p, x, src, dst, edge_attr, din, dout):
    # NNConv: per-edge weight matrix from edge MLP, message = x_src @ W_e,
    # scatter-add into dst, plus root transform and bias (aggr='add').
    w = _edge_mlp(p["mlp"], edge_attr).reshape(-1, din, dout)
    msg = jnp.einsum("ei,eio->eo", jnp.take(x, src, axis=0), w)
    agg = jax.ops.segment_sum(msg, dst, num_segments=N_NODES)
    return agg + x @ p["root"] + p["bias"]


def reference(x, edge_index, edge_attr1, edge_attr2, batch, params):
    ea = edge_attr1 + edge_attr2
    src, dst = edge_index[0], edge_index[1]
    h = jnp.maximum(_nnconv(params["conv_a"], x, src, dst, ea, DIN, D1), 0.0)
    h = jnp.maximum(_nnconv(params["conv_b"], h, src, dst, ea, D1, D2), 0.0)
    h = jnp.maximum(_nnconv(params["conv_c"], h, src, dst, ea, D2, D3), 0.0)
    h = jnp.maximum(_nnconv(params["conv_d"], h, src, dst, ea, D3, D4), 0.0)
    h = h @ params["lin1W"] + params["lin1b"]
    h = h @ params["lin2W"] + params["lin2b"]
    h = h @ params["lin3W"] + params["lin3b"]
    # batch is sorted with contiguous graph ids 0..G-1, so the torch loops
    # (input/output/gnd indices) reduce to the 1st/2nd/3rd node of each graph.
    starts = jnp.searchsorted(batch, jnp.arange(N_GRAPHS, dtype=batch.dtype))
    feat = jnp.concatenate([h[starts], h[starts + 1], h[starts + 2]], axis=1)
    return feat @ params["outW"] + params["outb"]

if __name__ == "__main__":
    import jax
    _d = setup_inputs()
    print(jax.jit(kernel)(*tuple(_d.values())))

</pallas_src>

<mosaic_0001>
#map = affine_map<(d0, d1) -> (0, 0)>
#map1 = affine_map<(d0, d1) -> (0)>
module attributes {stable_mosaic.version = 14 : i64} {
  func.func @gather(%arg0: i32, %arg1: i32, %arg2: memref<1024x128xf32, #tpu.memory_space<hbm>>, %arg3: memref<2048xi32, #tpu.memory_space<hbm>>, %arg4: memref<2048x128xf32, #tpu.memory_space<hbm>>, %arg5: memref<64xi32, #tpu.memory_space<vmem>>, %arg6: memref<64x128xf32, #tpu.memory_space<vmem>>, %arg7: memref<!tpu.dma_semaphore, #tpu.memory_space<semaphore_mem>>) attributes {dimension_semantics = [#tpu.dimension_semantics<core_parallel>, #tpu.dimension_semantics<subcore_parallel>], iteration_bounds = array<i64: 2, 16>, scalar_prefetch = 0 : i64, scratch_operands = 3 : i64, tpu.core_type = #tpu.core_type<sc_vector_subcore>, window_params = [{transform_indices = #map}, {transform_indices = #map1}, {transform_indices = #map}]} {
    %mul3A = arith.constant 2 : i32
    %mul3A_0 = arith.muli %arg1, %mul3A : i32
    %add3A = arith.addi %mul3A_0, %arg0 : i32
    %mul3A_1 = arith.constant 64 : i32
    %mul3A_2 = arith.muli %add3A, %mul3A_1 : i32
    "tpu.region"() ({
      %run_scoped3A = tpu.sem_alloc : memref<!tpu.dma_semaphore, #tpu.memory_space<semaphore_mem>>
      %dma_start3A_7 = tpu.memref_slice %arg3[%mul3A_2] : memref<2048xi32, #tpu.memory_space<hbm>> -> memref<64xi32, #tpu.memory_space<hbm>>
      %dma_start3A_8 = tpu.memref_slice %arg3[%mul3A_2] : memref<2048xi32, #tpu.memory_space<hbm>> -> memref<64xi32, #tpu.memory_space<hbm>>
      tpu.enqueue_dma source(%dma_start3A_8 : memref<64xi32, #tpu.memory_space<hbm>>) target(%arg5 : memref<64xi32, #tpu.memory_space<vmem>>) target_semaphore(%run_scoped3A : memref<!tpu.dma_semaphore, #tpu.memory_space<semaphore_mem>>)
      %dma_wait3A_9 = tpu.memref_slice %arg3[%mul3A_2] : memref<2048xi32, #tpu.memory_space<hbm>> -> memref<64xi32, #tpu.memory_space<hbm>>
      %dma_wait3A_10 = tpu.memref_slice %arg3[%mul3A_2] : memref<2048xi32, #tpu.memory_space<hbm>> -> memref<64xi32, #tpu.memory_space<hbm>>
      tpu.wait_dma2 semaphore(%run_scoped3A : memref<!tpu.dma_semaphore, #tpu.memory_space<semaphore_mem>>) src(%dma_wait3A_10 : memref<64xi32, #tpu.memory_space<hbm>>) dst(%arg5 : memref<64xi32, #tpu.memory_space<vmem>>)
      tpu.yield
    }) : () -> ()
    %dma_start3A = arith.constant 0 : i32
    %dma_start3A_3 = arith.constant 0 : i32
    %dma_start3A_4 = tpu.memref_slice %arg2[%dma_start3A, %dma_start3A_3] : memref<1024x128xf32, #tpu.memory_space<hbm>> -> memref<1024x128xf32, #tpu.memory_space<hbm>>
    tpu.enqueue_indirect_dma source(%dma_start3A_4 : memref<1024x128xf32, #tpu.memory_space<hbm>>) target(%arg6 : memref<64x128xf32, #tpu.memory_space<vmem>>) offsets(%arg5 : memref<64xi32, #tpu.memory_space<vmem>>) semaphore(%arg7 : memref<!tpu.dma_semaphore, #tpu.memory_space<semaphore_mem>>)
    %dma_wait3A = arith.constant 0 : i32
    %dma_wait3A_5 = arith.constant 0 : i32
    %dma_wait3A_6 = tpu.memref_slice %arg2[%dma_wait3A, %dma_wait3A_5] : memref<1024x128xf32, #tpu.memory_space<hbm>> -> memref<1024x128xf32, #tpu.memory_space<hbm>>
    tpu.wait_indirect_dma semaphore(%arg7 : memref<!tpu.dma_semaphore, #tpu.memory_space<semaphore_mem>>) src(%dma_wait3A_6 : memref<1024x128xf32, #tpu.memory_space<hbm>>) dst(%arg6 : memref<64x128xf32, #tpu.memory_space<vmem>>)
    "tpu.region"() ({
      %run_scoped3A = tpu.sem_alloc : memref<!tpu.dma_semaphore, #tpu.memory_space<semaphore_mem>>
      %dma_start3A_7 = arith.constant 0 : i32
      %dma_start3A_8 = tpu.memref_slice %arg4[%mul3A_2, %dma_start3A_7] : memref<2048x128xf32, #tpu.memory_space<hbm>> -> memref<64x128xf32, #tpu.memory_space<hbm>>
      %dma_start3A_9 = arith.constant 0 : i32
      %dma_start3A_10 = tpu.memref_slice %arg4[%mul3A_2, %dma_start3A_9] : memref<2048x128xf32, #tpu.memory_space<hbm>> -> memref<64x128xf32, #tpu.memory_space<hbm>>
      tpu.enqueue_dma source(%arg6 : memref<64x128xf32, #tpu.memory_space<vmem>>) target(%dma_start3A_10 : memref<64x128xf32, #tpu.memory_space<hbm>>) target_semaphore(%run_scoped3A : memref<!tpu.dma_semaphore, #tpu.memory_space<semaphore_mem>>)
      %dma_wait3A_11 = arith.constant 0 : i32
      %dma_wait3A_12 = tpu.memref_slice %arg4[%mul3A_2, %dma_wait3A_11] : memref<2048x128xf32, #tpu.memory_space<hbm>> -> memref<64x128xf32, #tpu.memory_space<hbm>>
      %dma_wait3A_13 = arith.constant 0 : i32
      %dma_wait3A_14 = tpu.memref_slice %arg4[%mul3A_2, %dma_wait3A_13] : memref<2048x128xf32, #tpu.memory_space<hbm>> -> memref<64x128xf32, #tpu.memory_space<hbm>>
      tpu.wait_dma2 semaphore(%run_scoped3A : memref<!tpu.dma_semaphore, #tpu.memory_space<semaphore_mem>>) src(%arg6 : memref<64x128xf32, #tpu.memory_space<vmem>>) dst(%dma_wait3A_14 : memref<64x128xf32, #tpu.memory_space<hbm>>)
      tpu.yield
    }) : () -> ()
    return
  }
}

#map = affine_map<(d0, d1) -> (0, 0)>
#map1 = affine_map<(d0, d1) -> (0)>
module attributes {stable_mosaic.version = 14 : i64} {
  func.func @gather(%arg0: i32, %arg1: i32, %arg2: memref<1024x128xf32, #tpu.memory_space<hbm>>, %arg3: memref<2048xi32, #tpu.memory_space<hbm>>, %arg4: memref<2048x128xf32, #tpu.memory_space<hbm>>, %arg5: memref<64xi32, #tpu.memory_space<vmem>>, %arg6: memref<64x128xf32, #tpu.memory_space<vmem>>, %arg7: memref<!tpu.dma_semaphore, #tpu.memory_space<semaphore_mem>>) attributes {dimension_semantics = [#tpu.dimension_semantics<core_parallel>, #tpu.dimension_semantics<subcore_parallel>], iteration_bounds = array<i64: 2, 16>, scalar_prefetch = 0 : i64, scratch_operands = 3 : i64, tpu.core_type = #tpu.core_type<sc_vector_subcore>, window_params = [{transform_indices = #map}, {transform_indices = #map1}, {transform_indices = #map}]} {
    %mul3A = arith.constant 2 : i32
    %mul3A_0 = arith.muli %arg1, %mul3A : i32
    %add3A = arith.addi %mul3A_0, %arg0 : i32
    %mul3A_1 = arith.constant 64 : i32
    %mul3A_2 = arith.muli %add3A, %mul3A_1 : i32
    "tpu.region"() ({
      %run_scoped3A = tpu.sem_alloc : memref<!tpu.dma_semaphore, #tpu.memory_space<semaphore_mem>>
      %dma_start3A_7 = tpu.memref_slice %arg3[%mul3A_2] : memref<2048xi32, #tpu.memory_space<hbm>> -> memref<64xi32, #tpu.memory_space<hbm>>
      %dma_start3A_8 = tpu.memref_slice %arg3[%mul3A_2] : memref<2048xi32, #tpu.memory_space<hbm>> -> memref<64xi32, #tpu.memory_space<hbm>>
      tpu.enqueue_dma source(%dma_start3A_8 : memref<64xi32, #tpu.memory_space<hbm>>) target(%arg5 : memref<64xi32, #tpu.memory_space<vmem>>) target_semaphore(%run_scoped3A : memref<!tpu.dma_semaphore, #tpu.memory_space<semaphore_mem>>)
      %dma_wait3A_9 = tpu.memref_slice %arg3[%mul3A_2] : memref<2048xi32, #tpu.memory_space<hbm>> -> memref<64xi32, #tpu.memory_space<hbm>>
      %dma_wait3A_10 = tpu.memref_slice %arg3[%mul3A_2] : memref<2048xi32, #tpu.memory_space<hbm>> -> memref<64xi32, #tpu.memory_space<hbm>>
      tpu.wait_dma2 semaphore(%run_scoped3A : memref<!tpu.dma_semaphore, #tpu.memory_space<semaphore_mem>>) src(%dma_wait3A_10 : memref<64xi32, #tpu.memory_space<hbm>>) dst(%arg5 : memref<64xi32, #tpu.memory_space<vmem>>)
      tpu.yield
    }) : () -> ()
    %dma_start3A = arith.constant 0 : i32
    %dma_start3A_3 = arith.constant 0 : i32
    %dma_start3A_4 = tpu.memref_slice %arg2[%dma_start3A, %dma_start3A_3] : memref<1024x128xf32, #tpu.memory_space<hbm>> -> memref<1024x128xf32, #tpu.memory_space<hbm>>
    tpu.enqueue_indirect_dma source(%dma_start3A_4 : memref<1024x128xf32, #tpu.memory_space<hbm>>) target(%arg6 : memref<64x128xf32, #tpu.memory_space<vmem>>) offsets(%arg5 : memref<64xi32, #tpu.memory_space<vmem>>) semaphore(%arg7 : memref<!tpu.dma_semaphore, #tpu.memory_space<semaphore_mem>>)
    %dma_wait3A = arith.constant 0 : i32
    %dma_wait3A_5 = arith.constant 0 : i32
    %dma_wait3A_6 = tpu.memref_slice %arg2[%dma_wait3A, %dma_wait3A_5] : memref<1024x128xf32, #tpu.memory_space<hbm>> -> memref<1024x128xf32, #tpu.memory_space<hbm>>
    tpu.wait_indirect_dma semaphore(%arg7 : memref<!tpu.dma_semaphore, #tpu.memory_space<semaphore_mem>>) src(%dma_wait3A_6 : memref<1024x128xf32, #tpu.memory_space<hbm>>) dst(%arg6 : memref<64x128xf32, #tpu.memory_space<vmem>>)
    "tpu.region"() ({
      %run_scoped3A = tpu.sem_alloc : memref<!tpu.dma_semaphore, #tpu.memory_space<semaphore_mem>>
      %dma_start3A_7 = arith.constant 0 : i32
      %dma_start3A_8 = tpu.memref_slice %arg4[%mul3A_2, %dma_start3A_7] : memref<2048x128xf32, #tpu.memory_space<hbm>> -> memref<64x128xf32, #tpu.memory_space<hbm>>
      %dma_start3A_9 = arith.constant 0 : i32
      %dma_start3A_10 = tpu.memref_slice %arg4[%mul3A_2, %dma_start3A_9] : memref<2048x128xf32, #tpu.memory_space<hbm>> -> memref<64x128xf32, #tpu.memory_space<hbm>>
      tpu.enqueue_dma source(%arg6 : memref<64x128xf32, #tpu.memory_space<vmem>>) target(%dma_start3A_10 : memref<64x128xf32, #tpu.memory_space<hbm>>) target_semaphore(%run_scoped3A : memref<!tpu.dma_semaphore, #tpu.memory_space<semaphore_mem>>)
      %dma_wait3A_11 = arith.constant 0 : i32
      %dma_wait3A_12 = tpu.memref_slice %arg4[%mul3A_2, %dma_wait3A_11] : memref<2048x128xf32, #tpu.memory_space<hbm>> -> memref<64x128xf32, #tpu.memory_space<hbm>>
      %dma_wait3A_13 = arith.constant 0 : i32
      %dma_wait3A_14 = tpu.memref_slice %arg4[%mul3A_2, %dma_wait3A_13] : memref<2048x128xf32, #tpu.memory_space<hbm>> -> memref<64x128xf32, #tpu.memory_space<hbm>>
      tpu.wait_dma2 semaphore(%run_scoped3A : memref<!tpu.dma_semaphore, #tpu.memory_space<semaphore_mem>>) src(%arg6 : memref<64x128xf32, #tpu.memory_space<vmem>>) dst(%dma_wait3A_14 : memref<64x128xf32, #tpu.memory_space<hbm>>)
      tpu.yield
    }) : () -> ()
    return
  }
}

#map = affine_map<(d0, d1) -> (0, 0)>
#map1 = affine_map<(d0, d1) -> (0)>
module attributes {stable_mosaic.version = 14 : i64} {
  func.func @gather(%arg0: i32, %arg1: i32, %arg2: memref<1024x256xf32, #tpu.memory_space<hbm>>, %arg3: memref<2048xi32, #tpu.memory_space<hbm>>, %arg4: memref<2048x256xf32, #tpu.memory_space<hbm>>, %arg5: memref<64xi32, #tpu.memory_space<vmem>>, %arg6: memref<64x256xf32, #tpu.memory_space<vmem>>, %arg7: memref<!tpu.dma_semaphore, #tpu.memory_space<semaphore_mem>>) attributes {dimension_semantics = [#tpu.dimension_semantics<core_parallel>, #tpu.dimension_semantics<subcore_parallel>], iteration_bounds = array<i64: 2, 16>, scalar_prefetch = 0 : i64, scratch_operands = 3 : i64, tpu.core_type = #tpu.core_type<sc_vector_subcore>, window_params = [{transform_indices = #map}, {transform_indices = #map1}, {transform_indices = #map}]} {
    %mul3A = arith.constant 2 : i32
    %mul3A_0 = arith.muli %arg1, %mul3A : i32
    %add3A = arith.addi %mul3A_0, %arg0 : i32
    %mul3A_1 = arith.constant 64 : i32
    %mul3A_2 = arith.muli %add3A, %mul3A_1 : i32
    "tpu.region"() ({
      %run_scoped3A = tpu.sem_alloc : memref<!tpu.dma_semaphore, #tpu.memory_space<semaphore_mem>>
      %dma_start3A_7 = tpu.memref_slice %arg3[%mul3A_2] : memref<2048xi32, #tpu.memory_space<hbm>> -> memref<64xi32, #tpu.memory_space<hbm>>
      %dma_start3A_8 = tpu.memref_slice %arg3[%mul3A_2] : memref<2048xi32, #tpu.memory_space<hbm>> -> memref<64xi32, #tpu.memory_space<hbm>>
      tpu.enqueue_dma source(%dma_start3A_8 : memref<64xi32, #tpu.memory_space<hbm>>) target(%arg5 : memref<64xi32, #tpu.memory_space<vmem>>) target_semaphore(%run_scoped3A : memref<!tpu.dma_semaphore, #tpu.memory_space<semaphore_mem>>)
      %dma_wait3A_9 = tpu.memref_slice %arg3[%mul3A_2] : memref<2048xi32, #tpu.memory_space<hbm>> -> memref<64xi32, #tpu.memory_space<hbm>>
      %dma_wait3A_10 = tpu.memref_slice %arg3[%mul3A_2] : memref<2048xi32, #tpu.memory_space<hbm>> -> memref<64xi32, #tpu.memory_space<hbm>>
      tpu.wait_dma2 semaphore(%run_scoped3A : memref<!tpu.dma_semaphore, #tpu.memory_space<semaphore_mem>>) src(%dma_wait3A_10 : memref<64xi32, #tpu.memory_space<hbm>>) dst(%arg5 : memref<64xi32, #tpu.memory_space<vmem>>)
      tpu.yield
    }) : () -> ()
    %dma_start3A = arith.constant 0 : i32
    %dma_start3A_3 = arith.constant 0 : i32
    %dma_start3A_4 = tpu.memref_slice %arg2[%dma_start3A, %dma_start3A_3] : memref<1024x256xf32, #tpu.memory_space<hbm>> -> memref<1024x256xf32, #tpu.memory_space<hbm>>
    tpu.enqueue_indirect_dma source(%dma_start3A_4 : memref<1024x256xf32, #tpu.memory_space<hbm>>) target(%arg6 : memref<64x256xf32, #tpu.memory_space<vmem>>) offsets(%arg5 : memref<64xi32, #tpu.memory_space<vmem>>) semaphore(%arg7 : memref<!tpu.dma_semaphore, #tpu.memory_space<semaphore_mem>>)
    %dma_wait3A = arith.constant 0 : i32
    %dma_wait3A_5 = arith.constant 0 : i32
    %dma_wait3A_6 = tpu.memref_slice %arg2[%dma_wait3A, %dma_wait3A_5] : memref<1024x256xf32, #tpu.memory_space<hbm>> -> memref<1024x256xf32, #tpu.memory_space<hbm>>
    tpu.wait_indirect_dma semaphore(%arg7 : memref<!tpu.dma_semaphore, #tpu.memory_space<semaphore_mem>>) src(%dma_wait3A_6 : memref<1024x256xf32, #tpu.memory_space<hbm>>) dst(%arg6 : memref<64x256xf32, #tpu.memory_space<vmem>>)
    "tpu.region"() ({
      %run_scoped3A = tpu.sem_alloc : memref<!tpu.dma_semaphore, #tpu.memory_space<semaphore_mem>>
      %dma_start3A_7 = arith.constant 0 : i32
      %dma_start3A_8 = tpu.memref_slice %arg4[%mul3A_2, %dma_start3A_7] : memref<2048x256xf32, #tpu.memory_space<hbm>> -> memref<64x256xf32, #tpu.memory_space<hbm>>
      %dma_start3A_9 = arith.constant 0 : i32
      %dma_start3A_10 = tpu.memref_slice %arg4[%mul3A_2, %dma_start3A_9] : memref<2048x256xf32, #tpu.memory_space<hbm>> -> memref<64x256xf32, #tpu.memory_space<hbm>>
      tpu.enqueue_dma source(%arg6 : memref<64x256xf32, #tpu.memory_space<vmem>>) target(%dma_start3A_10 : memref<64x256xf32, #tpu.memory_space<hbm>>) target_semaphore(%run_scoped3A : memref<!tpu.dma_semaphore, #tpu.memory_space<semaphore_mem>>)
      %dma_wait3A_11 = arith.constant 0 : i32
      %dma_wait3A_12 = tpu.memref_slice %arg4[%mul3A_2, %dma_wait3A_11] : memref<2048x256xf32, #tpu.memory_space<hbm>> -> memref<64x256xf32, #tpu.memory_space<hbm>>
      %dma_wait3A_13 = arith.constant 0 : i32
      %dma_wait3A_14 = tpu.memref_slice %arg4[%mul3A_2, %dma_wait3A_13] : memref<2048x256xf32, #tpu.memory_space<hbm>> -> memref<64x256xf32, #tpu.memory_space<hbm>>
      tpu.wait_dma2 semaphore(%run_scoped3A : memref<!tpu.dma_semaphore, #tpu.memory_space<semaphore_mem>>) src(%arg6 : memref<64x256xf32, #tpu.memory_space<vmem>>) dst(%dma_wait3A_14 : memref<64x256xf32, #tpu.memory_space<hbm>>)
      tpu.yield
    }) : () -> ()
    return
  }
}

#map = affine_map<(d0, d1) -> (0, 0)>
#map1 = affine_map<(d0, d1) -> (0)>
module attributes {stable_mosaic.version = 14 : i64} {
  func.func @gather(%arg0: i32, %arg1: i32, %arg2: memref<1024x128xf32, #tpu.memory_space<hbm>>, %arg3: memref<2048xi32, #tpu.memory_space<hbm>>, %arg4: memref<2048x128xf32, #tpu.memory_space<hbm>>, %arg5: memref<64xi32, #tpu.memory_space<vmem>>, %arg6: memref<64x128xf32, #tpu.memory_space<vmem>>, %arg7: memref<!tpu.dma_semaphore, #tpu.memory_space<semaphore_mem>>) attributes {dimension_semantics = [#tpu.dimension_semantics<core_parallel>, #tpu.dimension_semantics<subcore_parallel>], iteration_bounds = array<i64: 2, 16>, scalar_prefetch = 0 : i64, scratch_operands = 3 : i64, tpu.core_type = #tpu.core_type<sc_vector_subcore>, window_params = [{transform_indices = #map}, {transform_indices = #map1}, {transform_indices = #map}]} {
    %mul3A = arith.constant 2 : i32
    %mul3A_0 = arith.muli %arg1, %mul3A : i32
    %add3A = arith.addi %mul3A_0, %arg0 : i32
    %mul3A_1 = arith.constant 64 : i32
    %mul3A_2 = arith.muli %add3A, %mul3A_1 : i32
    "tpu.region"() ({
      %run_scoped3A = tpu.sem_alloc : memref<!tpu.dma_semaphore, #tpu.memory_space<semaphore_mem>>
      %dma_start3A_7 = tpu.memref_slice %arg3[%mul3A_2] : memref<2048xi32, #tpu.memory_space<hbm>> -> memref<64xi32, #tpu.memory_space<hbm>>
      %dma_start3A_8 = tpu.memref_slice %arg3[%mul3A_2] : memref<2048xi32, #tpu.memory_space<hbm>> -> memref<64xi32, #tpu.memory_space<hbm>>
      tpu.enqueue_dma source(%dma_start3A_8 : memref<64xi32, #tpu.memory_space<hbm>>) target(%arg5 : memref<64xi32, #tpu.memory_space<vmem>>) target_semaphore(%run_scoped3A : memref<!tpu.dma_semaphore, #tpu.memory_space<semaphore_mem>>)
      %dma_wait3A_9 = tpu.memref_slice %arg3[%mul3A_2] : memref<2048xi32, #tpu.memory_space<hbm>> -> memref<64xi32, #tpu.memory_space<hbm>>
      %dma_wait3A_10 = tpu.memref_slice %arg3[%mul3A_2] : memref<2048xi32, #tpu.memory_space<hbm>> -> memref<64xi32, #tpu.memory_space<hbm>>
      tpu.wait_dma2 semaphore(%run_scoped3A : memref<!tpu.dma_semaphore, #tpu.memory_space<semaphore_mem>>) src(%dma_wait3A_10 : memref<64xi32, #tpu.memory_space<hbm>>) dst(%arg5 : memref<64xi32, #tpu.memory_space<vmem>>)
      tpu.yield
    }) : () -> ()
    %dma_start3A = arith.constant 0 : i32
    %dma_start3A_3 = arith.constant 0 : i32
    %dma_start3A_4 = tpu.memref_slice %arg2[%dma_start3A, %dma_start3A_3] : memref<1024x128xf32, #tpu.memory_space<hbm>> -> memref<1024x128xf32, #tpu.memory_space<hbm>>
    tpu.enqueue_indirect_dma source(%dma_start3A_4 : memref<1024x128xf32, #tpu.memory_space<hbm>>) target(%arg6 : memref<64x128xf32, #tpu.memory_space<vmem>>) offsets(%arg5 : memref<64xi32, #tpu.memory_space<vmem>>) semaphore(%arg7 : memref<!tpu.dma_semaphore, #tpu.memory_space<semaphore_mem>>)
    %dma_wait3A = arith.constant 0 : i32
    %dma_wait3A_5 = arith.constant 0 : i32
    %dma_wait3A_6 = tpu.memref_slice %arg2[%dma_wait3A, %dma_wait3A_5] : memref<1024x128xf32, #tpu.memory_space<hbm>> -> memref<1024x128xf32, #tpu.memory_space<hbm>>
    tpu.wait_indirect_dma semaphore(%arg7 : memref<!tpu.dma_semaphore, #tpu.memory_space<semaphore_mem>>) src(%dma_wait3A_6 : memref<1024x128xf32, #tpu.memory_space<hbm>>) dst(%arg6 : memref<64x128xf32, #tpu.memory_space<vmem>>)
    "tpu.region"() ({
      %run_scoped3A = tpu.sem_alloc : memref<!tpu.dma_semaphore, #tpu.memory_space<semaphore_mem>>
      %dma_start3A_7 = arith.constant 0 : i32
      %dma_start3A_8 = tpu.memref_slice %arg4[%mul3A_2, %dma_start3A_7] : memref<2048x128xf32, #tpu.memory_space<hbm>> -> memref<64x128xf32, #tpu.memory_space<hbm>>
      %dma_start3A_9 = arith.constant 0 : i32
      %dma_start3A_10 = tpu.memref_slice %arg4[%mul3A_2, %dma_start3A_9] : memref<2048x128xf32, #tpu.memory_space<hbm>> -> memref<64x128xf32, #tpu.memory_space<hbm>>
      tpu.enqueue_dma source(%arg6 : memref<64x128xf32, #tpu.memory_space<vmem>>) target(%dma_start3A_10 : memref<64x128xf32, #tpu.memory_space<hbm>>) target_semaphore(%run_scoped3A : memref<!tpu.dma_semaphore, #tpu.memory_space<semaphore_mem>>)
      %dma_wait3A_11 = arith.constant 0 : i32
      %dma_wait3A_12 = tpu.memref_slice %arg4[%mul3A_2, %dma_wait3A_11] : memref<2048x128xf32, #tpu.memory_space<hbm>> -> memref<64x128xf32, #tpu.memory_space<hbm>>
      %dma_wait3A_13 = arith.constant 0 : i32
      %dma_wait3A_14 = tpu.memref_slice %arg4[%mul3A_2, %dma_wait3A_13] : memref<2048x128xf32, #tpu.memory_space<hbm>> -> memref<64x128xf32, #tpu.memory_space<hbm>>
      tpu.wait_dma2 semaphore(%run_scoped3A : memref<!tpu.dma_semaphore, #tpu.memory_space<semaphore_mem>>) src(%arg6 : memref<64x128xf32, #tpu.memory_space<vmem>>) dst(%dma_wait3A_14 : memref<64x128xf32, #tpu.memory_space<hbm>>)
      tpu.yield
    }) : () -> ()
    return
  }
}

module attributes {stable_mosaic.version = 14 : i64} {
  func.func @_msg_body(%arg0: i32, %arg1: memref<1024x128xf32, #tpu.memory_space<vmem>>, %arg2: memref<2048x128xf32, #tpu.memory_space<vmem>>, %arg3: memref<1x2048xi32, #tpu.memory_space<vmem>>, %arg4: memref<2048x3xf32, #tpu.memory_space<vmem>>, %arg5: memref<2048x3xf32, #tpu.memory_space<vmem>>, %arg6: memref<3x64xf32, #tpu.memory_space<vmem>>, %arg7: memref<1x64xf32, #tpu.memory_space<vmem>>, %arg8: memref<64x64xf32, #tpu.memory_space<vmem>>, %arg9: memref<1x64xf32, #tpu.memory_space<vmem>>, %arg10: memref<4x4096xbf16, #tpu.memory_space<vmem>>, %arg11: memref<4x64xf32, #tpu.memory_space<vmem>>, %arg12: memref<4x64xf32, #tpu.memory_space<vmem>>, %arg13: memref<1x64xf32, #tpu.memory_space<vmem>>, %arg14: memref<1024x128xf32, #tpu.memory_space<vmem>>, %arg15: memref<1x2048x64xbf16, #tpu.memory_space<vmem>>, %arg16: memref<2048x4xbf16, #tpu.memory_space<vmem>>, %arg17: memref<2048x64xf32, #tpu.memory_space<vmem>>) attributes {dimension_semantics = [#tpu.dimension_semantics<arbitrary>], iteration_bounds = array<i64: 1>, scalar_prefetch = 0 : i64, scratch_operands = 3 : i64, tpu.core_type = #tpu.core_type<tc>, window_params = [{pipeline_mode = #tpu.pipeline_mode<synchronous>, transform_indices = @transform_0, window_bounds = array<i64: 1024, 128>}, {pipeline_mode = #tpu.pipeline_mode<synchronous>, transform_indices = @transform_1, window_bounds = array<i64: 2048, 128>}, {pipeline_mode = #tpu.pipeline_mode<synchronous>, transform_indices = @transform_2, window_bounds = array<i64: 1, 2048>}, {pipeline_mode = #tpu.pipeline_mode<synchronous>, transform_indices = @transform_3, window_bounds = array<i64: 2048, 3>}, {pipeline_mode = #tpu.pipeline_mode<synchronous>, transform_indices = @transform_4, window_bounds = array<i64: 2048, 3>}, {pipeline_mode = #tpu.pipeline_mode<synchronous>, transform_indices = @transform_5, window_bounds = array<i64: 3, 64>}, {pipeline_mode = #tpu.pipeline_mode<synchronous>, transform_indices = @transform_6, window_bounds = array<i64: 1, 64>}, {pipeline_mode = #tpu.pipeline_mode<synchronous>, transform_indices = @transform_7, window_bounds = array<i64: 64, 64>}, {pipeline_mode = #tpu.pipeline_mode<synchronous>, transform_indices = @transform_8, window_bounds = array<i64: 1, 64>}, {transform_indices = @transform_9, window_bounds = array<i64: 4, 4096>}, {pipeline_mode = #tpu.pipeline_mode<synchronous>, transform_indices = @transform_10, window_bounds = array<i64: 4, 64>}, {pipeline_mode = #tpu.pipeline_mode<synchronous>, transform_indices = @transform_11, window_bounds = array<i64: 4, 64>}, {pipeline_mode = #tpu.pipeline_mode<synchronous>, transform_indices = @transform_12, window_bounds = array<i64: 1, 64>}, {pipeline_mode = #tpu.pipeline_mode<synchronous>, transform_indices = @transform_13, window_bounds = array<i64: 1024, 128>}]} {
    %eq3A = arith.constant 0 : i32
    %eq3A_0 = arith.cmpi eq, %arg0, %eq3A : i32
    %convert_element_type3A = arith.extui %eq3A_0 : i1 to i32
    %cond3A = arith.constant 0 : i32
    %cond3A_1 = arith.cmpi ne, %convert_element_type3A, %cond3A : i32
    scf.if %cond3A_1 {
      %get3A_341 = arith.constant 0 : index
      %get3A_342 = arith.constant 0 : index
      %get3A_343 = vector.load %arg4[%get3A_341, %get3A_342] : memref<2048x3xf32, #tpu.memory_space<vmem>>, vector<2048x3xf32>
      %get3A_344 = arith.constant 0 : index
      %get3A_345 = arith.constant 0 : index
      %get3A_346 = vector.load %arg5[%get3A_344, %get3A_345] : memref<2048x3xf32, #tpu.memory_space<vmem>>, vector<2048x3xf32>
      %add3A_347 = arith.addf %get3A_343, %get3A_346 : vector<2048x3xf32>
      %get3A_348 = arith.constant 0 : index
      %get3A_349 = arith.constant 0 : index
      %get3A_350 = vector.load %arg6[%get3A_348, %get3A_349] : memref<3x64xf32, #tpu.memory_space<vmem>>, vector<3x64xf32>
      %dot_general3A_351 = arith.constant dense<0.000000e+00> : vector<2048x64xf32>
      %dot_general3A_352 = tpu.matmul %add3A_347, %get3A_350, %dot_general3A_351 {dimension_numbers = #tpu.dot_dimension_numbers<[1], [0], [0], [1], [0, 0, 1, 1], [], []>, transpose_lhs_hint = false} : vector<2048x3xf32>, vector<3x64xf32>, vector<2048x64xf32> -> vector<2048x64xf32>
      %get3A_353 = arith.constant 0 : index
      %get3A_354 = arith.constant 0 : index
      %get3A_355 = vector.load %arg7[%get3A_353, %get3A_354] : memref<1x64xf32, #tpu.memory_space<vmem>>, vector<1x64xf32>
      %add3A_356 = vector.broadcast %get3A_355 : vector<1x64xf32> to vector<2048x64xf32>
      %add3A_357 = arith.addf %dot_general3A_352, %add3A_356 : vector<2048x64xf32>
      %max3A = arith.constant 0.000000e+00 : f32
      %max3A_358 = vector.broadcast %max3A : f32 to vector<2048x64xf32>
      %max3A_359 = arith.maximumf %add3A_357, %max3A_358 : vector<2048x64xf32>
      %get3A_360 = arith.constant 0 : index
      %get3A_361 = arith.constant 0 : index
      %get3A_362 = vector.load %arg8[%get3A_360, %get3A_361] : memref<64x64xf32, #tpu.memory_space<vmem>>, vector<64x64xf32>
      %dot_general3A_363 = arith.constant dense<0.000000e+00> : vector<2048x64xf32>
      %dot_general3A_364 = tpu.matmul %max3A_359, %get3A_362, %dot_general3A_363 {dimension_numbers = #tpu.dot_dimension_numbers<[1], [0], [0], [1], [0, 0, 1, 1], [], []>, transpose_lhs_hint = false} : vector<2048x64xf32>, vector<64x64xf32>, vector<2048x64xf32> -> vector<2048x64xf32>
      %get3A_365 = arith.constant 0 : index
      %get3A_366 = arith.constant 0 : index
      %get3A_367 = vector.load %arg9[%get3A_365, %get3A_366] : memref<1x64xf32, #tpu.memory_space<vmem>>, vector<1x64xf32>
      %add3A_368 = vector.broadcast %get3A_367 : vector<1x64xf32> to vector<2048x64xf32>
      %add3A_369 = arith.addf %dot_general3A_364, %add3A_368 : vector<2048x64xf32>
      %max3A_370 = arith.constant 0.000000e+00 : f32
      %max3A_371 = vector.broadcast %max3A_370 : f32 to vector<2048x64xf32>
      %max3A_372 = arith.maximumf %add3A_369, %max3A_371 : vector<2048x64xf32>
      %convert_element_type3A_373 = arith.truncf %max3A_372 : vector<2048x64xf32> to vector<2048x64xbf16>
      %swap3A_374 = arith.constant 0 : index
      %swap3A_375 = arith.constant 0 : index
      %swap3A_376 = arith.constant 0 : index
      %swap3A_377 = vector.load %arg15[%swap3A_374, %swap3A_375, %swap3A_376] : memref<1x2048x64xbf16, #tpu.memory_space<vmem>>, vector<1x2048x64xbf16>
      %swap3A_378 = vector.shape_cast %swap3A_377 : vector<1x2048x64xbf16> to vector<2048x64xbf16>
      %swap3A_379 = vector.shape_cast %convert_element_type3A_373 : vector<2048x64xbf16> to vector<1x2048x64xbf16>
      tpu.vector_store %arg15[%swap3A_374, %swap3A_375, %swap3A_376], %swap3A_379 {strides = array<i32>} : memref<1x2048x64xbf16, #tpu.memory_space<vmem>>, vector<1x2048x64xbf16>,
      %get3A_380 = arith.constant 0 : index
      %get3A_381 = arith.constant 0 : index
      %get3A_382 = vector.load %arg2[%get3A_380, %get3A_381] : memref<2048x128xf32, #tpu.memory_space<vmem>>, vector<2048x128xf32>
      %slice3A_383 = vector.extract_strided_slice %get3A_382 {offsets = [0, 0], sizes = [2048, 4], strides = [1, 1]} : vector<2048x128xf32> to vector<2048x4xf32>
      %convert_element_type3A_384 = arith.truncf %slice3A_383 : vector<2048x4xf32> to vector<2048x4xbf16>
      %swap3A_385 = arith.constant 0 : index
      %swap3A_386 = arith.constant 0 : index
      %swap3A_387 = vector.load %arg16[%swap3A_385, %swap3A_386] : memref<2048x4xbf16, #tpu.memory_space<vmem>>, vector<2048x4xbf16>
      tpu.vector_store %arg16[%swap3A_385, %swap3A_386], %convert_element_type3A_384 {strides = array<i32>} : memref<2048x4xbf16, #tpu.memory_space<vmem>>, vector<2048x4xbf16>,
      %get3A_388 = arith.constant 0 : index
      %get3A_389 = arith.constant 0 : index
      %get3A_390 = vector.load %arg11[%get3A_388, %get3A_389] : memref<4x64xf32, #tpu.memory_space<vmem>>, vector<4x64xf32>
      %dot_general3A_391 = arith.constant dense<0.000000e+00> : vector<2048x64xf32>
      %dot_general3A_392 = tpu.matmul %slice3A_383, %get3A_390, %dot_general3A_391 {dimension_numbers = #tpu.dot_dimension_numbers<[1], [0], [0], [1], [0, 0, 1, 1], [], []>, transpose_lhs_hint = false} : vector<2048x4xf32>, vector<4x64xf32>, vector<2048x64xf32> -> vector<2048x64xf32>
      %swap3A_393 = arith.constant 0 : index
      %swap3A_394 = arith.constant 0 : index
      %swap3A_395 = vector.load %arg17[%swap3A_393, %swap3A_394] : memref<2048x64xf32, #tpu.memory_space<vmem>>, vector<2048x64xf32>
      tpu.vector_store %arg17[%swap3A_393, %swap3A_394], %dot_general3A_392 {strides = array<i32>} : memref<2048x64xf32, #tpu.memory_space<vmem>>, vector<2048x64xf32>,
    } else {
    }
    %get3A = arith.index_cast %arg0 : i32 to index
    %get3A_2 = arith.constant 0 : index
    %get3A_3 = arith.constant 0 : index
    %get3A_4 = vector.load %arg15[%get3A, %get3A_2, %get3A_3] : memref<1x2048x64xbf16, #tpu.memory_space<vmem>>, vector<1x2048x64xbf16>
    %get3A_5 = vector.shape_cast %get3A_4 : vector<1x2048x64xbf16> to vector<2048x64xbf16>
    %convert_element_type3A_6 = arith.extf %get3A_5 : vector<2048x64xbf16> to vector<2048x64xf32>
    %get3A_7 = arith.constant 0 : index
    %get3A_8 = arith.constant 0 : index
    %get3A_9 = vector.load %arg16[%get3A_7, %get3A_8] : memref<2048x4xbf16, #tpu.memory_space<vmem>>, vector<2048x4xbf16>
    %get3A_10 = arith.constant 0 : index
    %get3A_11 = arith.constant 0 : index
    %get3A_12 = vector.load %arg10[%get3A_10, %get3A_11] : memref<4x4096xbf16, #tpu.memory_space<vmem>>, vector<4x4096xbf16>
    %dot_general3A = arith.constant dense<0.000000e+00> : vector<2048x4096xf32>
    %dot_general3A_13 = tpu.matmul %get3A_9, %get3A_12, %dot_general3A {dimension_numbers = #tpu.dot_dimension_numbers<[1], [0], [0], [1], [0, 0, 1, 1], [], []>, transpose_lhs_hint = false} : vector<2048x4xbf16>, vector<4x4096xbf16>, vector<2048x4096xf32> -> vector<2048x4096xf32>
    %get3A_14 = arith.constant 0 : index
    %get3A_15 = arith.constant 0 : index
    %get3A_16 = vector.load %arg17[%get3A_14, %get3A_15] : memref<2048x64xf32, #tpu.memory_space<vmem>>, vector<2048x64xf32>
    %slice3A = vector.extract_strided_slice %convert_element_type3A_6 {offsets = [0, 0], sizes = [2048, 1], strides = [1, 1]} : vector<2048x64xf32> to vector<2048x1xf32>
    %slice3A_17 = vector.extract_strided_slice %dot_general3A_13 {offsets = [0, 0], sizes = [2048, 64], strides = [1, 1]} : vector<2048x4096xf32> to vector<2048x64xf32>
    %mul3A = vector.broadcast %slice3A : vector<2048x1xf32> to vector<2048x64xf32>
    %mul3A_18 = arith.mulf %mul3A, %slice3A_17 : vector<2048x64xf32>
    %add3A = arith.addf %get3A_16, %mul3A_18 : vector<2048x64xf32>
    %slice3A_19 = vector.extract_strided_slice %convert_element_type3A_6 {offsets = [0, 1], sizes = [2048, 1], strides = [1, 1]} : vector<2048x64xf32> to vector<2048x1xf32>
    %slice3A_20 = vector.extract_strided_slice %dot_general3A_13 {offsets = [0, 64], sizes = [2048, 64], strides = [1, 1]} : vector<2048x4096xf32> to vector<2048x64xf32>
    %mul3A_21 = vector.broadcast %slice3A_19 : vector<2048x1xf32> to vector<2048x64xf32>
    %mul3A_22 = arith.mulf %mul3A_21, %slice3A_20 : vector<2048x64xf32>
    %add3A_23 = arith.addf %add3A, %mul3A_22 : vector<2048x64xf32>
    %slice3A_24 = vector.extract_strided_slice %convert_element_type3A_6 {offsets = [0, 2], sizes = [2048, 1], strides = [1, 1]} : vector<2048x64xf32> to vector<2048x1xf32>
    %slice3A_25 = vector.extract_strided_slice %dot_general3A_13 {offsets = [0, 128], sizes = [2048, 64], strides = [1, 1]} : vector<2048x4096xf32> to vector<2048x64xf32>
    %mul3A_26 = vector.broadcast %slice3A_24 : vector<2048x1xf32> to vector<2048x64xf32>
    %mul3A_27 = arith.mulf %mul3A_26, %slice3A_25 : vector<2048x64xf32>
    %add3A_28 = arith.addf %add3A_23, %mul3A_27 : vector<2048x64xf32>
    %slice3A_29 = vector.extract_strided_slice %convert_element_type3A_6 {offsets = [0, 3], sizes = [2048, 1], strides = [1, 1]} : vector<2048x64xf32> to vector<2048x1xf32>
    %slice3A_30 = vector.extract_strided_slice %dot_general3A_13 {offsets = [0, 192], sizes = [2048, 64], strides = [1, 1]} : vector<2048x4096xf32> to vector<2048x64xf32>
    %mul3A_31 = vector.broadcast %slice3A_29 : vector<2048x1xf32> to vector<2048x64xf32>
    %mul3A_32 = arith.mulf %mul3A_31, %slice3A_30 : vector<2048x64xf32>
    %add3A_33 = arith.addf %add3A_28, %mul3A_32 : vector<2048x64xf32>
    %slice3A_34 = vector.extract_strided_slice %convert_element_type3A_6 {offsets = [0, 4], sizes = [2048, 1], strides = [1, 1]} : vector<2048x64xf32> to vector<2048x1xf32>
    %slice3A_35 = vector.extract_strided_slice %dot_general3A_13 {offsets = [0, 256], sizes = [2048, 64], strides = [1, 1]} : vector<2048x4096xf32> to vector<2048x64xf32>
    %mul3A_36 = vector.broadcast %slice3A_34 : vector<2048x1xf32> to vector<2048x64xf32>
    %mul3A_37 = arith.mulf %mul3A_36, %slice3A_35 : vector<2048x64xf32>
    %add3A_38 = arith.addf %add3A_33, %mul3A_37 : vector<2048x64xf32>
    %slice3A_39 = vector.extract_strided_slice %convert_element_type3A_6 {offsets = [0, 5], sizes = [2048, 1], strides = [1, 1]} : vector<2048x64xf32> to vector<2048x1xf32>
    %slice3A_40 = vector.extract_strided_slice %dot_general3A_13 {offsets = [0, 320], sizes = [2048, 64], strides = [1, 1]} : vector<2048x4096xf32> to vector<2048x64xf32>
    %mul3A_41 = vector.broadcast %slice3A_39 : vector<2048x1xf32> to vector<2048x64xf32>
    %mul3A_42 = arith.mulf %mul3A_41, %slice3A_40 : vector<2048x64xf32>
    %add3A_43 = arith.addf %add3A_38, %mul3A_42 : vector<2048x64xf32>
    %slice3A_44 = vector.extract_strided_slice %convert_element_type3A_6 {offsets = [0, 6], sizes = [2048, 1], strides = [1, 1]} : vector<2048x64xf32> to vector<2048x1xf32>
    %slice3A_45 = vector.extract_strided_slice %dot_general3A_13 {offsets = [0, 384], sizes = [2048, 64], strides = [1, 1]} : vector<2048x4096xf32> to vector<2048x64xf32>
    %mul3A_46 = vector.broadcast %slice3A_44 : vector<2048x1xf32> to vector<2048x64xf32>
    %mul3A_47 = arith.mulf %mul3A_46, %slice3A_45 : vector<2048x64xf32>
    %add3A_48 = arith.addf %add3A_43, %mul3A_47 : vector<2048x64xf32>
    %slice3A_49 = vector.extract_strided_slice %convert_element_type3A_6 {offsets = [0, 7], sizes = [2048, 1], strides = [1, 1]} : vector<2048x64xf32> to vector<2048x1xf32>
    %slice3A_50 = vector.extract_strided_slice %dot_general3A_13 {offsets = [0, 448], sizes = [2048, 64], strides = [1, 1]} : vector<2048x4096xf32> to vector<2048x64xf32>
    %mul3A_51 = vector.broadcast %slice3A_49 : vector<2048x1xf32> to vector<2048x64xf32>
    %mul3A_52 = arith.mulf %mul3A_51, %slice3A_50 : vector<2048x64xf32>
    %add3A_53 = arith.addf %add3A_48, %mul3A_52 : vector<2048x64xf32>
    %slice3A_54 = vector.extract_strided_slice %convert_element_type3A_6 {offsets = [0, 8], sizes = [2048, 1], strides = [1, 1]} : vector<2048x64xf32> to vector<2048x1xf32>
    %slice3A_55 = vector.extract_strided_slice %dot_general3A_13 {offsets = [0, 512], sizes = [2048, 64], strides = [1, 1]} : vector<2048x4096xf32> to vector<2048x64xf32>
    %mul3A_56 = vector.broadcast %slice3A_54 : vector<2048x1xf32> to vector<2048x64xf32>
    %mul3A_57 = arith.mulf %mul3A_56, %slice3A_55 : vector<2048x64xf32>
    %add3A_58 = arith.addf %add3A_53, %mul3A_57 : vector<2048x64xf32>
    %slice3A_59 = vector.extract_strided_slice %convert_element_type3A_6 {offsets = [0, 9], sizes = [2048, 1], strides = [1, 1]} : vector<2048x64xf32> to vector<2048x1xf32>
    %slice3A_60 = vector.extract_strided_slice %dot_general3A_13 {offsets = [0, 576], sizes = [2048, 64], strides = [1, 1]} : vector<2048x4096xf32> to vector<2048x64xf32>
    %mul3A_61 = vector.broadcast %slice3A_59 : vector<2048x1xf32> to vector<2048x64xf32>
    %mul3A_62 = arith.mulf %mul3A_61, %slice3A_60 : vector<2048x64xf32>
    %add3A_63 = arith.addf %add3A_58, %mul3A_62 : vector<2048x64xf32>
    %slice3A_64 = vector.extract_strided_slice %convert_element_type3A_6 {offsets = [0, 10], sizes = [2048, 1], strides = [1, 1]} : vector<2048x64xf32> to vector<2048x1xf32>
    %slice3A_65 = vector.extract_strided_slice %dot_general3A_13 {offsets = [0, 640], sizes = [2048, 64], strides = [1, 1]} : vector<2048x4096xf32> to vector<2048x64xf32>
    %mul3A_66 = vector.broadcast %slice3A_64 : vector<2048x1xf32> to vector<2048x64xf32>
    %mul3A_67 = arith.mulf %mul3A_66, %slice3A_65 : vector<2048x64xf32>
    %add3A_68 = arith.addf %add3A_63, %mul3A_67 : vector<2048x64xf32>
    %slice3A_69 = vector.extract_strided_slice %convert_element_type3A_6 {offsets = [0, 11], sizes = [2048, 1], strides = [1, 1]} : vector<2048x64xf32> to vector<2048x1xf32>
    %slice3A_70 = vector.extract_strided_slice %dot_general3A_13 {offsets = [0, 704], sizes = [2048, 64], strides = [1, 1]} : vector<2048x4096xf32> to vector<2048x64xf32>
    %mul3A_71 = vector.broadcast %slice3A_69 : vector<2048x1xf32> to vector<2048x64xf32>
    %mul3A_72 = arith.mulf %mul3A_71, %slice3A_70 : vector<2048x64xf32>
    %add3A_73 = arith.addf %add3A_68, %mul3A_72 : vector<2048x64xf32>
    %slice3A_74 = vector.extract_strided_slice %convert_element_type3A_6 {offsets = [0, 12], sizes = [2048, 1], strides = [1, 1]} : vector<2048x64xf32> to vector<2048x1xf32>
    %slice3A_75 = vector.extract_strided_slice %dot_general3A_13 {offsets = [0, 768], sizes = [2048, 64], strides = [1, 1]} : vector<2048x4096xf32> to vector<2048x64xf32>
    %mul3A_76 = vector.broadcast %slice3A_74 : vector<2048x1xf32> to vector<2048x64xf32>
    %mul3A_77 = arith.mulf %mul3A_76, %slice3A_75 : vector<2048x64xf32>
    %add3A_78 = arith.addf %add3A_73, %mul3A_77 : vector<2048x64xf32>
    %slice3A_79 = vector.extract_strided_slice %convert_element_type3A_6 {offsets = [0, 13], sizes = [2048, 1], strides = [1, 1]} : vector<2048x64xf32> to vector<2048x1xf32>
    %slice3A_80 = vector.extract_strided_slice %dot_general3A_13 {offsets = [0, 832], sizes = [2048, 64], strides = [1, 1]} : vector<2048x4096xf32> to vector<2048x64xf32>
    %mul3A_81 = vector.broadcast %slice3A_79 : vector<2048x1xf32> to vector<2048x64xf32>
    %mul3A_82 = arith.mulf %mul3A_81, %slice3A_80 : vector<2048x64xf32>
    %add3A_83 = arith.addf %add3A_78, %mul3A_82 : vector<2048x64xf32>
    %slice3A_84 = vector.extract_strided_slice %convert_element_type3A_6 {offsets = [0, 14], sizes = [2048, 1], strides = [1, 1]} : vector<2048x64xf32> to vector<2048x1xf32>
    %slice3A_85 = vector.extract_strided_slice %dot_general3A_13 {offsets = [0, 896], sizes = [2048, 64], strides = [1, 1]} : vector<2048x4096xf32> to vector<2048x64xf32>
    %mul3A_86 = vector.broadcast %slice3A_84 : vector<2048x1xf32> to vector<2048x64xf32>
    %mul3A_87 = arith.mulf %mul3A_86, %slice3A_85 : vector<2048x64xf32>
    %add3A_88 = arith.addf %add3A_83, %mul3A_87 : vector<2048x64xf32>
    %slice3A_89 = vector.extract_strided_slice %convert_element_type3A_6 {offsets = [0, 15], sizes = [2048, 1], strides = [1, 1]} : vector<2048x64xf32> to vector<2048x1xf32>
    %slice3A_90 = vector.extract_strided_slice %dot_general3A_13 {offsets = [0, 960], sizes = [2048, 64], strides = [1, 1]} : vector<2048x4096xf32> to vector<2048x64xf32>
    %mul3A_91 = vector.broadcast %slice3A_89 : vector<2048x1xf32> to vector<2048x64xf32>
    %mul3A_92 = arith.mulf %mul3A_91, %slice3A_90 : vector<2048x64xf32>
    %add3A_93 = arith.addf %add3A_88, %mul3A_92 : vector<2048x64xf32>
    %slice3A_94 = vector.extract_strided_slice %convert_element_type3A_6 {offsets = [0, 16], sizes = [2048, 1], strides = [1, 1]} : vector<2048x64xf32> to vector<2048x1xf32>
    %slice3A_95 = vector.extract_strided_slice %dot_general3A_13 {offsets = [0, 1024], sizes = [2048, 64], strides = [1, 1]} : vector<2048x4096xf32> to vector<2048x64xf32>
    %mul3A_96 = vector.broadcast %slice3A_94 : vector<2048x1xf32> to vector<2048x64xf32>
    %mul3A_97 = arith.mulf %mul3A_96, %slice3A_95 : vector<2048x64xf32>
    %add3A_98 = arith.addf %add3A_93, %mul3A_97 : vector<2048x64xf32>
    %slice3A_99 = vector.extract_strided_slice %convert_element_type3A_6 {offsets = [0, 17], sizes = [2048, 1], strides = [1, 1]} : vector<2048x64xf32> to vector<2048x1xf32>
    %slice3A_100 = vector.extract_strided_slice %dot_general3A_13 {offsets = [0, 1088], sizes = [2048, 64], strides = [1, 1]} : vector<2048x4096xf32> to vector<2048x64xf32>
    %mul3A_101 = vector.broadcast %slice3A_99 : vector<2048x1xf32> to vector<2048x64xf32>
    %mul3A_102 = arith.mulf %mul3A_101, %slice3A_100 : vector<2048x64xf32>
    %add3A_103 = arith.addf %add3A_98, %mul3A_102 : vector<2048x64xf32>
    %slice3A_104 = vector.extract_strided_slice %convert_element_type3A_6 {offsets = [0, 18], sizes = [2048, 1], strides = [1, 1]} : vector<2048x64xf32> to vector<2048x1xf32>
    %slice3A_105 = vector.extract_strided_slice %dot_general3A_13 {offsets = [0, 1152], sizes = [2048, 64], strides = [1, 1]} : vector<2048x4096xf32> to vector<2048x64xf32>
    %mul3A_106 = vector.broadcast %slice3A_104 : vector<2048x1xf32> to vector<2048x64xf32>
    %mul3A_107 = arith.mulf %mul3A_106, %slice3A_105 : vector<2048x64xf32>
    %add3A_108 = arith.addf %add3A_103, %mul3A_107 : vector<2048x64xf32>
    %slice3A_109 = vector.extract_strided_slice %convert_element_type3A_6 {offsets = [0, 19], sizes = [2048, 1], strides = [1, 1]} : vector<2048x64xf32> to vector<2048x1xf32>
    %slice3A_110 = vector.extract_strided_slice %dot_general3A_13 {offsets = [0, 1216], sizes = [2048, 64], strides = [1, 1]} : vector<2048x4096xf32> to vector<2048x64xf32>
    %mul3A_111 = vector.broadcast %slice3A_109 : vector<2048x1xf32> to vector<2048x64xf32>
    %mul3A_112 = arith.mulf %mul3A_111, %slice3A_110 : vector<2048x64xf32>
    %add3A_113 = arith.addf %add3A_108, %mul3A_112 : vector<2048x64xf32>
    %slice3A_114 = vector.extract_strided_slice %convert_element_type3A_6 {offsets = [0, 20], sizes = [2048, 1], strides = [1, 1]} : vector<2048x64xf32> to vector<2048x1xf32>
    %slice3A_115 = vector.extract_strided_slice %dot_general3A_13 {offsets = [0, 1280], sizes = [2048, 64], strides = [1, 1]} : vector<2048x4096xf32> to vector<2048x64xf32>
    %mul3A_116 = vector.broadcast %slice3A_114 : vector<2048x1xf32> to vector<2048x64xf32>
    %mul3A_117 = arith.mulf %mul3A_116, %slice3A_115 : vector<2048x64xf32>
    %add3A_118 = arith.addf %add3A_113, %mul3A_117 : vector<2048x64xf32>
    %slice3A_119 = vector.extract_strided_slice %convert_element_type3A_6 {offsets = [0, 21], sizes = [2048, 1], strides = [1, 1]} : vector<2048x64xf32> to vector<2048x1xf32>
    %slice3A_120 = vector.extract_strided_slice %dot_general3A_13 {offsets = [0, 1344], sizes = [2048, 64], strides = [1, 1]} : vector<2048x4096xf32> to vector<2048x64xf32>
    %mul3A_121 = vector.broadcast %slice3A_119 : vector<2048x1xf32> to vector<2048x64xf32>
    %mul3A_122 = arith.mulf %mul3A_121, %slice3A_120 : vector<2048x64xf32>
    %add3A_123 = arith.addf %add3A_118, %mul3A_122 : vector<2048x64xf32>
    %slice3A_124 = vector.extract_strided_slice %convert_element_type3A_6 {offsets = [0, 22], sizes = [2048, 1], strides = [1, 1]} : vector<2048x64xf32> to vector<2048x1xf32>
    %slice3A_125 = vector.extract_strided_slice %dot_general3A_13 {offsets = [0, 1408], sizes = [2048, 64], strides = [1, 1]} : vector<2048x4096xf32> to vector<2048x64xf32>
    %mul3A_126 = vector.broadcast %slice3A_124 : vector<2048x1xf32> to vector<2048x64xf32>
    %mul3A_127 = arith.mulf %mul3A_126, %slice3A_125 : vector<2048x64xf32>
    %add3A_128 = arith.addf %add3A_123, %mul3A_127 : vector<2048x64xf32>
    %slice3A_129 = vector.extract_strided_slice %convert_element_type3A_6 {offsets = [0, 23], sizes = [2048, 1], strides = [1, 1]} : vector<2048x64xf32> to vector<2048x1xf32>
    %slice3A_130 = vector.extract_strided_slice %dot_general3A_13 {offsets = [0, 1472], sizes = [2048, 64], strides = [1, 1]} : vector<2048x4096xf32> to vector<2048x64xf32>
    %mul3A_131 = vector.broadcast %slice3A_129 : vector<2048x1xf32> to vector<2048x64xf32>
    %mul3A_132 = arith.mulf %mul3A_131, %slice3A_130 : vector<2048x64xf32>
    %add3A_133 = arith.addf %add3A_128, %mul3A_132 : vector<2048x64xf32>
    %slice3A_134 = vector.extract_strided_slice %convert_element_type3A_6 {offsets = [0, 24], sizes = [2048, 1], strides = [1, 1]} : vector<2048x64xf32> to vector<2048x1xf32>
    %slice3A_135 = vector.extract_strided_slice %dot_general3A_13 {offsets = [0, 1536], sizes = [2048, 64], strides = [1, 1]} : vector<2048x4096xf32> to vector<2048x64xf32>
    %mul3A_136 = vector.broadcast %slice3A_134 : vector<2048x1xf32> to vector<2048x64xf32>
    %mul3A_137 = arith.mulf %mul3A_136, %slice3A_135 : vector<2048x64xf32>
    %add3A_138 = arith.addf %add3A_133, %mul3A_137 : vector<2048x64xf32>
    %slice3A_139 = vector.extract_strided_slice %convert_element_type3A_6 {offsets = [0, 25], sizes = [2048, 1], strides = [1, 1]} : vector<2048x64xf32> to vector<2048x1xf32>
    %slice3A_140 = vector.extract_strided_slice %dot_general3A_13 {offsets = [0, 1600], sizes = [2048, 64], strides = [1, 1]} : vector<2048x4096xf32> to vector<2048x64xf32>
    %mul3A_141 = vector.broadcast %slice3A_139 : vector<2048x1xf32> to vector<2048x64xf32>
    %mul3A_142 = arith.mulf %mul3A_141, %slice3A_140 : vector<2048x64xf32>
    %add3A_143 = arith.addf %add3A_138, %mul3A_142 : vector<2048x64xf32>
    %slice3A_144 = vector.extract_strided_slice %convert_element_type3A_6 {offsets = [0, 26], sizes = [2048, 1], strides = [1, 1]} : vector<2048x64xf32> to vector<2048x1xf32>
    %slice3A_145 = vector.extract_strided_slice %dot_general3A_13 {offsets = [0, 1664], sizes = [2048, 64], strides = [1, 1]} : vector<2048x4096xf32> to vector<2048x64xf32>
    %mul3A_146 = vector.broadcast %slice3A_144 : vector<2048x1xf32> to vector<2048x64xf32>
    %mul3A_147 = arith.mulf %mul3A_146, %slice3A_145 : vector<2048x64xf32>
    %add3A_148 = arith.addf %add3A_143, %mul3A_147 : vector<2048x64xf32>
    %slice3A_149 = vector.extract_strided_slice %convert_element_type3A_6 {offsets = [0, 27], sizes = [2048, 1], strides = [1, 1]} : vector<2048x64xf32> to vector<2048x1xf32>
    %slice3A_150 = vector.extract_strided_slice %dot_general3A_13 {offsets = [0, 1728], sizes = [2048, 64], strides = [1, 1]} : vector<2048x4096xf32> to vector<2048x64xf32>
    %mul3A_151 = vector.broadcast %slice3A_149 : vector<2048x1xf32> to vector<2048x64xf32>
    %mul3A_152 = arith.mulf %mul3A_151, %slice3A_150 : vector<2048x64xf32>
    %add3A_153 = arith.addf %add3A_148, %mul3A_152 : vector<2048x64xf32>
    %slice3A_154 = vector.extract_strided_slice %convert_element_type3A_6 {offsets = [0, 28], sizes = [2048, 1], strides = [1, 1]} : vector<2048x64xf32> to vector<2048x1xf32>
    %slice3A_155 = vector.extract_strided_slice %dot_general3A_13 {offsets = [0, 1792], sizes = [2048, 64], strides = [1, 1]} : vector<2048x4096xf32> to vector<2048x64xf32>
    %mul3A_156 = vector.broadcast %slice3A_154 : vector<2048x1xf32> to vector<2048x64xf32>
    %mul3A_157 = arith.mulf %mul3A_156, %slice3A_155 : vector<2048x64xf32>
    %add3A_158 = arith.addf %add3A_153, %mul3A_157 : vector<2048x64xf32>
    %slice3A_159 = vector.extract_strided_slice %convert_element_type3A_6 {offsets = [0, 29], sizes = [2048, 1], strides = [1, 1]} : vector<2048x64xf32> to vector<2048x1xf32>
    %slice3A_160 = vector.extract_strided_slice %dot_general3A_13 {offsets = [0, 1856], sizes = [2048, 64], strides = [1, 1]} : vector<2048x4096xf32> to vector<2048x64xf32>
    %mul3A_161 = vector.broadcast %slice3A_159 : vector<2048x1xf32> to vector<2048x64xf32>
    %mul3A_162 = arith.mulf %mul3A_161, %slice3A_160 : vector<2048x64xf32>
    %add3A_163 = arith.addf %add3A_158, %mul3A_162 : vector<2048x64xf32>
    %slice3A_164 = vector.extract_strided_slice %convert_element_type3A_6 {offsets = [0, 30], sizes = [2048, 1], strides = [1, 1]} : vector<2048x64xf32> to vector<2048x1xf32>
    %slice3A_165 = vector.extract_strided_slice %dot_general3A_13 {offsets = [0, 1920], sizes = [2048, 64], strides = [1, 1]} : vector<2048x4096xf32> to vector<2048x64xf32>
    %mul3A_166 = vector.broadcast %slice3A_164 : vector<2048x1xf32> to vector<2048x64xf32>
    %mul3A_167 = arith.mulf %mul3A_166, %slice3A_165 : vector<2048x64xf32>
    %add3A_168 = arith.addf %add3A_163, %mul3A_167 : vector<2048x64xf32>
    %slice3A_169 = vector.extract_strided_slice %convert_element_type3A_6 {offsets = [0, 31], sizes = [2048, 1], strides = [1, 1]} : vector<2048x64xf32> to vector<2048x1xf32>
    %slice3A_170 = vector.extract_strided_slice %dot_general3A_13 {offsets = [0, 1984], sizes = [2048, 64], strides = [1, 1]} : vector<2048x4096xf32> to vector<2048x64xf32>
    %mul3A_171 = vector.broadcast %slice3A_169 : vector<2048x1xf32> to vector<2048x64xf32>
    %mul3A_172 = arith.mulf %mul3A_171, %slice3A_170 : vector<2048x64xf32>
    %add3A_173 = arith.addf %add3A_168, %mul3A_172 : vector<2048x64xf32>
    %slice3A_174 = vector.extract_strided_slice %convert_element_type3A_6 {offsets = [0, 32], sizes = [2048, 1], strides = [1, 1]} : vector<2048x64xf32> to vector<2048x1xf32>
    %slice3A_175 = vector.extract_strided_slice %dot_general3A_13 {offsets = [0, 2048], sizes = [2048, 64], strides = [1, 1]} : vector<2048x4096xf32> to vector<2048x64xf32>
    %mul3A_176 = vector.broadcast %slice3A_174 : vector<2048x1xf32> to vector<2048x64xf32>
    %mul3A_177 = arith.mulf %mul3A_176, %slice3A_175 : vector<2048x64xf32>
    %add3A_178 = arith.addf %add3A_173, %mul3A_177 : vector<2048x64xf32>
    %slice3A_179 = vector.extract_strided_slice %convert_element_type3A_6 {offsets = [0, 33], sizes = [2048, 1], strides = [1, 1]} : vector<2048x64xf32> to vector<2048x1xf32>
    %slice3A_180 = vector.extract_strided_slice %dot_general3A_13 {offsets = [0, 2112], sizes = [2048, 64], strides = [1, 1]} : vector<2048x4096xf32> to vector<2048x64xf32>
    %mul3A_181 = vector.broadcast %slice3A_179 : vector<2048x1xf32> to vector<2048x64xf32>
    %mul3A_182 = arith.mulf %mul3A_181, %slice3A_180 : vector<2048x64xf32>
    %add3A_183 = arith.addf %add3A_178, %mul3A_182 : vector<2048x64xf32>
    %slice3A_184 = vector.extract_strided_slice %convert_element_type3A_6 {offsets = [0, 34], sizes = [2048, 1], strides = [1, 1]} : vector<2048x64xf32> to vector<2048x1xf32>
    %slice3A_185 = vector.extract_strided_slice %dot_general3A_13 {offsets = [0, 2176], sizes = [2048, 64], strides = [1, 1]} : vector<2048x4096xf32> to vector<2048x64xf32>
    %mul3A_186 = vector.broadcast %slice3A_184 : vector<2048x1xf32> to vector<2048x64xf32>
    %mul3A_187 = arith.mulf %mul3A_186, %slice3A_185 : vector<2048x64xf32>
    %add3A_188 = arith.addf %add3A_183, %mul3A_187 : vector<2048x64xf32>
    %slice3A_189 = vector.extract_strided_slice %convert_element_type3A_6 {offsets = [0, 35], sizes = [2048, 1], strides = [1, 1]} : vector<2048x64xf32> to vector<2048x1xf32>
    %slice3A_190 = vector.extract_strided_slice %dot_general3A_13 {offsets = [0, 2240], sizes = [2048, 64], strides = [1, 1]} : vector<2048x4096xf32> to vector<2048x64xf32>
    %mul3A_191 = vector.broadcast %slice3A_189 : vector<2048x1xf32> to vector<2048x64xf32>
    %mul3A_192 = arith.mulf %mul3A_191, %slice3A_190 : vector<2048x64xf32>
    %add3A_193 = arith.addf %add3A_188, %mul3A_192 : vector<2048x64xf32>
    %slice3A_194 = vector.extract_strided_slice %convert_element_type3A_6 {offsets = [0, 36], sizes = [2048, 1], strides = [1, 1]} : vector<2048x64xf32> to vector<2048x1xf32>
    %slice3A_195 = vector.extract_strided_slice %dot_general3A_13 {offsets = [0, 2304], sizes = [2048, 64], strides = [1, 1]} : vector<2048x4096xf32> to vector<2048x64xf32>
    %mul3A_196 = vector.broadcast %slice3A_194 : vector<2048x1xf32> to vector<2048x64xf32>
    %mul3A_197 = arith.mulf %mul3A_196, %slice3A_195 : vector<2048x64xf32>
    %add3A_198 = arith.addf %add3A_193, %mul3A_197 : vector<2048x64xf32>
    %slice3A_199 = vector.extract_strided_slice %convert_element_type3A_6 {offsets = [0, 37], sizes = [2048, 1], strides = [1, 1]} : vector<2048x64xf32> to vector<2048x1xf32>
    %slice3A_200 = vector.extract_strided_slice %dot_general3A_13 {offsets = [0, 2368], sizes = [2048, 64], strides = [1, 1]} : vector<2048x4096xf32> to vector<2048x64xf32>
    %mul3A_201 = vector.broadcast %slice3A_199 : vector<2048x1xf32> to vector<2048x64xf32>
    %mul3A_202 = arith.mulf %mul3A_201, %slice3A_200 : vector<2048x64xf32>
    %add3A_203 = arith.addf %add3A_198, %mul3A_202 : vector<2048x64xf32>
    %slice3A_204 = vector.extract_strided_slice %convert_element_type3A_6 {offsets = [0, 38], sizes = [2048, 1], strides = [1, 1]} : vector<2048x64xf32> to vector<2048x1xf32>
    %slice3A_205 = vector.extract_strided_slice %dot_general3A_13 {offsets = [0, 2432], sizes = [2048, 64], strides = [1, 1]} : vector<2048x4096xf32> to vector<2048x64xf32>
    %mul3A_206 = vector.broadcast %slice3A_204 : vector<2048x1xf32> to vector<2048x64xf32>
    %mul3A_207 = arith.mulf %mul3A_206, %slice3A_205 : vector<2048x64xf32>
    %add3A_208 = arith.addf %add3A_203, %mul3A_207 : vector<2048x64xf32>
    %slice3A_209 = vector.extract_strided_slice %convert_element_type3A_6 {offsets = [0, 39], sizes = [2048, 1], strides = [1, 1]} : vector<2048x64xf32> to vector<2048x1xf32>
    %slice3A_210 = vector.extract_strided_slice %dot_general3A_13 {offsets = [0, 2496], sizes = [2048, 64], strides = [1, 1]} : vector<2048x4096xf32> to vector<2048x64xf32>
    %mul3A_211 = vector.broadcast %slice3A_209 : vector<2048x1xf32> to vector<2048x64xf32>
    %mul3A_212 = arith.mulf %mul3A_211, %slice3A_210 : vector<2048x64xf32>
    %add3A_213 = arith.addf %add3A_208, %mul3A_212 : vector<2048x64xf32>
    %slice3A_214 = vector.extract_strided_slice %convert_element_type3A_6 {offsets = [0, 40], sizes = [2048, 1], strides = [1, 1]} : vector<2048x64xf32> to vector<2048x1xf32>
    %slice3A_215 = vector.extract_strided_slice %dot_general3A_13 {offsets = [0, 2560], sizes = [2048, 64], strides = [1, 1]} : vector<2048x4096xf32> to vector<2048x64xf32>
    %mul3A_216 = vector.broadcast %slice3A_214 : vector<2048x1xf32> to vector<2048x64xf32>
    %mul3A_217 = arith.mulf %mul3A_216, %slice3A_215 : vector<2048x64xf32>
    %add3A_218 = arith.addf %add3A_213, %mul3A_217 : vector<2048x64xf32>
    %slice3A_219 = vector.extract_strided_slice %convert_element_type3A_6 {offsets = [0, 41], sizes = [2048, 1], strides = [1, 1]} : vector<2048x64xf32> to vector<2048x1xf32>
    %slice3A_220 = vector.extract_strided_slice %dot_general3A_13 {offsets = [0, 2624], sizes = [2048, 64], strides = [1, 1]} : vector<2048x4096xf32> to vector<2048x64xf32>
    %mul3A_221 = vector.broadcast %slice3A_219 : vector<2048x1xf32> to vector<2048x64xf32>
    %mul3A_222 = arith.mulf %mul3A_221, %slice3A_220 : vector<2048x64xf32>
    %add3A_223 = arith.addf %add3A_218, %mul3A_222 : vector<2048x64xf32>
    %slice3A_224 = vector.extract_strided_slice %convert_element_type3A_6 {offsets = [0, 42], sizes = [2048, 1], strides = [1, 1]} : vector<2048x64xf32> to vector<2048x1xf32>
    %slice3A_225 = vector.extract_strided_slice %dot_general3A_13 {offsets = [0, 2688], sizes = [2048, 64], strides = [1, 1]} : vector<2048x4096xf32> to vector<2048x64xf32>
    %mul3A_226 = vector.broadcast %slice3A_224 : vector<2048x1xf32> to vector<2048x64xf32>
    %mul3A_227 = arith.mulf %mul3A_226, %slice3A_225 : vector<2048x64xf32>
    %add3A_228 = arith.addf %add3A_223, %mul3A_227 : vector<2048x64xf32>
    %slice3A_229 = vector.extract_strided_slice %convert_element_type3A_6 {offsets = [0, 43], sizes = [2048, 1], strides = [1, 1]} : vector<2048x64xf32> to vector<2048x1xf32>
    %slice3A_230 = vector.extract_strided_slice %dot_general3A_13 {offsets = [0, 2752], sizes = [2048, 64], strides = [1, 1]} : vector<2048x4096xf32> to vector<2048x64xf32>
    %mul3A_231 = vector.broadcast %slice3A_229 : vector<2048x1xf32> to vector<2048x64xf32>
    %mul3A_232 = arith.mulf %mul3A_231, %slice3A_230 : vector<2048x64xf32>
    %add3A_233 = arith.addf %add3A_228, %mul3A_232 : vector<2048x64xf32>
    %slice3A_234 = vector.extract_strided_slice %convert_element_type3A_6 {offsets = [0, 44], sizes = [2048, 1], strides = [1, 1]} : vector<2048x64xf32> to vector<2048x1xf32>
    %slice3A_235 = vector.extract_strided_slice %dot_general3A_13 {offsets = [0, 2816], sizes = [2048, 64], strides = [1, 1]} : vector<2048x4096xf32> to vector<2048x64xf32>
    %mul3A_236 = vector.broadcast %slice3A_234 : vector<2048x1xf32> to vector<2048x64xf32>
    %mul3A_237 = arith.mulf %mul3A_236, %slice3A_235 : vector<2048x64xf32>
    %add3A_238 = arith.addf %add3A_233, %mul3A_237 : vector<2048x64xf32>
    %slice3A_239 = vector.extract_strided_slice %convert_element_type3A_6 {offsets = [0, 45], sizes = [2048, 1], strides = [1, 1]} : vector<2048x64xf32> to vector<2048x1xf32>
    %slice3A_240 = vector.extract_strided_slice %dot_general3A_13 {offsets = [0, 2880], sizes = [2048, 64], strides = [1, 1]} : vector<2048x4096xf32> to vector<2048x64xf32>
    %mul3A_241 = vector.broadcast %slice3A_239 : vector<2048x1xf32> to vector<2048x64xf32>
    %mul3A_242 = arith.mulf %mul3A_241, %slice3A_240 : vector<2048x64xf32>
    %add3A_243 = arith.addf %add3A_238, %mul3A_242 : vector<2048x64xf32>
    %slice3A_244 = vector.extract_strided_slice %convert_element_type3A_6 {offsets = [0, 46], sizes = [2048, 1], strides = [1, 1]} : vector<2048x64xf32> to vector<2048x1xf32>
    %slice3A_245 = vector.extract_strided_slice %dot_general3A_13 {offsets = [0, 2944], sizes = [2048, 64], strides = [1, 1]} : vector<2048x4096xf32> to vector<2048x64xf32>
    %mul3A_246 = vector.broadcast %slice3A_244 : vector<2048x1xf32> to vector<2048x64xf32>
    %mul3A_247 = arith.mulf %mul3A_246, %slice3A_245 : vector<2048x64xf32>
    %add3A_248 = arith.addf %add3A_243, %mul3A_247 : vector<2048x64xf32>
    %slice3A_249 = vector.extract_strided_slice %convert_element_type3A_6 {offsets = [0, 47], sizes = [2048, 1], strides = [1, 1]} : vector<2048x64xf32> to vector<2048x1xf32>
    %slice3A_250 = vector.extract_strided_slice %dot_general3A_13 {offsets = [0, 3008], sizes = [2048, 64], strides = [1, 1]} : vector<2048x4096xf32> to vector<2048x64xf32>
    %mul3A_251 = vector.broadcast %slice3A_249 : vector<2048x1xf32> to vector<2048x64xf32>
    %mul3A_252 = arith.mulf %mul3A_251, %slice3A_250 : vector<2048x64xf32>
    %add3A_253 = arith.addf %add3A_248, %mul3A_252 : vector<2048x64xf32>
    %slice3A_254 = vector.extract_strided_slice %convert_element_type3A_6 {offsets = [0, 48], sizes = [2048, 1], strides = [1, 1]} : vector<2048x64xf32> to vector<2048x1xf32>
    %slice3A_255 = vector.extract_strided_slice %dot_general3A_13 {offsets = [0, 3072], sizes = [2048, 64], strides = [1, 1]} : vector<2048x4096xf32> to vector<2048x64xf32>
    %mul3A_256 = vector.broadcast %slice3A_254 : vector<2048x1xf32> to vector<2048x64xf32>
    %mul3A_257 = arith.mulf %mul3A_256, %slice3A_255 : vector<2048x64xf32>
    %add3A_258 = arith.addf %add3A_253, %mul3A_257 : vector<2048x64xf32>
    %slice3A_259 = vector.extract_strided_slice %convert_element_type3A_6 {offsets = [0, 49], sizes = [2048, 1], strides = [1, 1]} : vector<2048x64xf32> to vector<2048x1xf32>
    %slice3A_260 = vector.extract_strided_slice %dot_general3A_13 {offsets = [0, 3136], sizes = [2048, 64], strides = [1, 1]} : vector<2048x4096xf32> to vector<2048x64xf32>
    %mul3A_261 = vector.broadcast %slice3A_259 : vector<2048x1xf32> to vector<2048x64xf32>
    %mul3A_262 = arith.mulf %mul3A_261, %slice3A_260 : vector<2048x64xf32>
    %add3A_263 = arith.addf %add3A_258, %mul3A_262 : vector<2048x64xf32>
    %slice3A_264 = vector.extract_strided_slice %convert_element_type3A_6 {offsets = [0, 50], sizes = [2048, 1], strides = [1, 1]} : vector<2048x64xf32> to vector<2048x1xf32>
    %slice3A_265 = vector.extract_strided_slice %dot_general3A_13 {offsets = [0, 3200], sizes = [2048, 64], strides = [1, 1]} : vector<2048x4096xf32> to vector<2048x64xf32>
    %mul3A_266 = vector.broadcast %slice3A_264 : vector<2048x1xf32> to vector<2048x64xf32>
    %mul3A_267 = arith.mulf %mul3A_266, %slice3A_265 : vector<2048x64xf32>
    %add3A_268 = arith.addf %add3A_263, %mul3A_267 : vector<2048x64xf32>
    %slice3A_269 = vector.extract_strided_slice %convert_element_type3A_6 {offsets = [0, 51], sizes = [2048, 1], strides = [1, 1]} : vector<2048x64xf32> to vector<2048x1xf32>
    %slice3A_270 = vector.extract_strided_slice %dot_general3A_13 {offsets = [0, 3264], sizes = [2048, 64], strides = [1, 1]} : vector<2048x4096xf32> to vector<2048x64xf32>
    %mul3A_271 = vector.broadcast %slice3A_269 : vector<2048x1xf32> to vector<2048x64xf32>
    %mul3A_272 = arith.mulf %mul3A_271, %slice3A_270 : vector<2048x64xf32>
    %add3A_273 = arith.addf %add3A_268, %mul3A_272 : vector<2048x64xf32>
    %slice3A_274 = vector.extract_strided_slice %convert_element_type3A_6 {offsets = [0, 52], sizes = [2048, 1], strides = [1, 1]} : vector<2048x64xf32> to vector<2048x1xf32>
    %slice3A_275 = vector.extract_strided_slice %dot_general3A_13 {offsets = [0, 3328], sizes = [2048, 64], strides = [1, 1]} : vector<2048x4096xf32> to vector<2048x64xf32>
    %mul3A_276 = vector.broadcast %slice3A_274 : vector<2048x1xf32> to vector<2048x64xf32>
    %mul3A_277 = arith.mulf %mul3A_276, %slice3A_275 : vector<2048x64xf32>
    %add3A_278 = arith.addf %add3A_273, %mul3A_277 : vector<2048x64xf32>
    %slice3A_279 = vector.extract_strided_slice %convert_element_type3A_6 {offsets = [0, 53], sizes = [2048, 1], strides = [1, 1]} : vector<2048x64xf32> to vector<2048x1xf32>
    %slice3A_280 = vector.extract_strided_slice %dot_general3A_13 {offsets = [0, 3392], sizes = [2048, 64], strides = [1, 1]} : vector<2048x4096xf32> to vector<2048x64xf32>
    %mul3A_281 = vector.broadcast %slice3A_279 : vector<2048x1xf32> to vector<2048x64xf32>
    %mul3A_282 = arith.mulf %mul3A_281, %slice3A_280 : vector<2048x64xf32>
    %add3A_283 = arith.addf %add3A_278, %mul3A_282 : vector<2048x64xf32>
    %slice3A_284 = vector.extract_strided_slice %convert_element_type3A_6 {offsets = [0, 54], sizes = [2048, 1], strides = [1, 1]} : vector<2048x64xf32> to vector<2048x1xf32>
    %slice3A_285 = vector.extract_strided_slice %dot_general3A_13 {offsets = [0, 3456], sizes = [2048, 64], strides = [1, 1]} : vector<2048x4096xf32> to vector<2048x64xf32>
    %mul3A_286 = vector.broadcast %slice3A_284 : vector<2048x1xf32> to vector<2048x64xf32>
    %mul3A_287 = arith.mulf %mul3A_286, %slice3A_285 : vector<2048x64xf32>
    %add3A_288 = arith.addf %add3A_283, %mul3A_287 : vector<2048x64xf32>
    %slice3A_289 = vector.extract_strided_slice %convert_element_type3A_6 {offsets = [0, 55], sizes = [2048, 1], strides = [1, 1]} : vector<2048x64xf32> to vector<2048x1xf32>
    %slice3A_290 = vector.extract_strided_slice %dot_general3A_13 {offsets = [0, 3520], sizes = [2048, 64], strides = [1, 1]} : vector<2048x4096xf32> to vector<2048x64xf32>
    %mul3A_291 = vector.broadcast %slice3A_289 : vector<2048x1xf32> to vector<2048x64xf32>
    %mul3A_292 = arith.mulf %mul3A_291, %slice3A_290 : vector<2048x64xf32>
    %add3A_293 = arith.addf %add3A_288, %mul3A_292 : vector<2048x64xf32>
    %slice3A_294 = vector.extract_strided_slice %convert_element_type3A_6 {offsets = [0, 56], sizes = [2048, 1], strides = [1, 1]} : vector<2048x64xf32> to vector<2048x1xf32>
    %slice3A_295 = vector.extract_strided_slice %dot_general3A_13 {offsets = [0, 3584], sizes = [2048, 64], strides = [1, 1]} : vector<2048x4096xf32> to vector<2048x64xf32>
    %mul3A_296 = vector.broadcast %slice3A_294 : vector<2048x1xf32> to vector<2048x64xf32>
    %mul3A_297 = arith.mulf %mul3A_296, %slice3A_295 : vector<2048x64xf32>
    %add3A_298 = arith.addf %add3A_293, %mul3A_297 : vector<2048x64xf32>
    %slice3A_299 = vector.extract_strided_slice %convert_element_type3A_6 {offsets = [0, 57], sizes = [2048, 1], strides = [1, 1]} : vector<2048x64xf32> to vector<2048x1xf32>
    %slice3A_300 = vector.extract_strided_slice %dot_general3A_13 {offsets = [0, 3648], sizes = [2048, 64], strides = [1, 1]} : vector<2048x4096xf32> to vector<2048x64xf32>
    %mul3A_301 = vector.broadcast %slice3A_299 : vector<2048x1xf32> to vector<2048x64xf32>
    %mul3A_302 = arith.mulf %mul3A_301, %slice3A_300 : vector<2048x64xf32>
    %add3A_303 = arith.addf %add3A_298, %mul3A_302 : vector<2048x64xf32>
    %slice3A_304 = vector.extract_strided_slice %convert_element_type3A_6 {offsets = [0, 58], sizes = [2048, 1], strides = [1, 1]} : vector<2048x64xf32> to vector<2048x1xf32>
    %slice3A_305 = vector.extract_strided_slice %dot_general3A_13 {offsets = [0, 3712], sizes = [2048, 64], strides = [1, 1]} : vector<2048x4096xf32> to vector<2048x64xf32>
    %mul3A_306 = vector.broadcast %slice3A_304 : vector<2048x1xf32> to vector<2048x64xf32>
    %mul3A_307 = arith.mulf %mul3A_306, %slice3A_305 : vector<2048x64xf32>
    %add3A_308 = arith.addf %add3A_303, %mul3A_307 : vector<2048x64xf32>
    %slice3A_309 = vector.extract_strided_slice %convert_element_type3A_6 {offsets = [0, 59], sizes = [2048, 1], strides = [1, 1]} : vector<2048x64xf32> to vector<2048x1xf32>
    %slice3A_310 = vector.extract_strided_slice %dot_general3A_13 {offsets = [0, 3776], sizes = [2048, 64], strides = [1, 1]} : vector<2048x4096xf32> to vector<2048x64xf32>
    %mul3A_311 = vector.broadcast %slice3A_309 : vector<2048x1xf32> to vector<2048x64xf32>
    %mul3A_312 = arith.mulf %mul3A_311, %slice3A_310 : vector<2048x64xf32>
    %add3A_313 = arith.addf %add3A_308, %mul3A_312 : vector<2048x64xf32>
    %slice3A_314 = vector.extract_strided_slice %convert_element_type3A_6 {offsets = [0, 60], sizes = [2048, 1], strides = [1, 1]} : vector<2048x64xf32> to vector<2048x1xf32>
    %slice3A_315 = vector.extract_strided_slice %dot_general3A_13 {offsets = [0, 3840], sizes = [2048, 64], strides = [1, 1]} : vector<2048x4096xf32> to vector<2048x64xf32>
    %mul3A_316 = vector.broadcast %slice3A_314 : vector<2048x1xf32> to vector<2048x64xf32>
    %mul3A_317 = arith.mulf %mul3A_316, %slice3A_315 : vector<2048x64xf32>
    %add3A_318 = arith.addf %add3A_313, %mul3A_317 : vector<2048x64xf32>
    %slice3A_319 = vector.extract_strided_slice %convert_element_type3A_6 {offsets = [0, 61], sizes = [2048, 1], strides = [1, 1]} : vector<2048x64xf32> to vector<2048x1xf32>
    %slice3A_320 = vector.extract_strided_slice %dot_general3A_13 {offsets = [0, 3904], sizes = [2048, 64], strides = [1, 1]} : vector<2048x4096xf32> to vector<2048x64xf32>
    %mul3A_321 = vector.broadcast %slice3A_319 : vector<2048x1xf32> to vector<2048x64xf32>
    %mul3A_322 = arith.mulf %mul3A_321, %slice3A_320 : vector<2048x64xf32>
    %add3A_323 = arith.addf %add3A_318, %mul3A_322 : vector<2048x64xf32>
    %slice3A_324 = vector.extract_strided_slice %convert_element_type3A_6 {offsets = [0, 62], sizes = [2048, 1], strides = [1, 1]} : vector<2048x64xf32> to vector<2048x1xf32>
    %slice3A_325 = vector.extract_strided_slice %dot_general3A_13 {offsets = [0, 3968], sizes = [2048, 64], strides = [1, 1]} : vector<2048x4096xf32> to vector<2048x64xf32>
    %mul3A_326 = vector.broadcast %slice3A_324 : vector<2048x1xf32> to vector<2048x64xf32>
    %mul3A_327 = arith.mulf %mul3A_326, %slice3A_325 : vector<2048x64xf32>
    %add3A_328 = arith.addf %add3A_323, %mul3A_327 : vector<2048x64xf32>
    %slice3A_329 = vector.extract_strided_slice %convert_element_type3A_6 {offsets = [0, 63], sizes = [2048, 1], strides = [1, 1]} : vector<2048x64xf32> to vector<2048x1xf32>
    %slice3A_330 = vector.extract_strided_slice %dot_general3A_13 {offsets = [0, 4032], sizes = [2048, 64], strides = [1, 1]} : vector<2048x4096xf32> to vector<2048x64xf32>
    %mul3A_331 = vector.broadcast %slice3A_329 : vector<2048x1xf32> to vector<2048x64xf32>
    %mul3A_332 = arith.mulf %mul3A_331, %slice3A_330 : vector<2048x64xf32>
    %add3A_333 = arith.addf %add3A_328, %mul3A_332 : vector<2048x64xf32>
    %swap3A = arith.constant 0 : index
    %swap3A_334 = arith.constant 0 : index
    %swap3A_335 = vector.load %arg17[%swap3A, %swap3A_334] : memref<2048x64xf32, #tpu.memory_space<vmem>>, vector<2048x64xf32>
    tpu.vector_store %arg17[%swap3A, %swap3A_334], %add3A_333 {strides = array<i32>} : memref<2048x64xf32, #tpu.memory_space<vmem>>, vector<2048x64xf32>,
    %eq3A_336 = arith.constant 0 : i32
    %eq3A_337 = arith.cmpi eq, %arg0, %eq3A_336 : i32
    %convert_element_type3A_338 = arith.extui %eq3A_337 : i1 to i32
    %cond3A_339 = arith.constant 0 : i32
    %cond3A_340 = arith.cmpi ne, %convert_element_type3A_338, %cond3A_339 : i32
    scf.if %cond3A_340 {
      %iota3A = tpu.iota {dimensions = array<i32: 0>} : vector<1024x2048xi32>
      %get3A_341 = arith.constant 0 : index
      %get3A_342 = arith.constant 0 : index
      %get3A_343 = vector.load %arg3[%get3A_341, %get3A_342] : memref<1x2048xi32, #tpu.memory_space<vmem>>, vector<1x2048xi32>
      %eq3A_344 = vector.broadcast %get3A_343 : vector<1x2048xi32> to vector<1024x2048xi32>
      %eq3A_345 = arith.cmpi eq, %eq3A_344, %iota3A : vector<1024x2048xi32>
      %convert_element_type3A_346 = arith.extui %eq3A_345 : vector<1024x2048xi1> to vector<1024x2048xi32>
      %convert_element_type3A_347 = arith.sitofp %convert_element_type3A_346 : vector<1024x2048xi32> to vector<1024x2048xf32>
      %get3A_348 = arith.constant 0 : index
      %get3A_349 = arith.constant 0 : index
      %get3A_350 = vector.load %arg17[%get3A_348, %get3A_349] : memref<2048x64xf32, #tpu.memory_space<vmem>>, vector<2048x64xf32>
      %convert_element_type3A_351 = arith.truncf %get3A_350 : vector<2048x64xf32> to vector<2048x64xbf16>
      %convert_element_type3A_352 = arith.extf %convert_element_type3A_351 : vector<2048x64xbf16> to vector<2048x64xf32>
      %dot_general3A_353 = arith.constant dense<0.000000e+00> : vector<1024x64xf32>
      %dot_general3A_354 = tpu.matmul %convert_element_type3A_347, %convert_element_type3A_352, %dot_general3A_353 {dimension_numbers = #tpu.dot_dimension_numbers<[1], [0], [0], [1], [0, 0, 1, 1], [], []>, transpose_lhs_hint = false} : vector<1024x2048xf32>, vector<2048x64xf32>, vector<1024x64xf32> -> vector<1024x64xf32>
      %sub3A = arith.subf %get3A_350, %convert_element_type3A_352 : vector<2048x64xf32>
      %dot_general3A_355 = arith.constant dense<0.000000e+00> : vector<1024x64xf32>
      %dot_general3A_356 = tpu.matmul %convert_element_type3A_347, %sub3A, %dot_general3A_355 {dimension_numbers = #tpu.dot_dimension_numbers<[1], [0], [0], [1], [0, 0, 1, 1], [], []>, transpose_lhs_hint = false} : vector<1024x2048xf32>, vector<2048x64xf32>, vector<1024x64xf32> -> vector<1024x64xf32>
      %add3A_357 = arith.addf %dot_general3A_354, %dot_general3A_356 : vector<1024x64xf32>
      %get3A_358 = arith.constant 0 : index
      %get3A_359 = arith.constant 0 : index
      %get3A_360 = vector.load %arg1[%get3A_358, %get3A_359] : memref<1024x128xf32, #tpu.memory_space<vmem>>, vector<1024x128xf32>
      %slice3A_361 = vector.extract_strided_slice %get3A_360 {offsets = [0, 0], sizes = [1024, 4], strides = [1, 1]} : vector<1024x128xf32> to vector<1024x4xf32>
      %get3A_362 = arith.constant 0 : index
      %get3A_363 = arith.constant 0 : index
      %get3A_364 = vector.load %arg12[%get3A_362, %get3A_363] : memref<4x64xf32, #tpu.memory_space<vmem>>, vector<4x64xf32>
      %dot_general3A_365 = arith.constant dense<0.000000e+00> : vector<1024x64xf32>
      %dot_general3A_366 = tpu.matmul %slice3A_361, %get3A_364, %dot_general3A_365 {dimension_numbers = #tpu.dot_dimension_numbers<[1], [0], [0], [1], [0, 0, 1, 1], [], []>, transpose_lhs_hint = false} : vector<1024x4xf32>, vector<4x64xf32>, vector<1024x64xf32> -> vector<1024x64xf32>
      %add3A_367 = arith.addf %add3A_357, %dot_general3A_366 : vector<1024x64xf32>
      %get3A_368 = arith.constant 0 : index
      %get3A_369 = arith.constant 0 : index
      %get3A_370 = vector.load %arg13[%get3A_368, %get3A_369] : memref<1x64xf32, #tpu.memory_space<vmem>>, vector<1x64xf32>
      %add3A_371 = vector.broadcast %get3A_370 : vector<1x64xf32> to vector<1024x64xf32>
      %add3A_372 = arith.addf %add3A_367, %add3A_371 : vector<1024x64xf32>
      %max3A = arith.constant 0.000000e+00 : f32
      %max3A_373 = vector.broadcast %max3A : f32 to vector<1024x64xf32>
      %max3A_374 = arith.maximumf %add3A_372, %max3A_373 : vector<1024x64xf32>
      %broadcast_in_dim3A = arith.constant 0.000000e+00 : f32
      %broadcast_in_dim3A_375 = vector.broadcast %broadcast_in_dim3A : f32 to vector<1024x64xf32>
      %concatenate3A = tpu.concatenate %max3A_374, %broadcast_in_dim3A_375 in 1 : vector<1024x64xf32>, vector<1024x64xf32> -> vector<1024x128xf32>
      %swap3A_376 = arith.constant 0 : index
      %swap3A_377 = arith.constant 0 : index
      %swap3A_378 = vector.load %arg14[%swap3A_376, %swap3A_377] : memref<1024x128xf32, #tpu.memory_space<vmem>>, vector<1024x128xf32>
      tpu.vector_store %arg14[%swap3A_376, %swap3A_377], %concatenate3A {strides = array<i32>} : memref<1024x128xf32, #tpu.memory_space<vmem>>, vector<1024x128xf32>,
    } else {
    }
    return
  }
  func.func @transform_0(%arg0: i32) -> (i32, i32) {
    %c0_i32 = arith.constant 0 : i32
    %c0_i32_0 = arith.constant 0 : i32
    %c0_i32_1 = arith.constant 0 : i32
    return %c0_i32, %c0_i32_0 : i32, i32
  }
  func.func @transform_1(%arg0: i32) -> (i32, i32) {
    %c0_i32 = arith.constant 0 : i32
    %c0_i32_0 = arith.constant 0 : i32
    %c0_i32_1 = arith.constant 0 : i32
    return %c0_i32, %c0_i32_0 : i32, i32
  }
  func.func @transform_2(%arg0: i32) -> (i32, i32) {
    %c0_i32 = arith.constant 0 : i32
    %c0_i32_0 = arith.constant 0 : i32
    %c0_i32_1 = arith.constant 0 : i32
    return %c0_i32, %c0_i32_0 : i32, i32
  }
  func.func @transform_3(%arg0: i32) -> (i32, i32) {
    %c0_i32 = arith.constant 0 : i32
    %c0_i32_0 = arith.constant 0 : i32
    %c0_i32_1 = arith.constant 0 : i32
    return %c0_i32, %c0_i32_0 : i32, i32
  }
  func.func @transform_4(%arg0: i32) -> (i32, i32) {
    %c0_i32 = arith.constant 0 : i32
    %c0_i32_0 = arith.constant 0 : i32
    %c0_i32_1 = arith.constant 0 : i32
    return %c0_i32, %c0_i32_0 : i32, i32
  }
  func.func @transform_5(%arg0: i32) -> (i32, i32) {
    %c0_i32 = arith.constant 0 : i32
    %c0_i32_0 = arith.constant 0 : i32
    %c0_i32_1 = arith.constant 0 : i32
    return %c0_i32, %c0_i32_0 : i32, i32
  }
  func.func @transform_6(%arg0: i32) -> (i32, i32) {
    %c0_i32 = arith.constant 0 : i32
    %c0_i32_0 = arith.constant 0 : i32
    %c0_i32_1 = arith.constant 0 : i32
    return %c0_i32, %c0_i32_0 : i32, i32
  }
  func.func @transform_7(%arg0: i32) -> (i32, i32) {
    %c0_i32 = arith.constant 0 : i32
    %c0_i32_0 = arith.constant 0 : i32
    %c0_i32_1 = arith.constant 0 : i32
    return %c0_i32, %c0_i32_0 : i32, i32
  }
  func.func @transform_8(%arg0: i32) -> (i32, i32) {
    %c0_i32 = arith.constant 0 : i32
    %c0_i32_0 = arith.constant 0 : i32
    %c0_i32_1 = arith.constant 0 : i32
    return %c0_i32, %c0_i32_0 : i32, i32
  }
  func.func @transform_9(%arg0: i32) -> (i32, i32) {
    %c0_i32 = arith.constant 0 : i32
    %c0_i32_0 = arith.constant 0 : i32
    return %c0_i32, %arg0 : i32, i32
  }
  func.func @transform_10(%arg0: i32) -> (i32, i32) {
    %c0_i32 = arith.constant 0 : i32
    %c0_i32_0 = arith.constant 0 : i32
    %c0_i32_1 = arith.constant 0 : i32
    return %c0_i32, %c0_i32_0 : i32, i32
  }
  func.func @transform_11(%arg0: i32) -> (i32, i32) {
    %c0_i32 = arith.constant 0 : i32
    %c0_i32_0 = arith.constant 0 : i32
    %c0_i32_1 = arith.constant 0 : i32
    return %c0_i32, %c0_i32_0 : i32, i32
  }
  func.func @transform_12(%arg0: i32) -> (i32, i32) {
    %c0_i32 = arith.constant 0 : i32
    %c0_i32_0 = arith.constant 0 : i32
    %c0_i32_1 = arith.constant 0 : i32
    return %c0_i32, %c0_i32_0 : i32, i32
  }
  func.func @transform_13(%arg0: i32) -> (i32, i32) {
    %c0_i32 = arith.constant 0 : i32
    %c0_i32_0 = arith.constant 0 : i32
    %c0_i32_1 = arith.constant 0 : i32
    return %c0_i32, %c0_i32_0 : i32, i32
  }
}

module attributes {stable_mosaic.version = 14 : i64} {
  func.func @_msg_body(%arg0: i32, %arg1: memref<1024x128xf32, #tpu.memory_space<vmem>>, %arg2: memref<2048x128xf32, #tpu.memory_space<vmem>>, %arg3: memref<1x2048xi32, #tpu.memory_space<vmem>>, %arg4: memref<2048x3xf32, #tpu.memory_space<vmem>>, %arg5: memref<2048x3xf32, #tpu.memory_space<vmem>>, %arg6: memref<3x64xf32, #tpu.memory_space<vmem>>, %arg7: memref<1x64xf32, #tpu.memory_space<vmem>>, %arg8: memref<64x64xf32, #tpu.memory_space<vmem>>, %arg9: memref<1x64xf32, #tpu.memory_space<vmem>>, %arg10: memref<64x2048xbf16, #tpu.memory_space<vmem>>, %arg11: memref<64x128xf32, #tpu.memory_space<vmem>>, %arg12: memref<64x128xf32, #tpu.memory_space<vmem>>, %arg13: memref<1x128xf32, #tpu.memory_space<vmem>>, %arg14: memref<1024x128xf32, #tpu.memory_space<vmem>>, %arg15: memref<4x2048x16xbf16, #tpu.memory_space<vmem>>, %arg16: memref<2048x64xbf16, #tpu.memory_space<vmem>>, %arg17: memref<2048x128xf32, #tpu.memory_space<vmem>>) attributes {dimension_semantics = [#tpu.dimension_semantics<arbitrary>], iteration_bounds = array<i64: 4>, scalar_prefetch = 0 : i64, scratch_operands = 3 : i64, tpu.core_type = #tpu.core_type<tc>, window_params = [{pipeline_mode = #tpu.pipeline_mode<synchronous>, transform_indices = @transform_0, window_bounds = array<i64: 1024, 128>}, {pipeline_mode = #tpu.pipeline_mode<synchronous>, transform_indices = @transform_1, window_bounds = array<i64: 2048, 128>}, {pipeline_mode = #tpu.pipeline_mode<synchronous>, transform_indices = @transform_2, window_bounds = array<i64: 1, 2048>}, {pipeline_mode = #tpu.pipeline_mode<synchronous>, transform_indices = @transform_3, window_bounds = array<i64: 2048, 3>}, {pipeline_mode = #tpu.pipeline_mode<synchronous>, transform_indices = @transform_4, window_bounds = array<i64: 2048, 3>}, {pipeline_mode = #tpu.pipeline_mode<synchronous>, transform_indices = @transform_5, window_bounds = array<i64: 3, 64>}, {pipeline_mode = #tpu.pipeline_mode<synchronous>, transform_indices = @transform_6, window_bounds = array<i64: 1, 64>}, {pipeline_mode = #tpu.pipeline_mode<synchronous>, transform_indices = @transform_7, window_bounds = array<i64: 64, 64>}, {pipeline_mode = #tpu.pipeline_mode<synchronous>, transform_indices = @transform_8, window_bounds = array<i64: 1, 64>}, {transform_indices = @transform_9, window_bounds = array<i64: 64, 2048>}, {pipeline_mode = #tpu.pipeline_mode<synchronous>, transform_indices = @transform_10, window_bounds = array<i64: 64, 128>}, {pipeline_mode = #tpu.pipeline_mode<synchronous>, transform_indices = @transform_11, window_bounds = array<i64: 64, 128>}, {pipeline_mode = #tpu.pipeline_mode<synchronous>, transform_indices = @transform_12, window_bounds = array<i64: 1, 128>}, {pipeline_mode = #tpu.pipeline_mode<synchronous>, transform_indices = @transform_13, window_bounds = array<i64: 1024, 128>}]} {
    %eq3A = arith.constant 0 : i32
    %eq3A_0 = arith.cmpi eq, %arg0, %eq3A : i32
    %convert_element_type3A = arith.extui %eq3A_0 : i1 to i32
    %cond3A = arith.constant 0 : i32
    %cond3A_1 = arith.cmpi ne, %convert_element_type3A, %cond3A : i32
    scf.if %cond3A_1 {
      %get3A_101 = arith.constant 0 : index
      %get3A_102 = arith.constant 0 : index
      %get3A_103 = vector.load %arg4[%get3A_101, %get3A_102] : memref<2048x3xf32, #tpu.memory_space<vmem>>, vector<2048x3xf32>
      %get3A_104 = arith.constant 0 : index
      %get3A_105 = arith.constant 0 : index
      %get3A_106 = vector.load %arg5[%get3A_104, %get3A_105] : memref<2048x3xf32, #tpu.memory_space<vmem>>, vector<2048x3xf32>
      %add3A_107 = arith.addf %get3A_103, %get3A_106 : vector<2048x3xf32>
      %get3A_108 = arith.constant 0 : index
      %get3A_109 = arith.constant 0 : index
      %get3A_110 = vector.load %arg6[%get3A_108, %get3A_109] : memref<3x64xf32, #tpu.memory_space<vmem>>, vector<3x64xf32>
      %dot_general3A_111 = arith.constant dense<0.000000e+00> : vector<2048x64xf32>
      %dot_general3A_112 = tpu.matmul %add3A_107, %get3A_110, %dot_general3A_111 {dimension_numbers = #tpu.dot_dimension_numbers<[1], [0], [0], [1], [0, 0, 1, 1], [], []>, transpose_lhs_hint = false} : vector<2048x3xf32>, vector<3x64xf32>, vector<2048x64xf32> -> vector<2048x64xf32>
      %get3A_113 = arith.constant 0 : index
      %get3A_114 = arith.constant 0 : index
      %get3A_115 = vector.load %arg7[%get3A_113, %get3A_114] : memref<1x64xf32, #tpu.memory_space<vmem>>, vector<1x64xf32>
      %add3A_116 = vector.broadcast %get3A_115 : vector<1x64xf32> to vector<2048x64xf32>
      %add3A_117 = arith.addf %dot_general3A_112, %add3A_116 : vector<2048x64xf32>
      %max3A = arith.constant 0.000000e+00 : f32
      %max3A_118 = vector.broadcast %max3A : f32 to vector<2048x64xf32>
      %max3A_119 = arith.maximumf %add3A_117, %max3A_118 : vector<2048x64xf32>
      %get3A_120 = arith.constant 0 : index
      %get3A_121 = arith.constant 0 : index
      %get3A_122 = vector.load %arg8[%get3A_120, %get3A_121] : memref<64x64xf32, #tpu.memory_space<vmem>>, vector<64x64xf32>
      %dot_general3A_123 = arith.constant dense<0.000000e+00> : vector<2048x64xf32>
      %dot_general3A_124 = tpu.matmul %max3A_119, %get3A_122, %dot_general3A_123 {dimension_numbers = #tpu.dot_dimension_numbers<[1], [0], [0], [1], [0, 0, 1, 1], [], []>, transpose_lhs_hint = false} : vector<2048x64xf32>, vector<64x64xf32>, vector<2048x64xf32> -> vector<2048x64xf32>
      %get3A_125 = arith.constant 0 : index
      %get3A_126 = arith.constant 0 : index
      %get3A_127 = vector.load %arg9[%get3A_125, %get3A_126] : memref<1x64xf32, #tpu.memory_space<vmem>>, vector<1x64xf32>
      %add3A_128 = vector.broadcast %get3A_127 : vector<1x64xf32> to vector<2048x64xf32>
      %add3A_129 = arith.addf %dot_general3A_124, %add3A_128 : vector<2048x64xf32>
      %max3A_130 = arith.constant 0.000000e+00 : f32
      %max3A_131 = vector.broadcast %max3A_130 : f32 to vector<2048x64xf32>
      %max3A_132 = arith.maximumf %add3A_129, %max3A_131 : vector<2048x64xf32>
      %convert_element_type3A_133 = arith.truncf %max3A_132 : vector<2048x64xf32> to vector<2048x64xbf16>
      %slice3A_134 = vector.extract_strided_slice %convert_element_type3A_133 {offsets = [0, 0], sizes = [2048, 16], strides = [1, 1]} : vector<2048x64xbf16> to vector<2048x16xbf16>
      %swap3A_135 = arith.constant 0 : index
      %swap3A_136 = arith.constant 0 : index
      %swap3A_137 = arith.constant 0 : index
      %swap3A_138 = vector.load %arg15[%swap3A_135, %swap3A_136, %swap3A_137] : memref<4x2048x16xbf16, #tpu.memory_space<vmem>>, vector<1x2048x16xbf16>
      %swap3A_139 = vector.shape_cast %swap3A_138 : vector<1x2048x16xbf16> to vector<2048x16xbf16>
      %swap3A_140 = vector.shape_cast %slice3A_134 : vector<2048x16xbf16> to vector<1x2048x16xbf16>
      tpu.vector_store %arg15[%swap3A_135, %swap3A_136, %swap3A_137], %swap3A_140 {strides = array<i32>} : memref<4x2048x16xbf16, #tpu.memory_space<vmem>>, vector<1x2048x16xbf16>,
      %slice3A_141 = vector.extract_strided_slice %convert_element_type3A_133 {offsets = [0, 16], sizes = [2048, 16], strides = [1, 1]} : vector<2048x64xbf16> to vector<2048x16xbf16>
      %swap3A_142 = arith.constant 1 : index
      %swap3A_143 = arith.constant 0 : index
      %swap3A_144 = arith.constant 0 : index
      %swap3A_145 = vector.load %arg15[%swap3A_142, %swap3A_143, %swap3A_144] : memref<4x2048x16xbf16, #tpu.memory_space<vmem>>, vector<1x2048x16xbf16>
      %swap3A_146 = vector.shape_cast %swap3A_145 : vector<1x2048x16xbf16> to vector<2048x16xbf16>
      %swap3A_147 = vector.shape_cast %slice3A_141 : vector<2048x16xbf16> to vector<1x2048x16xbf16>
      tpu.vector_store %arg15[%swap3A_142, %swap3A_143, %swap3A_144], %swap3A_147 {strides = array<i32>} : memref<4x2048x16xbf16, #tpu.memory_space<vmem>>, vector<1x2048x16xbf16>,
      %slice3A_148 = vector.extract_strided_slice %convert_element_type3A_133 {offsets = [0, 32], sizes = [2048, 16], strides = [1, 1]} : vector<2048x64xbf16> to vector<2048x16xbf16>
      %swap3A_149 = arith.constant 2 : index
      %swap3A_150 = arith.constant 0 : index
      %swap3A_151 = arith.constant 0 : index
      %swap3A_152 = vector.load %arg15[%swap3A_149, %swap3A_150, %swap3A_151] : memref<4x2048x16xbf16, #tpu.memory_space<vmem>>, vector<1x2048x16xbf16>
      %swap3A_153 = vector.shape_cast %swap3A_152 : vector<1x2048x16xbf16> to vector<2048x16xbf16>
      %swap3A_154 = vector.shape_cast %slice3A_148 : vector<2048x16xbf16> to vector<1x2048x16xbf16>
      tpu.vector_store %arg15[%swap3A_149, %swap3A_150, %swap3A_151], %swap3A_154 {strides = array<i32>} : memref<4x2048x16xbf16, #tpu.memory_space<vmem>>, vector<1x2048x16xbf16>,
      %slice3A_155 = vector.extract_strided_slice %convert_element_type3A_133 {offsets = [0, 48], sizes = [2048, 16], strides = [1, 1]} : vector<2048x64xbf16> to vector<2048x16xbf16>
      %swap3A_156 = arith.constant 3 : index
      %swap3A_157 = arith.constant 0 : index
      %swap3A_158 = arith.constant 0 : index
      %swap3A_159 = vector.load %arg15[%swap3A_156, %swap3A_157, %swap3A_158] : memref<4x2048x16xbf16, #tpu.memory_space<vmem>>, vector<1x2048x16xbf16>
      %swap3A_160 = vector.shape_cast %swap3A_159 : vector<1x2048x16xbf16> to vector<2048x16xbf16>
      %swap3A_161 = vector.shape_cast %slice3A_155 : vector<2048x16xbf16> to vector<1x2048x16xbf16>
      tpu.vector_store %arg15[%swap3A_156, %swap3A_157, %swap3A_158], %swap3A_161 {strides = array<i32>} : memref<4x2048x16xbf16, #tpu.memory_space<vmem>>, vector<1x2048x16xbf16>,
      %get3A_162 = arith.constant 0 : index
      %get3A_163 = arith.constant 0 : index
      %get3A_164 = vector.load %arg2[%get3A_162, %get3A_163] : memref<2048x128xf32, #tpu.memory_space<vmem>>, vector<2048x128xf32>
      %slice3A_165 = vector.extract_strided_slice %get3A_164 {offsets = [0, 0], sizes = [2048, 64], strides = [1, 1]} : vector<2048x128xf32> to vector<2048x64xf32>
      %convert_element_type3A_166 = arith.truncf %slice3A_165 : vector<2048x64xf32> to vector<2048x64xbf16>
      %swap3A_167 = arith.constant 0 : index
      %swap3A_168 = arith.constant 0 : index
      %swap3A_169 = vector.load %arg16[%swap3A_167, %swap3A_168] : memref<2048x64xbf16, #tpu.memory_space<vmem>>, vector<2048x64xbf16>
      tpu.vector_store %arg16[%swap3A_167, %swap3A_168], %convert_element_type3A_166 {strides = array<i32>} : memref<2048x64xbf16, #tpu.memory_space<vmem>>, vector<2048x64xbf16>,
      %get3A_170 = arith.constant 0 : index
      %get3A_171 = arith.constant 0 : index
      %get3A_172 = vector.load %arg11[%get3A_170, %get3A_171] : memref<64x128xf32, #tpu.memory_space<vmem>>, vector<64x128xf32>
      %dot_general3A_173 = arith.constant dense<0.000000e+00> : vector<2048x128xf32>
      %dot_general3A_174 = tpu.matmul %slice3A_165, %get3A_172, %dot_general3A_173 {dimension_numbers = #tpu.dot_dimension_numbers<[1], [0], [0], [1], [0, 0, 1, 1], [], []>, transpose_lhs_hint = false} : vector<2048x64xf32>, vector<64x128xf32>, vector<2048x128xf32> -> vector<2048x128xf32>
      %swap3A_175 = arith.constant 0 : index
      %swap3A_176 = arith.constant 0 : index
      %swap3A_177 = vector.load %arg17[%swap3A_175, %swap3A_176] : memref<2048x128xf32, #tpu.memory_space<vmem>>, vector<2048x128xf32>
      tpu.vector_store %arg17[%swap3A_175, %swap3A_176], %dot_general3A_174 {strides = array<i32>} : memref<2048x128xf32, #tpu.memory_space<vmem>>, vector<2048x128xf32>,
    } else {
    }
    %get3A = arith.index_cast %arg0 : i32 to index
    %get3A_2 = arith.constant 0 : index
    %get3A_3 = arith.constant 0 : index
    %get3A_4 = vector.load %arg15[%get3A, %get3A_2, %get3A_3] : memref<4x2048x16xbf16, #tpu.memory_space<vmem>>, vector<1x2048x16xbf16>
    %get3A_5 = vector.shape_cast %get3A_4 : vector<1x2048x16xbf16> to vector<2048x16xbf16>
    %convert_element_type3A_6 = arith.extf %get3A_5 : vector<2048x16xbf16> to vector<2048x16xf32>
    %get3A_7 = arith.constant 0 : index
    %get3A_8 = arith.constant 0 : index
    %get3A_9 = vector.load %arg16[%get3A_7, %get3A_8] : memref<2048x64xbf16, #tpu.memory_space<vmem>>, vector<2048x64xbf16>
    %get3A_10 = arith.constant 0 : index
    %get3A_11 = arith.constant 0 : index
    %get3A_12 = vector.load %arg10[%get3A_10, %get3A_11] : memref<64x2048xbf16, #tpu.memory_space<vmem>>, vector<64x2048xbf16>
    %dot_general3A = arith.constant dense<0.000000e+00> : vector<2048x2048xf32>
    %dot_general3A_13 = tpu.matmul %get3A_9, %get3A_12, %dot_general3A {dimension_numbers = #tpu.dot_dimension_numbers<[1], [0], [0], [1], [0, 0, 1, 1], [], []>, transpose_lhs_hint = false} : vector<2048x64xbf16>, vector<64x2048xbf16>, vector<2048x2048xf32> -> vector<2048x2048xf32>
    %get3A_14 = arith.constant 0 : index
    %get3A_15 = arith.constant 0 : index
    %get3A_16 = vector.load %arg17[%get3A_14, %get3A_15] : memref<2048x128xf32, #tpu.memory_space<vmem>>, vector<2048x128xf32>
    %slice3A = vector.extract_strided_slice %convert_element_type3A_6 {offsets = [0, 0], sizes = [2048, 1], strides = [1, 1]} : vector<2048x16xf32> to vector<2048x1xf32>
    %slice3A_17 = vector.extract_strided_slice %dot_general3A_13 {offsets = [0, 0], sizes = [2048, 128], strides = [1, 1]} : vector<2048x2048xf32> to vector<2048x128xf32>
    %mul3A = vector.broadcast %slice3A : vector<2048x1xf32> to vector<2048x128xf32>
    %mul3A_18 = arith.mulf %mul3A, %slice3A_17 : vector<2048x128xf32>
    %add3A = arith.addf %get3A_16, %mul3A_18 : vector<2048x128xf32>
    %slice3A_19 = vector.extract_strided_slice %convert_element_type3A_6 {offsets = [0, 1], sizes = [2048, 1], strides = [1, 1]} : vector<2048x16xf32> to vector<2048x1xf32>
    %slice3A_20 = vector.extract_strided_slice %dot_general3A_13 {offsets = [0, 128], sizes = [2048, 128], strides = [1, 1]} : vector<2048x2048xf32> to vector<2048x128xf32>
    %mul3A_21 = vector.broadcast %slice3A_19 : vector<2048x1xf32> to vector<2048x128xf32>
    %mul3A_22 = arith.mulf %mul3A_21, %slice3A_20 : vector<2048x128xf32>
    %add3A_23 = arith.addf %add3A, %mul3A_22 : vector<2048x128xf32>
    %slice3A_24 = vector.extract_strided_slice %convert_element_type3A_6 {offsets = [0, 2], sizes = [2048, 1], strides = [1, 1]} : vector<2048x16xf32> to vector<2048x1xf32>
    %slice3A_25 = vector.extract_strided_slice %dot_general3A_13 {offsets = [0, 256], sizes = [2048, 128], strides = [1, 1]} : vector<2048x2048xf32> to vector<2048x128xf32>
    %mul3A_26 = vector.broadcast %slice3A_24 : vector<2048x1xf32> to vector<2048x128xf32>
    %mul3A_27 = arith.mulf %mul3A_26, %slice3A_25 : vector<2048x128xf32>
    %add3A_28 = arith.addf %add3A_23, %mul3A_27 : vector<2048x128xf32>
    %slice3A_29 = vector.extract_strided_slice %convert_element_type3A_6 {offsets = [0, 3], sizes = [2048, 1], strides = [1, 1]} : vector<2048x16xf32> to vector<2048x1xf32>
    %slice3A_30 = vector.extract_strided_slice %dot_general3A_13 {offsets = [0, 384], sizes = [2048, 128], strides = [1, 1]} : vector<2048x2048xf32> to vector<2048x128xf32>
    %mul3A_31 = vector.broadcast %slice3A_29 : vector<2048x1xf32> to vector<2048x128xf32>
    %mul3A_32 = arith.mulf %mul3A_31, %slice3A_30 : vector<2048x128xf32>
    %add3A_33 = arith.addf %add3A_28, %mul3A_32 : vector<2048x128xf32>
    %slice3A_34 = vector.extract_strided_slice %convert_element_type3A_6 {offsets = [0, 4], sizes = [2048, 1], strides = [1, 1]} : vector<2048x16xf32> to vector<2048x1xf32>
    %slice3A_35 = vector.extract_strided_slice %dot_general3A_13 {offsets = [0, 512], sizes = [2048, 128], strides = [1, 1]} : vector<2048x2048xf32> to vector<2048x128xf32>
    %mul3A_36 = vector.broadcast %slice3A_34 : vector<2048x1xf32> to vector<2048x128xf32>
    %mul3A_37 = arith.mulf %mul3A_36, %slice3A_35 : vector<2048x128xf32>
    %add3A_38 = arith.addf %add3A_33, %mul3A_37 : vector<2048x128xf32>
    %slice3A_39 = vector.extract_strided_slice %convert_element_type3A_6 {offsets = [0, 5], sizes = [2048, 1], strides = [1, 1]} : vector<2048x16xf32> to vector<2048x1xf32>
    %slice3A_40 = vector.extract_strided_slice %dot_general3A_13 {offsets = [0, 640], sizes = [2048, 128], strides = [1, 1]} : vector<2048x2048xf32> to vector<2048x128xf32>
    %mul3A_41 = vector.broadcast %slice3A_39 : vector<2048x1xf32> to vector<2048x128xf32>
    %mul3A_42 = arith.mulf %mul3A_41, %slice3A_40 : vector<2048x128xf32>
    %add3A_43 = arith.addf %add3A_38, %mul3A_42 : vector<2048x128xf32>
    %slice3A_44 = vector.extract_strided_slice %convert_element_type3A_6 {offsets = [0, 6], sizes = [2048, 1], strides = [1, 1]} : vector<2048x16xf32> to vector<2048x1xf32>
    %slice3A_45 = vector.extract_strided_slice %dot_general3A_13 {offsets = [0, 768], sizes = [2048, 128], strides = [1, 1]} : vector<2048x2048xf32> to vector<2048x128xf32>
    %mul3A_46 = vector.broadcast %slice3A_44 : vector<2048x1xf32> to vector<2048x128xf32>
    %mul3A_47 = arith.mulf %mul3A_46, %slice3A_45 : vector<2048x128xf32>
    %add3A_48 = arith.addf %add3A_43, %mul3A_47 : vector<2048x128xf32>
    %slice3A_49 = vector.extract_strided_slice %convert_element_type3A_6 {offsets = [0, 7], sizes = [2048, 1], strides = [1, 1]} : vector<2048x16xf32> to vector<2048x1xf32>
    %slice3A_50 = vector.extract_strided_slice %dot_general3A_13 {offsets = [0, 896], sizes = [2048, 128], strides = [1, 1]} : vector<2048x2048xf32> to vector<2048x128xf32>
    %mul3A_51 = vector.broadcast %slice3A_49 : vector<2048x1xf32> to vector<2048x128xf32>
    %mul3A_52 = arith.mulf %mul3A_51, %slice3A_50 : vector<2048x128xf32>
    %add3A_53 = arith.addf %add3A_48, %mul3A_52 : vector<2048x128xf32>
    %slice3A_54 = vector.extract_strided_slice %convert_element_type3A_6 {offsets = [0, 8], sizes = [2048, 1], strides = [1, 1]} : vector<2048x16xf32> to vector<2048x1xf32>
    %slice3A_55 = vector.extract_strided_slice %dot_general3A_13 {offsets = [0, 1024], sizes = [2048, 128], strides = [1, 1]} : vector<2048x2048xf32> to vector<2048x128xf32>
    %mul3A_56 = vector.broadcast %slice3A_54 : vector<2048x1xf32> to vector<2048x128xf32>
    %mul3A_57 = arith.mulf %mul3A_56, %slice3A_55 : vector<2048x128xf32>
    %add3A_58 = arith.addf %add3A_53, %mul3A_57 : vector<2048x128xf32>
    %slice3A_59 = vector.extract_strided_slice %convert_element_type3A_6 {offsets = [0, 9], sizes = [2048, 1], strides = [1, 1]} : vector<2048x16xf32> to vector<2048x1xf32>
    %slice3A_60 = vector.extract_strided_slice %dot_general3A_13 {offsets = [0, 1152], sizes = [2048, 128], strides = [1, 1]} : vector<2048x2048xf32> to vector<2048x128xf32>
    %mul3A_61 = vector.broadcast %slice3A_59 : vector<2048x1xf32> to vector<2048x128xf32>
    %mul3A_62 = arith.mulf %mul3A_61, %slice3A_60 : vector<2048x128xf32>
    %add3A_63 = arith.addf %add3A_58, %mul3A_62 : vector<2048x128xf32>
    %slice3A_64 = vector.extract_strided_slice %convert_element_type3A_6 {offsets = [0, 10], sizes = [2048, 1], strides = [1, 1]} : vector<2048x16xf32> to vector<2048x1xf32>
    %slice3A_65 = vector.extract_strided_slice %dot_general3A_13 {offsets = [0, 1280], sizes = [2048, 128], strides = [1, 1]} : vector<2048x2048xf32> to vector<2048x128xf32>
    %mul3A_66 = vector.broadcast %slice3A_64 : vector<2048x1xf32> to vector<2048x128xf32>
    %mul3A_67 = arith.mulf %mul3A_66, %slice3A_65 : vector<2048x128xf32>
    %add3A_68 = arith.addf %add3A_63, %mul3A_67 : vector<2048x128xf32>
    %slice3A_69 = vector.extract_strided_slice %convert_element_type3A_6 {offsets = [0, 11], sizes = [2048, 1], strides = [1, 1]} : vector<2048x16xf32> to vector<2048x1xf32>
    %slice3A_70 = vector.extract_strided_slice %dot_general3A_13 {offsets = [0, 1408], sizes = [2048, 128], strides = [1, 1]} : vector<2048x2048xf32> to vector<2048x128xf32>
    %mul3A_71 = vector.broadcast %slice3A_69 : vector<2048x1xf32> to vector<2048x128xf32>
    %mul3A_72 = arith.mulf %mul3A_71, %slice3A_70 : vector<2048x128xf32>
    %add3A_73 = arith.addf %add3A_68, %mul3A_72 : vector<2048x128xf32>
    %slice3A_74 = vector.extract_strided_slice %convert_element_type3A_6 {offsets = [0, 12], sizes = [2048, 1], strides = [1, 1]} : vector<2048x16xf32> to vector<2048x1xf32>
    %slice3A_75 = vector.extract_strided_slice %dot_general3A_13 {offsets = [0, 1536], sizes = [2048, 128], strides = [1, 1]} : vector<2048x2048xf32> to vector<2048x128xf32>
    %mul3A_76 = vector.broadcast %slice3A_74 : vector<2048x1xf32> to vector<2048x128xf32>
    %mul3A_77 = arith.mulf %mul3A_76, %slice3A_75 : vector<2048x128xf32>
    %add3A_78 = arith.addf %add3A_73, %mul3A_77 : vector<2048x128xf32>
    %slice3A_79 = vector.extract_strided_slice %convert_element_type3A_6 {offsets = [0, 13], sizes = [2048, 1], strides = [1, 1]} : vector<2048x16xf32> to vector<2048x1xf32>
    %slice3A_80 = vector.extract_strided_slice %dot_general3A_13 {offsets = [0, 1664], sizes = [2048, 128], strides = [1, 1]} : vector<2048x2048xf32> to vector<2048x128xf32>
    %mul3A_81 = vector.broadcast %slice3A_79 : vector<2048x1xf32> to vector<2048x128xf32>
    %mul3A_82 = arith.mulf %mul3A_81, %slice3A_80 : vector<2048x128xf32>
    %add3A_83 = arith.addf %add3A_78, %mul3A_82 : vector<2048x128xf32>
    %slice3A_84 = vector.extract_strided_slice %convert_element_type3A_6 {offsets = [0, 14], sizes = [2048, 1], strides = [1, 1]} : vector<2048x16xf32> to vector<2048x1xf32>
    %slice3A_85 = vector.extract_strided_slice %dot_general3A_13 {offsets = [0, 1792], sizes = [2048, 128], strides = [1, 1]} : vector<2048x2048xf32> to vector<2048x128xf32>
    %mul3A_86 = vector.broadcast %slice3A_84 : vector<2048x1xf32> to vector<2048x128xf32>
    %mul3A_87 = arith.mulf %mul3A_86, %slice3A_85 : vector<2048x128xf32>
    %add3A_88 = arith.addf %add3A_83, %mul3A_87 : vector<2048x128xf32>
    %slice3A_89 = vector.extract_strided_slice %convert_element_type3A_6 {offsets = [0, 15], sizes = [2048, 1], strides = [1, 1]} : vector<2048x16xf32> to vector<2048x1xf32>
    %slice3A_90 = vector.extract_strided_slice %dot_general3A_13 {offsets = [0, 1920], sizes = [2048, 128], strides = [1, 1]} : vector<2048x2048xf32> to vector<2048x128xf32>
    %mul3A_91 = vector.broadcast %slice3A_89 : vector<2048x1xf32> to vector<2048x128xf32>
    %mul3A_92 = arith.mulf %mul3A_91, %slice3A_90 : vector<2048x128xf32>
    %add3A_93 = arith.addf %add3A_88, %mul3A_92 : vector<2048x128xf32>
    %swap3A = arith.constant 0 : index
    %swap3A_94 = arith.constant 0 : index
    %swap3A_95 = vector.load %arg17[%swap3A, %swap3A_94] : memref<2048x128xf32, #tpu.memory_space<vmem>>, vector<2048x128xf32>
    tpu.vector_store %arg17[%swap3A, %swap3A_94], %add3A_93 {strides = array<i32>} : memref<2048x128xf32, #tpu.memory_space<vmem>>, vector<2048x128xf32>,
    %eq3A_96 = arith.constant 3 : i32
    %eq3A_97 = arith.cmpi eq, %arg0, %eq3A_96 : i32
    %convert_element_type3A_98 = arith.extui %eq3A_97 : i1 to i32
    %cond3A_99 = arith.constant 0 : i32
    %cond3A_100 = arith.cmpi ne, %convert_element_type3A_98, %cond3A_99 : i32
    scf.if %cond3A_100 {
      %iota3A = tpu.iota {dimensions = array<i32: 0>} : vector<1024x2048xi32>
      %get3A_101 = arith.constant 0 : index
      %get3A_102 = arith.constant 0 : index
      %get3A_103 = vector.load %arg3[%get3A_101, %get3A_102] : memref<1x2048xi32, #tpu.memory_space<vmem>>, vector<1x2048xi32>
      %eq3A_104 = vector.broadcast %get3A_103 : vector<1x2048xi32> to vector<1024x2048xi32>
      %eq3A_105 = arith.cmpi eq, %eq3A_104, %iota3A : vector<1024x2048xi32>
      %convert_element_type3A_106 = arith.extui %eq3A_105 : vector<1024x2048xi1> to vector<1024x2048xi32>
      %convert_element_type3A_107 = arith.sitofp %convert_element_type3A_106 : vector<1024x2048xi32> to vector<1024x2048xf32>
      %get3A_108 = arith.constant 0 : index
      %get3A_109 = arith.constant 0 : index
      %get3A_110 = vector.load %arg17[%get3A_108, %get3A_109] : memref<2048x128xf32, #tpu.memory_space<vmem>>, vector<2048x128xf32>
      %convert_element_type3A_111 = arith.truncf %get3A_110 : vector<2048x128xf32> to vector<2048x128xbf16>
      %convert_element_type3A_112 = arith.extf %convert_element_type3A_111 : vector<2048x128xbf16> to vector<2048x128xf32>
      %dot_general3A_113 = arith.constant dense<0.000000e+00> : vector<1024x128xf32>
      %dot_general3A_114 = tpu.matmul %convert_element_type3A_107, %convert_element_type3A_112, %dot_general3A_113 {dimension_numbers = #tpu.dot_dimension_numbers<[1], [0], [0], [1], [0, 0, 1, 1], [], []>, transpose_lhs_hint = false} : vector<1024x2048xf32>, vector<2048x128xf32>, vector<1024x128xf32> -> vector<1024x128xf32>
      %sub3A = arith.subf %get3A_110, %convert_element_type3A_112 : vector<2048x128xf32>
      %dot_general3A_115 = arith.constant dense<0.000000e+00> : vector<1024x128xf32>
      %dot_general3A_116 = tpu.matmul %convert_element_type3A_107, %sub3A, %dot_general3A_115 {dimension_numbers = #tpu.dot_dimension_numbers<[1], [0], [0], [1], [0, 0, 1, 1], [], []>, transpose_lhs_hint = false} : vector<1024x2048xf32>, vector<2048x128xf32>, vector<1024x128xf32> -> vector<1024x128xf32>
      %add3A_117 = arith.addf %dot_general3A_114, %dot_general3A_116 : vector<1024x128xf32>
      %get3A_118 = arith.constant 0 : index
      %get3A_119 = arith.constant 0 : index
      %get3A_120 = vector.load %arg1[%get3A_118, %get3A_119] : memref<1024x128xf32, #tpu.memory_space<vmem>>, vector<1024x128xf32>
      %slice3A_121 = vector.extract_strided_slice %get3A_120 {offsets = [0, 0], sizes = [1024, 64], strides = [1, 1]} : vector<1024x128xf32> to vector<1024x64xf32>
      %get3A_122 = arith.constant 0 : index
      %get3A_123 = arith.constant 0 : index
      %get3A_124 = vector.load %arg12[%get3A_122, %get3A_123] : memref<64x128xf32, #tpu.memory_space<vmem>>, vector<64x128xf32>
      %dot_general3A_125 = arith.constant dense<0.000000e+00> : vector<1024x128xf32>
      %dot_general3A_126 = tpu.matmul %slice3A_121, %get3A_124, %dot_general3A_125 {dimension_numbers = #tpu.dot_dimension_numbers<[1], [0], [0], [1], [0, 0, 1, 1], [], []>, transpose_lhs_hint = false} : vector<1024x64xf32>, vector<64x128xf32>, vector<1024x128xf32> -> vector<1024x128xf32>
      %add3A_127 = arith.addf %add3A_117, %dot_general3A_126 : vector<1024x128xf32>
      %get3A_128 = arith.constant 0 : index
      %get3A_129 = arith.constant 0 : index
      %get3A_130 = vector.load %arg13[%get3A_128, %get3A_129] : memref<1x128xf32, #tpu.memory_space<vmem>>, vector<1x128xf32>
      %add3A_131 = vector.broadcast %get3A_130 : vector<1x128xf32> to vector<1024x128xf32>
      %add3A_132 = arith.addf %add3A_127, %add3A_131 : vector<1024x128xf32>
      %max3A = arith.constant 0.000000e+00 : f32
      %max3A_133 = vector.broadcast %max3A : f32 to vector<1024x128xf32>
      %max3A_134 = arith.maximumf %add3A_132, %max3A_133 : vector<1024x128xf32>
      %swap3A_135 = arith.constant 0 : index
      %swap3A_136 = arith.constant 0 : index
      %swap3A_137 = vector.load %arg14[%swap3A_135, %swap3A_136] : memref<1024x128xf32, #tpu.memory_space<vmem>>, vector<1024x128xf32>
      tpu.vector_store %arg14[%swap3A_135, %swap3A_136], %max3A_134 {strides = array<i32>} : memref<1024x128xf32, #tpu.memory_space<vmem>>, vector<1024x128xf32>,
    } else {
    }
    return
  }
  func.func @transform_0(%arg0: i32) -> (i32, i32) {
    %c0_i32 = arith.constant 0 : i32
    %c0_i32_0 = arith.constant 0 : i32
    %c0_i32_1 = arith.constant 0 : i32
    return %c0_i32, %c0_i32_0 : i32, i32
  }
  func.func @transform_1(%arg0: i32) -> (i32, i32) {
    %c0_i32 = arith.constant 0 : i32
    %c0_i32_0 = arith.constant 0 : i32
    %c0_i32_1 = arith.constant 0 : i32
    return %c0_i32, %c0_i32_0 : i32, i32
  }
  func.func @transform_2(%arg0: i32) -> (i32, i32) {
    %c0_i32 = arith.constant 0 : i32
    %c0_i32_0 = arith.constant 0 : i32
    %c0_i32_1 = arith.constant 0 : i32
    return %c0_i32, %c0_i32_0 : i32, i32
  }
  func.func @transform_3(%arg0: i32) -> (i32, i32) {
    %c0_i32 = arith.constant 0 : i32
    %c0_i32_0 = arith.constant 0 : i32
    %c0_i32_1 = arith.constant 0 : i32
    return %c0_i32, %c0_i32_0 : i32, i32
  }
  func.func @transform_4(%arg0: i32) -> (i32, i32) {
    %c0_i32 = arith.constant 0 : i32
    %c0_i32_0 = arith.constant 0 : i32
    %c0_i32_1 = arith.constant 0 : i32
    return %c0_i32, %c0_i32_0 : i32, i32
  }
  func.func @transform_5(%arg0: i32) -> (i32, i32) {
    %c0_i32 = arith.constant 0 : i32
    %c0_i32_0 = arith.constant 0 : i32
    %c0_i32_1 = arith.constant 0 : i32
    return %c0_i32, %c0_i32_0 : i32, i32
  }
  func.func @transform_6(%arg0: i32) -> (i32, i32) {
    %c0_i32 = arith.constant 0 : i32
    %c0_i32_0 = arith.constant 0 : i32
    %c0_i32_1 = arith.constant 0 : i32
    return %c0_i32, %c0_i32_0 : i32, i32
  }
  func.func @transform_7(%arg0: i32) -> (i32, i32) {
    %c0_i32 = arith.constant 0 : i32
    %c0_i32_0 = arith.constant 0 : i32
    %c0_i32_1 = arith.constant 0 : i32
    return %c0_i32, %c0_i32_0 : i32, i32
  }
  func.func @transform_8(%arg0: i32) -> (i32, i32) {
    %c0_i32 = arith.constant 0 : i32
    %c0_i32_0 = arith.constant 0 : i32
    %c0_i32_1 = arith.constant 0 : i32
    return %c0_i32, %c0_i32_0 : i32, i32
  }
  func.func @transform_9(%arg0: i32) -> (i32, i32) {
    %c0_i32 = arith.constant 0 : i32
    %c0_i32_0 = arith.constant 0 : i32
    return %c0_i32, %arg0 : i32, i32
  }
  func.func @transform_10(%arg0: i32) -> (i32, i32) {
    %c0_i32 = arith.constant 0 : i32
    %c0_i32_0 = arith.constant 0 : i32
    %c0_i32_1 = arith.constant 0 : i32
    return %c0_i32, %c0_i32_0 : i32, i32
  }
  func.func @transform_11(%arg0: i32) -> (i32, i32) {
    %c0_i32 = arith.constant 0 : i32
    %c0_i32_0 = arith.constant 0 : i32
    %c0_i32_1 = arith.constant 0 : i32
    return %c0_i32, %c0_i32_0 : i32, i32
  }
  func.func @transform_12(%arg0: i32) -> (i32, i32) {
    %c0_i32 = arith.constant 0 : i32
    %c0_i32_0 = arith.constant 0 : i32
    %c0_i32_1 = arith.constant 0 : i32
    return %c0_i32, %c0_i32_0 : i32, i32
  }
  func.func @transform_13(%arg0: i32) -> (i32, i32) {
    %c0_i32 = arith.constant 0 : i32
    %c0_i32_0 = arith.constant 0 : i32
    %c0_i32_1 = arith.constant 0 : i32
    return %c0_i32, %c0_i32_0 : i32, i32
  }
}

module attributes {stable_mosaic.version = 14 : i64} {
  func.func @_msg_body(%arg0: i32, %arg1: memref<1024x128xf32, #tpu.memory_space<vmem>>, %arg2: memref<2048x128xf32, #tpu.memory_space<vmem>>, %arg3: memref<1x2048xi32, #tpu.memory_space<vmem>>, %arg4: memref<2048x3xf32, #tpu.memory_space<vmem>>, %arg5: memref<2048x3xf32, #tpu.memory_space<vmem>>, %arg6: memref<3x64xf32, #tpu.memory_space<vmem>>, %arg7: memref<1x64xf32, #tpu.memory_space<vmem>>, %arg8: memref<64x64xf32, #tpu.memory_space<vmem>>, %arg9: memref<1x64xf32, #tpu.memory_space<vmem>>, %arg10: memref<128x2048xbf16, #tpu.memory_space<vmem>>, %arg11: memref<128x256xf32, #tpu.memory_space<vmem>>, %arg12: memref<128x256xf32, #tpu.memory_space<vmem>>, %arg13: memref<1x256xf32, #tpu.memory_space<vmem>>, %arg14: memref<1024x256xf32, #tpu.memory_space<vmem>>, %arg15: memref<8x2048x8xbf16, #tpu.memory_space<vmem>>, %arg16: memref<2048x128xbf16, #tpu.memory_space<vmem>>, %arg17: memref<2048x256xf32, #tpu.memory_space<vmem>>) attributes {dimension_semantics = [#tpu.dimension_semantics<arbitrary>], iteration_bounds = array<i64: 8>, scalar_prefetch = 0 : i64, scratch_operands = 3 : i64, tpu.core_type = #tpu.core_type<tc>, window_params = [{pipeline_mode = #tpu.pipeline_mode<synchronous>, transform_indices = @transform_0, window_bounds = array<i64: 1024, 128>}, {pipeline_mode = #tpu.pipeline_mode<synchronous>, transform_indices = @transform_1, window_bounds = array<i64: 2048, 128>}, {pipeline_mode = #tpu.pipeline_mode<synchronous>, transform_indices = @transform_2, window_bounds = array<i64: 1, 2048>}, {pipeline_mode = #tpu.pipeline_mode<synchronous>, transform_indices = @transform_3, window_bounds = array<i64: 2048, 3>}, {pipeline_mode = #tpu.pipeline_mode<synchronous>, transform_indices = @transform_4, window_bounds = array<i64: 2048, 3>}, {pipeline_mode = #tpu.pipeline_mode<synchronous>, transform_indices = @transform_5, window_bounds = array<i64: 3, 64>}, {pipeline_mode = #tpu.pipeline_mode<synchronous>, transform_indices = @transform_6, window_bounds = array<i64: 1, 64>}, {pipeline_mode = #tpu.pipeline_mode<synchronous>, transform_indices = @transform_7, window_bounds = array<i64: 64, 64>}, {pipeline_mode = #tpu.pipeline_mode<synchronous>, transform_indices = @transform_8, window_bounds = array<i64: 1, 64>}, {transform_indices = @transform_9, window_bounds = array<i64: 128, 2048>}, {pipeline_mode = #tpu.pipeline_mode<synchronous>, transform_indices = @transform_10, window_bounds = array<i64: 128, 256>}, {pipeline_mode = #tpu.pipeline_mode<synchronous>, transform_indices = @transform_11, window_bounds = array<i64: 128, 256>}, {pipeline_mode = #tpu.pipeline_mode<synchronous>, transform_indices = @transform_12, window_bounds = array<i64: 1, 256>}, {pipeline_mode = #tpu.pipeline_mode<synchronous>, transform_indices = @transform_13, window_bounds = array<i64: 1024, 256>}]} {
    %eq3A = arith.constant 0 : i32
    %eq3A_0 = arith.cmpi eq, %arg0, %eq3A : i32
    %convert_element_type3A = arith.extui %eq3A_0 : i1 to i32
    %cond3A = arith.constant 0 : i32
    %cond3A_1 = arith.cmpi ne, %convert_element_type3A, %cond3A : i32
    scf.if %cond3A_1 {
      %get3A_61 = arith.constant 0 : index
      %get3A_62 = arith.constant 0 : index
      %get3A_63 = vector.load %arg4[%get3A_61, %get3A_62] : memref<2048x3xf32, #tpu.memory_space<vmem>>, vector<2048x3xf32>
      %get3A_64 = arith.constant 0 : index
      %get3A_65 = arith.constant 0 : index
      %get3A_66 = vector.load %arg5[%get3A_64, %get3A_65] : memref<2048x3xf32, #tpu.memory_space<vmem>>, vector<2048x3xf32>
      %add3A_67 = arith.addf %get3A_63, %get3A_66 : vector<2048x3xf32>
      %get3A_68 = arith.constant 0 : index
      %get3A_69 = arith.constant 0 : index
      %get3A_70 = vector.load %arg6[%get3A_68, %get3A_69] : memref<3x64xf32, #tpu.memory_space<vmem>>, vector<3x64xf32>
      %dot_general3A_71 = arith.constant dense<0.000000e+00> : vector<2048x64xf32>
      %dot_general3A_72 = tpu.matmul %add3A_67, %get3A_70, %dot_general3A_71 {dimension_numbers = #tpu.dot_dimension_numbers<[1], [0], [0], [1], [0, 0, 1, 1], [], []>, transpose_lhs_hint = false} : vector<2048x3xf32>, vector<3x64xf32>, vector<2048x64xf32> -> vector<2048x64xf32>
      %get3A_73 = arith.constant 0 : index
      %get3A_74 = arith.constant 0 : index
      %get3A_75 = vector.load %arg7[%get3A_73, %get3A_74] : memref<1x64xf32, #tpu.memory_space<vmem>>, vector<1x64xf32>
      %add3A_76 = vector.broadcast %get3A_75 : vector<1x64xf32> to vector<2048x64xf32>
      %add3A_77 = arith.addf %dot_general3A_72, %add3A_76 : vector<2048x64xf32>
      %max3A = arith.constant 0.000000e+00 : f32
      %max3A_78 = vector.broadcast %max3A : f32 to vector<2048x64xf32>
      %max3A_79 = arith.maximumf %add3A_77, %max3A_78 : vector<2048x64xf32>
      %get3A_80 = arith.constant 0 : index
      %get3A_81 = arith.constant 0 : index
      %get3A_82 = vector.load %arg8[%get3A_80, %get3A_81] : memref<64x64xf32, #tpu.memory_space<vmem>>, vector<64x64xf32>
      %dot_general3A_83 = arith.constant dense<0.000000e+00> : vector<2048x64xf32>
      %dot_general3A_84 = tpu.matmul %max3A_79, %get3A_82, %dot_general3A_83 {dimension_numbers = #tpu.dot_dimension_numbers<[1], [0], [0], [1], [0, 0, 1, 1], [], []>, transpose_lhs_hint = false} : vector<2048x64xf32>, vector<64x64xf32>, vector<2048x64xf32> -> vector<2048x64xf32>
      %get3A_85 = arith.constant 0 : index
      %get3A_86 = arith.constant 0 : index
      %get3A_87 = vector.load %arg9[%get3A_85, %get3A_86] : memref<1x64xf32, #tpu.memory_space<vmem>>, vector<1x64xf32>
      %add3A_88 = vector.broadcast %get3A_87 : vector<1x64xf32> to vector<2048x64xf32>
      %add3A_89 = arith.addf %dot_general3A_84, %add3A_88 : vector<2048x64xf32>
      %max3A_90 = arith.constant 0.000000e+00 : f32
      %max3A_91 = vector.broadcast %max3A_90 : f32 to vector<2048x64xf32>
      %max3A_92 = arith.maximumf %add3A_89, %max3A_91 : vector<2048x64xf32>
      %convert_element_type3A_93 = arith.truncf %max3A_92 : vector<2048x64xf32> to vector<2048x64xbf16>
      %slice3A_94 = vector.extract_strided_slice %convert_element_type3A_93 {offsets = [0, 0], sizes = [2048, 8], strides = [1, 1]} : vector<2048x64xbf16> to vector<2048x8xbf16>
      %swap3A_95 = arith.constant 0 : index
      %swap3A_96 = arith.constant 0 : index
      %swap3A_97 = arith.constant 0 : index
      %swap3A_98 = vector.load %arg15[%swap3A_95, %swap3A_96, %swap3A_97] : memref<8x2048x8xbf16, #tpu.memory_space<vmem>>, vector<1x2048x8xbf16>
      %swap3A_99 = vector.shape_cast %swap3A_98 : vector<1x2048x8xbf16> to vector<2048x8xbf16>
      %swap3A_100 = vector.shape_cast %slice3A_94 : vector<2048x8xbf16> to vector<1x2048x8xbf16>
      tpu.vector_store %arg15[%swap3A_95, %swap3A_96, %swap3A_97], %swap3A_100 {strides = array<i32>} : memref<8x2048x8xbf16, #tpu.memory_space<vmem>>, vector<1x2048x8xbf16>,
      %slice3A_101 = vector.extract_strided_slice %convert_element_type3A_93 {offsets = [0, 8], sizes = [2048, 8], strides = [1, 1]} : vector<2048x64xbf16> to vector<2048x8xbf16>
      %swap3A_102 = arith.constant 1 : index
      %swap3A_103 = arith.constant 0 : index
      %swap3A_104 = arith.constant 0 : index
      %swap3A_105 = vector.load %arg15[%swap3A_102, %swap3A_103, %swap3A_104] : memref<8x2048x8xbf16, #tpu.memory_space<vmem>>, vector<1x2048x8xbf16>
      %swap3A_106 = vector.shape_cast %swap3A_105 : vector<1x2048x8xbf16> to vector<2048x8xbf16>
      %swap3A_107 = vector.shape_cast %slice3A_101 : vector<2048x8xbf16> to vector<1x2048x8xbf16>
      tpu.vector_store %arg15[%swap3A_102, %swap3A_103, %swap3A_104], %swap3A_107 {strides = array<i32>} : memref<8x2048x8xbf16, #tpu.memory_space<vmem>>, vector<1x2048x8xbf16>,
      %slice3A_108 = vector.extract_strided_slice %convert_element_type3A_93 {offsets = [0, 16], sizes = [2048, 8], strides = [1, 1]} : vector<2048x64xbf16> to vector<2048x8xbf16>
      %swap3A_109 = arith.constant 2 : index
      %swap3A_110 = arith.constant 0 : index
      %swap3A_111 = arith.constant 0 : index
      %swap3A_112 = vector.load %arg15[%swap3A_109, %swap3A_110, %swap3A_111] : memref<8x2048x8xbf16, #tpu.memory_space<vmem>>, vector<1x2048x8xbf16>
      %swap3A_113 = vector.shape_cast %swap3A_112 : vector<1x2048x8xbf16> to vector<2048x8xbf16>
      %swap3A_114 = vector.shape_cast %slice3A_108 : vector<2048x8xbf16> to vector<1x2048x8xbf16>
      tpu.vector_store %arg15[%swap3A_109, %swap3A_110, %swap3A_111], %swap3A_114 {strides = array<i32>} : memref<8x2048x8xbf16, #tpu.memory_space<vmem>>, vector<1x2048x8xbf16>,
      %slice3A_115 = vector.extract_strided_slice %convert_element_type3A_93 {offsets = [0, 24], sizes = [2048, 8], strides = [1, 1]} : vector<2048x64xbf16> to vector<2048x8xbf16>
      %swap3A_116 = arith.constant 3 : index
      %swap3A_117 = arith.constant 0 : index
      %swap3A_118 = arith.constant 0 : index
      %swap3A_119 = vector.load %arg15[%swap3A_116, %swap3A_117, %swap3A_118] : memref<8x2048x8xbf16, #tpu.memory_space<vmem>>, vector<1x2048x8xbf16>
      %swap3A_120 = vector.shape_cast %swap3A_119 : vector<1x2048x8xbf16> to vector<2048x8xbf16>
      %swap3A_121 = vector.shape_cast %slice3A_115 : vector<2048x8xbf16> to vector<1x2048x8xbf16>
      tpu.vector_store %arg15[%swap3A_116, %swap3A_117, %swap3A_118], %swap3A_121 {strides = array<i32>} : memref<8x2048x8xbf16, #tpu.memory_space<vmem>>, vector<1x2048x8xbf16>,
      %slice3A_122 = vector.extract_strided_slice %convert_element_type3A_93 {offsets = [0, 32], sizes = [2048, 8], strides = [1, 1]} : vector<2048x64xbf16> to vector<2048x8xbf16>
      %swap3A_123 = arith.constant 4 : index
      %swap3A_124 = arith.constant 0 : index
      %swap3A_125 = arith.constant 0 : index
      %swap3A_126 = vector.load %arg15[%swap3A_123, %swap3A_124, %swap3A_125] : memref<8x2048x8xbf16, #tpu.memory_space<vmem>>, vector<1x2048x8xbf16>
      %swap3A_127 = vector.shape_cast %swap3A_126 : vector<1x2048x8xbf16> to vector<2048x8xbf16>
      %swap3A_128 = vector.shape_cast %slice3A_122 : vector<2048x8xbf16> to vector<1x2048x8xbf16>
      tpu.vector_store %arg15[%swap3A_123, %swap3A_124, %swap3A_125], %swap3A_128 {strides = array<i32>} : memref<8x2048x8xbf16, #tpu.memory_space<vmem>>, vector<1x2048x8xbf16>,
      %slice3A_129 = vector.extract_strided_slice %convert_element_type3A_93 {offsets = [0, 40], sizes = [2048, 8], strides = [1, 1]} : vector<2048x64xbf16> to vector<2048x8xbf16>
      %swap3A_130 = arith.constant 5 : index
      %swap3A_131 = arith.constant 0 : index
      %swap3A_132 = arith.constant 0 : index
      %swap3A_133 = vector.load %arg15[%swap3A_130, %swap3A_131, %swap3A_132] : memref<8x2048x8xbf16, #tpu.memory_space<vmem>>, vector<1x2048x8xbf16>
      %swap3A_134 = vector.shape_cast %swap3A_133 : vector<1x2048x8xbf16> to vector<2048x8xbf16>
      %swap3A_135 = vector.shape_cast %slice3A_129 : vector<2048x8xbf16> to vector<1x2048x8xbf16>
      tpu.vector_store %arg15[%swap3A_130, %swap3A_131, %swap3A_132], %swap3A_135 {strides = array<i32>} : memref<8x2048x8xbf16, #tpu.memory_space<vmem>>, vector<1x2048x8xbf16>,
      %slice3A_136 = vector.extract_strided_slice %convert_element_type3A_93 {offsets = [0, 48], sizes = [2048, 8], strides = [1, 1]} : vector<2048x64xbf16> to vector<2048x8xbf16>
      %swap3A_137 = arith.constant 6 : index
      %swap3A_138 = arith.constant 0 : index
      %swap3A_139 = arith.constant 0 : index
      %swap3A_140 = vector.load %arg15[%swap3A_137, %swap3A_138, %swap3A_139] : memref<8x2048x8xbf16, #tpu.memory_space<vmem>>, vector<1x2048x8xbf16>
      %swap3A_141 = vector.shape_cast %swap3A_140 : vector<1x2048x8xbf16> to vector<2048x8xbf16>
      %swap3A_142 = vector.shape_cast %slice3A_136 : vector<2048x8xbf16> to vector<1x2048x8xbf16>
      tpu.vector_store %arg15[%swap3A_137, %swap3A_138, %swap3A_139], %swap3A_142 {strides = array<i32>} : memref<8x2048x8xbf16, #tpu.memory_space<vmem>>, vector<1x2048x8xbf16>,
      %slice3A_143 = vector.extract_strided_slice %convert_element_type3A_93 {offsets = [0, 56], sizes = [2048, 8], strides = [1, 1]} : vector<2048x64xbf16> to vector<2048x8xbf16>
      %swap3A_144 = arith.constant 7 : index
      %swap3A_145 = arith.constant 0 : index
      %swap3A_146 = arith.constant 0 : index
      %swap3A_147 = vector.load %arg15[%swap3A_144, %swap3A_145, %swap3A_146] : memref<8x2048x8xbf16, #tpu.memory_space<vmem>>, vector<1x2048x8xbf16>
      %swap3A_148 = vector.shape_cast %swap3A_147 : vector<1x2048x8xbf16> to vector<2048x8xbf16>
      %swap3A_149 = vector.shape_cast %slice3A_143 : vector<2048x8xbf16> to vector<1x2048x8xbf16>
      tpu.vector_store %arg15[%swap3A_144, %swap3A_145, %swap3A_146], %swap3A_149 {strides = array<i32>} : memref<8x2048x8xbf16, #tpu.memory_space<vmem>>, vector<1x2048x8xbf16>,
      %get3A_150 = arith.constant 0 : index
      %get3A_151 = arith.constant 0 : index
      %get3A_152 = vector.load %arg2[%get3A_150, %get3A_151] : memref<2048x128xf32, #tpu.memory_space<vmem>>, vector<2048x128xf32>
      %convert_element_type3A_153 = arith.truncf %get3A_152 : vector<2048x128xf32> to vector<2048x128xbf16>
      %swap3A_154 = arith.constant 0 : index
      %swap3A_155 = arith.constant 0 : index
      %swap3A_156 = vector.load %arg16[%swap3A_154, %swap3A_155] : memref<2048x128xbf16, #tpu.memory_space<vmem>>, vector<2048x128xbf16>
      tpu.vector_store %arg16[%swap3A_154, %swap3A_155], %convert_element_type3A_153 {strides = array<i32>} : memref<2048x128xbf16, #tpu.memory_space<vmem>>, vector<2048x128xbf16>,
      %get3A_157 = arith.constant 0 : index
      %get3A_158 = arith.constant 0 : index
      %get3A_159 = vector.load %arg11[%get3A_157, %get3A_158] : memref<128x256xf32, #tpu.memory_space<vmem>>, vector<128x256xf32>
      %dot_general3A_160 = arith.constant dense<0.000000e+00> : vector<2048x256xf32>
      %dot_general3A_161 = tpu.matmul %get3A_152, %get3A_159, %dot_general3A_160 {dimension_numbers = #tpu.dot_dimension_numbers<[1], [0], [0], [1], [0, 0, 1, 1], [], []>, transpose_lhs_hint = false} : vector<2048x128xf32>, vector<128x256xf32>, vector<2048x256xf32> -> vector<2048x256xf32>
      %swap3A_162 = arith.constant 0 : index
      %swap3A_163 = arith.constant 0 : index
      %swap3A_164 = vector.load %arg17[%swap3A_162, %swap3A_163] : memref<2048x256xf32, #tpu.memory_space<vmem>>, vector<2048x256xf32>
      tpu.vector_store %arg17[%swap3A_162, %swap3A_163], %dot_general3A_161 {strides = array<i32>} : memref<2048x256xf32, #tpu.memory_space<vmem>>, vector<2048x256xf32>,
    } else {
    }
    %get3A = arith.index_cast %arg0 : i32 to index
    %get3A_2 = arith.constant 0 : index
    %get3A_3 = arith.constant 0 : index
    %get3A_4 = vector.load %arg15[%get3A, %get3A_2, %get3A_3] : memref<8x2048x8xbf16, #tpu.memory_space<vmem>>, vector<1x2048x8xbf16>
    %get3A_5 = vector.shape_cast %get3A_4 : vector<1x2048x8xbf16> to vector<2048x8xbf16>
    %convert_element_type3A_6 = arith.extf %get3A_5 : vector<2048x8xbf16> to vector<2048x8xf32>
    %get3A_7 = arith.constant 0 : index
    %get3A_8 = arith.constant 0 : index
    %get3A_9 = vector.load %arg16[%get3A_7, %get3A_8] : memref<2048x128xbf16, #tpu.memory_space<vmem>>, vector<2048x128xbf16>
    %get3A_10 = arith.constant 0 : index
    %get3A_11 = arith.constant 0 : index
    %get3A_12 = vector.load %arg10[%get3A_10, %get3A_11] : memref<128x2048xbf16, #tpu.memory_space<vmem>>, vector<128x2048xbf16>
    %dot_general3A = arith.constant dense<0.000000e+00> : vector<2048x2048xf32>
    %dot_general3A_13 = tpu.matmul %get3A_9, %get3A_12, %dot_general3A {dimension_numbers = #tpu.dot_dimension_numbers<[1], [0], [0], [1], [0, 0, 1, 1], [], []>, transpose_lhs_hint = false} : vector<2048x128xbf16>, vector<128x2048xbf16>, vector<2048x2048xf32> -> vector<2048x2048xf32>
    %get3A_14 = arith.constant 0 : index
    %get3A_15 = arith.constant 0 : index
    %get3A_16 = vector.load %arg17[%get3A_14, %get3A_15] : memref<2048x256xf32, #tpu.memory_space<vmem>>, vector<2048x256xf32>
    %slice3A = vector.extract_strided_slice %convert_element_type3A_6 {offsets = [0, 0], sizes = [2048, 1], strides = [1, 1]} : vector<2048x8xf32> to vector<2048x1xf32>
    %slice3A_17 = vector.extract_strided_slice %dot_general3A_13 {offsets = [0, 0], sizes = [2048, 256], strides = [1, 1]} : vector<2048x2048xf32> to vector<2048x256xf32>
    %mul3A = vector.broadcast %slice3A : vector<2048x1xf32> to vector<2048x256xf32>
    %mul3A_18 = arith.mulf %mul3A, %slice3A_17 : vector<2048x256xf32>
    %add3A = arith.addf %get3A_16, %mul3A_18 : vector<2048x256xf32>
    %slice3A_19 = vector.extract_strided_slice %convert_element_type3A_6 {offsets = [0, 1], sizes = [2048, 1], strides = [1, 1]} : vector<2048x8xf32> to vector<2048x1xf32>
    %slice3A_20 = vector.extract_strided_slice %dot_general3A_13 {offsets = [0, 256], sizes = [2048, 256], strides = [1, 1]} : vector<2048x2048xf32> to vector<2048x256xf32>
    %mul3A_21 = vector.broadcast %slice3A_19 : vector<2048x1xf32> to vector<2048x256xf32>
    %mul3A_22 = arith.mulf %mul3A_21, %slice3A_20 : vector<2048x256xf32>
    %add3A_23 = arith.addf %add3A, %mul3A_22 : vector<2048x256xf32>
    %slice3A_24 = vector.extract_strided_slice %convert_element_type3A_6 {offsets = [0, 2], sizes = [2048, 1], strides = [1, 1]} : vector<2048x8xf32> to vector<2048x1xf32>
    %slice3A_25 = vector.extract_strided_slice %dot_general3A_13 {offsets = [0, 512], sizes = [2048, 256], strides = [1, 1]} : vector<2048x2048xf32> to vector<2048x256xf32>
    %mul3A_26 = vector.broadcast %slice3A_24 : vector<2048x1xf32> to vector<2048x256xf32>
    %mul3A_27 = arith.mulf %mul3A_26, %slice3A_25 : vector<2048x256xf32>
    %add3A_28 = arith.addf %add3A_23, %mul3A_27 : vector<2048x256xf32>
    %slice3A_29 = vector.extract_strided_slice %convert_element_type3A_6 {offsets = [0, 3], sizes = [2048, 1], strides = [1, 1]} : vector<2048x8xf32> to vector<2048x1xf32>
    %slice3A_30 = vector.extract_strided_slice %dot_general3A_13 {offsets = [0, 768], sizes = [2048, 256], strides = [1, 1]} : vector<2048x2048xf32> to vector<2048x256xf32>
    %mul3A_31 = vector.broadcast %slice3A_29 : vector<2048x1xf32> to vector<2048x256xf32>
    %mul3A_32 = arith.mulf %mul3A_31, %slice3A_30 : vector<2048x256xf32>
    %add3A_33 = arith.addf %add3A_28, %mul3A_32 : vector<2048x256xf32>
    %slice3A_34 = vector.extract_strided_slice %convert_element_type3A_6 {offsets = [0, 4], sizes = [2048, 1], strides = [1, 1]} : vector<2048x8xf32> to vector<2048x1xf32>
    %slice3A_35 = vector.extract_strided_slice %dot_general3A_13 {offsets = [0, 1024], sizes = [2048, 256], strides = [1, 1]} : vector<2048x2048xf32> to vector<2048x256xf32>
    %mul3A_36 = vector.broadcast %slice3A_34 : vector<2048x1xf32> to vector<2048x256xf32>
    %mul3A_37 = arith.mulf %mul3A_36, %slice3A_35 : vector<2048x256xf32>
    %add3A_38 = arith.addf %add3A_33, %mul3A_37 : vector<2048x256xf32>
    %slice3A_39 = vector.extract_strided_slice %convert_element_type3A_6 {offsets = [0, 5], sizes = [2048, 1], strides = [1, 1]} : vector<2048x8xf32> to vector<2048x1xf32>
    %slice3A_40 = vector.extract_strided_slice %dot_general3A_13 {offsets = [0, 1280], sizes = [2048, 256], strides = [1, 1]} : vector<2048x2048xf32> to vector<2048x256xf32>
    %mul3A_41 = vector.broadcast %slice3A_39 : vector<2048x1xf32> to vector<2048x256xf32>
    %mul3A_42 = arith.mulf %mul3A_41, %slice3A_40 : vector<2048x256xf32>
    %add3A_43 = arith.addf %add3A_38, %mul3A_42 : vector<2048x256xf32>
    %slice3A_44 = vector.extract_strided_slice %convert_element_type3A_6 {offsets = [0, 6], sizes = [2048, 1], strides = [1, 1]} : vector<2048x8xf32> to vector<2048x1xf32>
    %slice3A_45 = vector.extract_strided_slice %dot_general3A_13 {offsets = [0, 1536], sizes = [2048, 256], strides = [1, 1]} : vector<2048x2048xf32> to vector<2048x256xf32>
    %mul3A_46 = vector.broadcast %slice3A_44 : vector<2048x1xf32> to vector<2048x256xf32>
    %mul3A_47 = arith.mulf %mul3A_46, %slice3A_45 : vector<2048x256xf32>
    %add3A_48 = arith.addf %add3A_43, %mul3A_47 : vector<2048x256xf32>
    %slice3A_49 = vector.extract_strided_slice %convert_element_type3A_6 {offsets = [0, 7], sizes = [2048, 1], strides = [1, 1]} : vector<2048x8xf32> to vector<2048x1xf32>
    %slice3A_50 = vector.extract_strided_slice %dot_general3A_13 {offsets = [0, 1792], sizes = [2048, 256], strides = [1, 1]} : vector<2048x2048xf32> to vector<2048x256xf32>
    %mul3A_51 = vector.broadcast %slice3A_49 : vector<2048x1xf32> to vector<2048x256xf32>
    %mul3A_52 = arith.mulf %mul3A_51, %slice3A_50 : vector<2048x256xf32>
    %add3A_53 = arith.addf %add3A_48, %mul3A_52 : vector<2048x256xf32>
    %swap3A = arith.constant 0 : index
    %swap3A_54 = arith.constant 0 : index
    %swap3A_55 = vector.load %arg17[%swap3A, %swap3A_54] : memref<2048x256xf32, #tpu.memory_space<vmem>>, vector<2048x256xf32>
    tpu.vector_store %arg17[%swap3A, %swap3A_54], %add3A_53 {strides = array<i32>} : memref<2048x256xf32, #tpu.memory_space<vmem>>, vector<2048x256xf32>,
    %eq3A_56 = arith.constant 7 : i32
    %eq3A_57 = arith.cmpi eq, %arg0, %eq3A_56 : i32
    %convert_element_type3A_58 = arith.extui %eq3A_57 : i1 to i32
    %cond3A_59 = arith.constant 0 : i32
    %cond3A_60 = arith.cmpi ne, %convert_element_type3A_58, %cond3A_59 : i32
    scf.if %cond3A_60 {
      %iota3A = tpu.iota {dimensions = array<i32: 0>} : vector<1024x2048xi32>
      %get3A_61 = arith.constant 0 : index
      %get3A_62 = arith.constant 0 : index
      %get3A_63 = vector.load %arg3[%get3A_61, %get3A_62] : memref<1x2048xi32, #tpu.memory_space<vmem>>, vector<1x2048xi32>
      %eq3A_64 = vector.broadcast %get3A_63 : vector<1x2048xi32> to vector<1024x2048xi32>
      %eq3A_65 = arith.cmpi eq, %eq3A_64, %iota3A : vector<1024x2048xi32>
      %convert_element_type3A_66 = arith.extui %eq3A_65 : vector<1024x2048xi1> to vector<1024x2048xi32>
      %convert_element_type3A_67 = arith.sitofp %convert_element_type3A_66 : vector<1024x2048xi32> to vector<1024x2048xf32>
      %get3A_68 = arith.constant 0 : index
      %get3A_69 = arith.constant 0 : index
      %get3A_70 = vector.load %arg17[%get3A_68, %get3A_69] : memref<2048x256xf32, #tpu.memory_space<vmem>>, vector<2048x256xf32>
      %convert_element_type3A_71 = arith.truncf %get3A_70 : vector<2048x256xf32> to vector<2048x256xbf16>
      %convert_element_type3A_72 = arith.extf %convert_element_type3A_71 : vector<2048x256xbf16> to vector<2048x256xf32>
      %dot_general3A_73 = arith.constant dense<0.000000e+00> : vector<1024x256xf32>
      %dot_general3A_74 = tpu.matmul %convert_element_type3A_67, %convert_element_type3A_72, %dot_general3A_73 {dimension_numbers = #tpu.dot_dimension_numbers<[1], [0], [0], [1], [0, 0, 1, 1], [], []>, transpose_lhs_hint = false} : vector<1024x2048xf32>, vector<2048x256xf32>, vector<1024x256xf32> -> vector<1024x256xf32>
      %sub3A = arith.subf %get3A_70, %convert_element_type3A_72 : vector<2048x256xf32>
      %dot_general3A_75 = arith.constant dense<0.000000e+00> : vector<1024x256xf32>
      %dot_general3A_76 = tpu.matmul %convert_element_type3A_67, %sub3A, %dot_general3A_75 {dimension_numbers = #tpu.dot_dimension_numbers<[1], [0], [0], [1], [0, 0, 1, 1], [], []>, transpose_lhs_hint = false} : vector<1024x2048xf32>, vector<2048x256xf32>, vector<1024x256xf32> -> vector<1024x256xf32>
      %add3A_77 = arith.addf %dot_general3A_74, %dot_general3A_76 : vector<1024x256xf32>
      %get3A_78 = arith.constant 0 : index
      %get3A_79 = arith.constant 0 : index
      %get3A_80 = vector.load %arg1[%get3A_78, %get3A_79] : memref<1024x128xf32, #tpu.memory_space<vmem>>, vector<1024x128xf32>
      %get3A_81 = arith.constant 0 : index
      %get3A_82 = arith.constant 0 : index
      %get3A_83 = vector.load %arg12[%get3A_81, %get3A_82] : memref<128x256xf32, #tpu.memory_space<vmem>>, vector<128x256xf32>
      %dot_general3A_84 = arith.constant dense<0.000000e+00> : vector<1024x256xf32>
      %dot_general3A_85 = tpu.matmul %get3A_80, %get3A_83, %dot_general3A_84 {dimension_numbers = #tpu.dot_dimension_numbers<[1], [0], [0], [1], [0, 0, 1, 1], [], []>, transpose_lhs_hint = false} : vector<1024x128xf32>, vector<128x256xf32>, vector<1024x256xf32> -> vector<1024x256xf32>
      %add3A_86 = arith.addf %add3A_77, %dot_general3A_85 : vector<1024x256xf32>
      %get3A_87 = arith.constant 0 : index
      %get3A_88 = arith.constant 0 : index
      %get3A_89 = vector.load %arg13[%get3A_87, %get3A_88] : memref<1x256xf32, #tpu.memory_space<vmem>>, vector<1x256xf32>
      %add3A_90 = vector.broadcast %get3A_89 : vector<1x256xf32> to vector<1024x256xf32>
      %add3A_91 = arith.addf %add3A_86, %add3A_90 : vector<1024x256xf32>
      %max3A = arith.constant 0.000000e+00 : f32
      %max3A_92 = vector.broadcast %max3A : f32 to vector<1024x256xf32>
      %max3A_93 = arith.maximumf %add3A_91, %max3A_92 : vector<1024x256xf32>
      %swap3A_94 = arith.constant 0 : index
      %swap3A_95 = arith.constant 0 : index
      %swap3A_96 = vector.load %arg14[%swap3A_94, %swap3A_95] : memref<1024x256xf32, #tpu.memory_space<vmem>>, vector<1024x256xf32>
      tpu.vector_store %arg14[%swap3A_94, %swap3A_95], %max3A_93 {strides = array<i32>} : memref<1024x256xf32, #tpu.memory_space<vmem>>, vector<1024x256xf32>,
    } else {
    }
    return
  }
  func.func @transform_0(%arg0: i32) -> (i32, i32) {
    %c0_i32 = arith.constant 0 : i32
    %c0_i32_0 = arith.constant 0 : i32
    %c0_i32_1 = arith.constant 0 : i32
    return %c0_i32, %c0_i32_0 : i32, i32
  }
  func.func @transform_1(%arg0: i32) -> (i32, i32) {
    %c0_i32 = arith.constant 0 : i32
    %c0_i32_0 = arith.constant 0 : i32
    %c0_i32_1 = arith.constant 0 : i32
    return %c0_i32, %c0_i32_0 : i32, i32
  }
  func.func @transform_2(%arg0: i32) -> (i32, i32) {
    %c0_i32 = arith.constant 0 : i32
    %c0_i32_0 = arith.constant 0 : i32
    %c0_i32_1 = arith.constant 0 : i32
    return %c0_i32, %c0_i32_0 : i32, i32
  }
  func.func @transform_3(%arg0: i32) -> (i32, i32) {
    %c0_i32 = arith.constant 0 : i32
    %c0_i32_0 = arith.constant 0 : i32
    %c0_i32_1 = arith.constant 0 : i32
    return %c0_i32, %c0_i32_0 : i32, i32
  }
  func.func @transform_4(%arg0: i32) -> (i32, i32) {
    %c0_i32 = arith.constant 0 : i32
    %c0_i32_0 = arith.constant 0 : i32
    %c0_i32_1 = arith.constant 0 : i32
    return %c0_i32, %c0_i32_0 : i32, i32
  }
  func.func @transform_5(%arg0: i32) -> (i32, i32) {
    %c0_i32 = arith.constant 0 : i32
    %c0_i32_0 = arith.constant 0 : i32
    %c0_i32_1 = arith.constant 0 : i32
    return %c0_i32, %c0_i32_0 : i32, i32
  }
  func.func @transform_6(%arg0: i32) -> (i32, i32) {
    %c0_i32 = arith.constant 0 : i32
    %c0_i32_0 = arith.constant 0 : i32
    %c0_i32_1 = arith.constant 0 : i32
    return %c0_i32, %c0_i32_0 : i32, i32
  }
  func.func @transform_7(%arg0: i32) -> (i32, i32) {
    %c0_i32 = arith.constant 0 : i32
    %c0_i32_0 = arith.constant 0 : i32
    %c0_i32_1 = arith.constant 0 : i32
    return %c0_i32, %c0_i32_0 : i32, i32
  }
  func.func @transform_8(%arg0: i32) -> (i32, i32) {
    %c0_i32 = arith.constant 0 : i32
    %c0_i32_0 = arith.constant 0 : i32
    %c0_i32_1 = arith.constant 0 : i32
    return %c0_i32, %c0_i32_0 : i32, i32
  }
  func.func @transform_9(%arg0: i32) -> (i32, i32) {
    %c0_i32 = arith.constant 0 : i32
    %c0_i32_0 = arith.constant 0 : i32
    return %c0_i32, %arg0 : i32, i32
  }
  func.func @transform_10(%arg0: i32) -> (i32, i32) {
    %c0_i32 = arith.constant 0 : i32
    %c0_i32_0 = arith.constant 0 : i32
    %c0_i32_1 = arith.constant 0 : i32
    return %c0_i32, %c0_i32_0 : i32, i32
  }
  func.func @transform_11(%arg0: i32) -> (i32, i32) {
    %c0_i32 = arith.constant 0 : i32
    %c0_i32_0 = arith.constant 0 : i32
    %c0_i32_1 = arith.constant 0 : i32
    return %c0_i32, %c0_i32_0 : i32, i32
  }
  func.func @transform_12(%arg0: i32) -> (i32, i32) {
    %c0_i32 = arith.constant 0 : i32
    %c0_i32_0 = arith.constant 0 : i32
    %c0_i32_1 = arith.constant 0 : i32
    return %c0_i32, %c0_i32_0 : i32, i32
  }
  func.func @transform_13(%arg0: i32) -> (i32, i32) {
    %c0_i32 = arith.constant 0 : i32
    %c0_i32_0 = arith.constant 0 : i32
    %c0_i32_1 = arith.constant 0 : i32
    return %c0_i32, %c0_i32_0 : i32, i32
  }
}

module attributes {stable_mosaic.version = 14 : i64} {
  func.func @_msg_body(%arg0: i32, %arg1: memref<1024x256xf32, #tpu.memory_space<vmem>>, %arg2: memref<2048x256xf32, #tpu.memory_space<vmem>>, %arg3: memref<1x2048xi32, #tpu.memory_space<vmem>>, %arg4: memref<2048x3xf32, #tpu.memory_space<vmem>>, %arg5: memref<2048x3xf32, #tpu.memory_space<vmem>>, %arg6: memref<3x64xf32, #tpu.memory_space<vmem>>, %arg7: memref<1x64xf32, #tpu.memory_space<vmem>>, %arg8: memref<64x64xf32, #tpu.memory_space<vmem>>, %arg9: memref<1x64xf32, #tpu.memory_space<vmem>>, %arg10: memref<256x512xbf16, #tpu.memory_space<vmem>>, %arg11: memref<256x64xf32, #tpu.memory_space<vmem>>, %arg12: memref<256x64xf32, #tpu.memory_space<vmem>>, %arg13: memref<1x64xf32, #tpu.memory_space<vmem>>, %arg14: memref<1x1024xi32, #tpu.memory_space<vmem>>, %arg15: memref<64x128xf32, #tpu.memory_space<vmem>>, %arg16: memref<1x128xf32, #tpu.memory_space<vmem>>, %arg17: memref<128x64xf32, #tpu.memory_space<vmem>>, %arg18: memref<1x64xf32, #tpu.memory_space<vmem>>, %arg19: memref<64x64xf32, #tpu.memory_space<vmem>>, %arg20: memref<1x64xf32, #tpu.memory_space<vmem>>, %arg21: memref<192x1xf32, #tpu.memory_space<vmem>>, %arg22: memref<1x1xf32, #tpu.memory_space<vmem>>, %arg23: memref<32x1xf32, #tpu.memory_space<vmem>>, %arg24: memref<8x2048x8xbf16, #tpu.memory_space<vmem>>, %arg25: memref<2048x256xbf16, #tpu.memory_space<vmem>>, %arg26: memref<2048x64xf32, #tpu.memory_space<vmem>>) attributes {dimension_semantics = [#tpu.dimension_semantics<arbitrary>], iteration_bounds = array<i64: 8>, scalar_prefetch = 0 : i64, scratch_operands = 3 : i64, tpu.core_type = #tpu.core_type<tc>, window_params = [{pipeline_mode = #tpu.pipeline_mode<synchronous>, transform_indices = @transform_0, window_bounds = array<i64: 1024, 256>}, {pipeline_mode = #tpu.pipeline_mode<synchronous>, transform_indices = @transform_1, window_bounds = array<i64: 2048, 256>}, {pipeline_mode = #tpu.pipeline_mode<synchronous>, transform_indices = @transform_2, window_bounds = array<i64: 1, 2048>}, {pipeline_mode = #tpu.pipeline_mode<synchronous>, transform_indices = @transform_3, window_bounds = array<i64: 2048, 3>}, {pipeline_mode = #tpu.pipeline_mode<synchronous>, transform_indices = @transform_4, window_bounds = array<i64: 2048, 3>}, {pipeline_mode = #tpu.pipeline_mode<synchronous>, transform_indices = @transform_5, window_bounds = array<i64: 3, 64>}, {pipeline_mode = #tpu.pipeline_mode<synchronous>, transform_indices = @transform_6, window_bounds = array<i64: 1, 64>}, {pipeline_mode = #tpu.pipeline_mode<synchronous>, transform_indices = @transform_7, window_bounds = array<i64: 64, 64>}, {pipeline_mode = #tpu.pipeline_mode<synchronous>, transform_indices = @transform_8, window_bounds = array<i64: 1, 64>}, {transform_indices = @transform_9, window_bounds = array<i64: 256, 512>}, {pipeline_mode = #tpu.pipeline_mode<synchronous>, transform_indices = @transform_10, window_bounds = array<i64: 256, 64>}, {pipeline_mode = #tpu.pipeline_mode<synchronous>, transform_indices = @transform_11, window_bounds = array<i64: 256, 64>}, {pipeline_mode = #tpu.pipeline_mode<synchronous>, transform_indices = @transform_12, window_bounds = array<i64: 1, 64>}, {pipeline_mode = #tpu.pipeline_mode<synchronous>, transform_indices = @transform_13, window_bounds = array<i64: 1, 1024>}, {pipeline_mode = #tpu.pipeline_mode<synchronous>, transform_indices = @transform_14, window_bounds = array<i64: 64, 128>}, {pipeline_mode = #tpu.pipeline_mode<synchronous>, transform_indices = @transform_15, window_bounds = array<i64: 1, 128>}, {pipeline_mode = #tpu.pipeline_mode<synchronous>, transform_indices = @transform_16, window_bounds = array<i64: 128, 64>}, {pipeline_mode = #tpu.pipeline_mode<synchronous>, transform_indices = @transform_17, window_bounds = array<i64: 1, 64>}, {pipeline_mode = #tpu.pipeline_mode<synchronous>, transform_indices = @transform_18, window_bounds = array<i64: 64, 64>}, {pipeline_mode = #tpu.pipeline_mode<synchronous>, transform_indices = @transform_19, window_bounds = array<i64: 1, 64>}, {pipeline_mode = #tpu.pipeline_mode<synchronous>, transform_indices = @transform_20, window_bounds = array<i64: 192, 1>}, {pipeline_mode = #tpu.pipeline_mode<synchronous>, transform_indices = @transform_21, window_bounds = array<i64: 1, 1>}, {pipeline_mode = #tpu.pipeline_mode<synchronous>, transform_indices = @transform_22, window_bounds = array<i64: 32, 1>}]} {
    %eq3A = arith.constant 0 : i32
    %eq3A_0 = arith.cmpi eq, %arg0, %eq3A : i32
    %convert_element_type3A = arith.extui %eq3A_0 : i1 to i32
    %cond3A = arith.constant 0 : i32
    %cond3A_1 = arith.cmpi ne, %convert_element_type3A, %cond3A : i32
    scf.if %cond3A_1 {
      %get3A_61 = arith.constant 0 : index
      %get3A_62 = arith.constant 0 : index
      %get3A_63 = vector.load %arg4[%get3A_61, %get3A_62] : memref<2048x3xf32, #tpu.memory_space<vmem>>, vector<2048x3xf32>
      %get3A_64 = arith.constant 0 : index
      %get3A_65 = arith.constant 0 : index
      %get3A_66 = vector.load %arg5[%get3A_64, %get3A_65] : memref<2048x3xf32, #tpu.memory_space<vmem>>, vector<2048x3xf32>
      %add3A_67 = arith.addf %get3A_63, %get3A_66 : vector<2048x3xf32>
      %get3A_68 = arith.constant 0 : index
      %get3A_69 = arith.constant 0 : index
      %get3A_70 = vector.load %arg6[%get3A_68, %get3A_69] : memref<3x64xf32, #tpu.memory_space<vmem>>, vector<3x64xf32>
      %dot_general3A_71 = arith.constant dense<0.000000e+00> : vector<2048x64xf32>
      %dot_general3A_72 = tpu.matmul %add3A_67, %get3A_70, %dot_general3A_71 {dimension_numbers = #tpu.dot_dimension_numbers<[1], [0], [0], [1], [0, 0, 1, 1], [], []>, transpose_lhs_hint = false} : vector<2048x3xf32>, vector<3x64xf32>, vector<2048x64xf32> -> vector<2048x64xf32>
      %get3A_73 = arith.constant 0 : index
      %get3A_74 = arith.constant 0 : index
      %get3A_75 = vector.load %arg7[%get3A_73, %get3A_74] : memref<1x64xf32, #tpu.memory_space<vmem>>, vector<1x64xf32>
      %add3A_76 = vector.broadcast %get3A_75 : vector<1x64xf32> to vector<2048x64xf32>
      %add3A_77 = arith.addf %dot_general3A_72, %add3A_76 : vector<2048x64xf32>
      %max3A = arith.constant 0.000000e+00 : f32
      %max3A_78 = vector.broadcast %max3A : f32 to vector<2048x64xf32>
      %max3A_79 = arith.maximumf %add3A_77, %max3A_78 : vector<2048x64xf32>
      %get3A_80 = arith.constant 0 : index
      %get3A_81 = arith.constant 0 : index
      %get3A_82 = vector.load %arg8[%get3A_80, %get3A_81] : memref<64x64xf32, #tpu.memory_space<vmem>>, vector<64x64xf32>
      %dot_general3A_83 = arith.constant dense<0.000000e+00> : vector<2048x64xf32>
      %dot_general3A_84 = tpu.matmul %max3A_79, %get3A_82, %dot_general3A_83 {dimension_numbers = #tpu.dot_dimension_numbers<[1], [0], [0], [1], [0, 0, 1, 1], [], []>, transpose_lhs_hint = false} : vector<2048x64xf32>, vector<64x64xf32>, vector<2048x64xf32> -> vector<2048x64xf32>
      %get3A_85 = arith.constant 0 : index
      %get3A_86 = arith.constant 0 : index
      %get3A_87 = vector.load %arg9[%get3A_85, %get3A_86] : memref<1x64xf32, #tpu.memory_space<vmem>>, vector<1x64xf32>
      %add3A_88 = vector.broadcast %get3A_87 : vector<1x64xf32> to vector<2048x64xf32>
      %add3A_89 = arith.addf %dot_general3A_84, %add3A_88 : vector<2048x64xf32>
      %max3A_90 = arith.constant 0.000000e+00 : f32
      %max3A_91 = vector.broadcast %max3A_90 : f32 to vector<2048x64xf32>
      %max3A_92 = arith.maximumf %add3A_89, %max3A_91 : vector<2048x64xf32>
      %convert_element_type3A_93 = arith.truncf %max3A_92 : vector<2048x64xf32> to vector<2048x64xbf16>
      %slice3A_94 = vector.extract_strided_slice %convert_element_type3A_93 {offsets = [0, 0], sizes = [2048, 8], strides = [1, 1]} : vector<2048x64xbf16> to vector<2048x8xbf16>
      %swap3A_95 = arith.constant 0 : index
      %swap3A_96 = arith.constant 0 : index
      %swap3A_97 = arith.constant 0 : index
      %swap3A_98 = vector.load %arg24[%swap3A_95, %swap3A_96, %swap3A_97] : memref<8x2048x8xbf16, #tpu.memory_space<vmem>>, vector<1x2048x8xbf16>
      %swap3A_99 = vector.shape_cast %swap3A_98 : vector<1x2048x8xbf16> to vector<2048x8xbf16>
      %swap3A_100 = vector.shape_cast %slice3A_94 : vector<2048x8xbf16> to vector<1x2048x8xbf16>
      tpu.vector_store %arg24[%swap3A_95, %swap3A_96, %swap3A_97], %swap3A_100 {strides = array<i32>} : memref<8x2048x8xbf16, #tpu.memory_space<vmem>>, vector<1x2048x8xbf16>,
      %slice3A_101 = vector.extract_strided_slice %convert_element_type3A_93 {offsets = [0, 8], sizes = [2048, 8], strides = [1, 1]} : vector<2048x64xbf16> to vector<2048x8xbf16>
      %swap3A_102 = arith.constant 1 : index
      %swap3A_103 = arith.constant 0 : index
      %swap3A_104 = arith.constant 0 : index
      %swap3A_105 = vector.load %arg24[%swap3A_102, %swap3A_103, %swap3A_104] : memref<8x2048x8xbf16, #tpu.memory_space<vmem>>, vector<1x2048x8xbf16>
      %swap3A_106 = vector.shape_cast %swap3A_105 : vector<1x2048x8xbf16> to vector<2048x8xbf16>
      %swap3A_107 = vector.shape_cast %slice3A_101 : vector<2048x8xbf16> to vector<1x2048x8xbf16>
      tpu.vector_store %arg24[%swap3A_102, %swap3A_103, %swap3A_104], %swap3A_107 {strides = array<i32>} : memref<8x2048x8xbf16, #tpu.memory_space<vmem>>, vector<1x2048x8xbf16>,
      %slice3A_108 = vector.extract_strided_slice %convert_element_type3A_93 {offsets = [0, 16], sizes = [2048, 8], strides = [1, 1]} : vector<2048x64xbf16> to vector<2048x8xbf16>
      %swap3A_109 = arith.constant 2 : index
      %swap3A_110 = arith.constant 0 : index
      %swap3A_111 = arith.constant 0 : index
      %swap3A_112 = vector.load %arg24[%swap3A_109, %swap3A_110, %swap3A_111] : memref<8x2048x8xbf16, #tpu.memory_space<vmem>>, vector<1x2048x8xbf16>
      %swap3A_113 = vector.shape_cast %swap3A_112 : vector<1x2048x8xbf16> to vector<2048x8xbf16>
      %swap3A_114 = vector.shape_cast %slice3A_108 : vector<2048x8xbf16> to vector<1x2048x8xbf16>
      tpu.vector_store %arg24[%swap3A_109, %swap3A_110, %swap3A_111], %swap3A_114 {strides = array<i32>} : memref<8x2048x8xbf16, #tpu.memory_space<vmem>>, vector<1x2048x8xbf16>,
      %slice3A_115 = vector.extract_strided_slice %convert_element_type3A_93 {offsets = [0, 24], sizes = [2048, 8], strides = [1, 1]} : vector<2048x64xbf16> to vector<2048x8xbf16>
      %swap3A_116 = arith.constant 3 : index
      %swap3A_117 = arith.constant 0 : index
      %swap3A_118 = arith.constant 0 : index
      %swap3A_119 = vector.load %arg24[%swap3A_116, %swap3A_117, %swap3A_118] : memref<8x2048x8xbf16, #tpu.memory_space<vmem>>, vector<1x2048x8xbf16>
      %swap3A_120 = vector.shape_cast %swap3A_119 : vector<1x2048x8xbf16> to vector<2048x8xbf16>
      %swap3A_121 = vector.shape_cast %slice3A_115 : vector<2048x8xbf16> to vector<1x2048x8xbf16>
      tpu.vector_store %arg24[%swap3A_116, %swap3A_117, %swap3A_118], %swap3A_121 {strides = array<i32>} : memref<8x2048x8xbf16, #tpu.memory_space<vmem>>, vector<1x2048x8xbf16>,
      %slice3A_122 = vector.extract_strided_slice %convert_element_type3A_93 {offsets = [0, 32], sizes = [2048, 8], strides = [1, 1]} : vector<2048x64xbf16> to vector<2048x8xbf16>
      %swap3A_123 = arith.constant 4 : index
      %swap3A_124 = arith.constant 0 : index
      %swap3A_125 = arith.constant 0 : index
      %swap3A_126 = vector.load %arg24[%swap3A_123, %swap3A_124, %swap3A_125] : memref<8x2048x8xbf16, #tpu.memory_space<vmem>>, vector<1x2048x8xbf16>
      %swap3A_127 = vector.shape_cast %swap3A_126 : vector<1x2048x8xbf16> to vector<2048x8xbf16>
      %swap3A_128 = vector.shape_cast %slice3A_122 : vector<2048x8xbf16> to vector<1x2048x8xbf16>
      tpu.vector_store %arg24[%swap3A_123, %swap3A_124, %swap3A_125], %swap3A_128 {strides = array<i32>} : memref<8x2048x8xbf16, #tpu.memory_space<vmem>>, vector<1x2048x8xbf16>,
      %slice3A_129 = vector.extract_strided_slice %convert_element_type3A_93 {offsets = [0, 40], sizes = [2048, 8], strides = [1, 1]} : vector<2048x64xbf16> to vector<2048x8xbf16>
      %swap3A_130 = arith.constant 5 : index
      %swap3A_131 = arith.constant 0 : index
      %swap3A_132 = arith.constant 0 : index
      %swap3A_133 = vector.load %arg24[%swap3A_130, %swap3A_131, %swap3A_132] : memref<8x2048x8xbf16, #tpu.memory_space<vmem>>, vector<1x2048x8xbf16>
      %swap3A_134 = vector.shape_cast %swap3A_133 : vector<1x2048x8xbf16> to vector<2048x8xbf16>
      %swap3A_135 = vector.shape_cast %slice3A_129 : vector<2048x8xbf16> to vector<1x2048x8xbf16>
      tpu.vector_store %arg24[%swap3A_130, %swap3A_131, %swap3A_132], %swap3A_135 {strides = array<i32>} : memref<8x2048x8xbf16, #tpu.memory_space<vmem>>, vector<1x2048x8xbf16>,
      %slice3A_136 = vector.extract_strided_slice %convert_element_type3A_93 {offsets = [0, 48], sizes = [2048, 8], strides = [1, 1]} : vector<2048x64xbf16> to vector<2048x8xbf16>
      %swap3A_137 = arith.constant 6 : index
      %swap3A_138 = arith.constant 0 : index
      %swap3A_139 = arith.constant 0 : index
      %swap3A_140 = vector.load %arg24[%swap3A_137, %swap3A_138, %swap3A_139] : memref<8x2048x8xbf16, #tpu.memory_space<vmem>>, vector<1x2048x8xbf16>
      %swap3A_141 = vector.shape_cast %swap3A_140 : vector<1x2048x8xbf16> to vector<2048x8xbf16>
      %swap3A_142 = vector.shape_cast %slice3A_136 : vector<2048x8xbf16> to vector<1x2048x8xbf16>
      tpu.vector_store %arg24[%swap3A_137, %swap3A_138, %swap3A_139], %swap3A_142 {strides = array<i32>} : memref<8x2048x8xbf16, #tpu.memory_space<vmem>>, vector<1x2048x8xbf16>,
      %slice3A_143 = vector.extract_strided_slice %convert_element_type3A_93 {offsets = [0, 56], sizes = [2048, 8], strides = [1, 1]} : vector<2048x64xbf16> to vector<2048x8xbf16>
      %swap3A_144 = arith.constant 7 : index
      %swap3A_145 = arith.constant 0 : index
      %swap3A_146 = arith.constant 0 : index
      %swap3A_147 = vector.load %arg24[%swap3A_144, %swap3A_145, %swap3A_146] : memref<8x2048x8xbf16, #tpu.memory_space<vmem>>, vector<1x2048x8xbf16>
      %swap3A_148 = vector.shape_cast %swap3A_147 : vector<1x2048x8xbf16> to vector<2048x8xbf16>
      %swap3A_149 = vector.shape_cast %slice3A_143 : vector<2048x8xbf16> to vector<1x2048x8xbf16>
      tpu.vector_store %arg24[%swap3A_144, %swap3A_145, %swap3A_146], %swap3A_149 {strides = array<i32>} : memref<8x2048x8xbf16, #tpu.memory_space<vmem>>, vector<1x2048x8xbf16>,
      %get3A_150 = arith.constant 0 : index
      %get3A_151 = arith.constant 0 : index
      %get3A_152 = vector.load %arg2[%get3A_150, %get3A_151] : memref<2048x256xf32, #tpu.memory_space<vmem>>, vector<2048x256xf32>
      %convert_element_type3A_153 = arith.truncf %get3A_152 : vector<2048x256xf32> to vector<2048x256xbf16>
      %swap3A_154 = arith.constant 0 : index
      %swap3A_155 = arith.constant 0 : index
      %swap3A_156 = vector.load %arg25[%swap3A_154, %swap3A_155] : memref<2048x256xbf16, #tpu.memory_space<vmem>>, vector<2048x256xbf16>
      tpu.vector_store %arg25[%swap3A_154, %swap3A_155], %convert_element_type3A_153 {strides = array<i32>} : memref<2048x256xbf16, #tpu.memory_space<vmem>>, vector<2048x256xbf16>,
      %get3A_157 = arith.constant 0 : index
      %get3A_158 = arith.constant 0 : index
      %get3A_159 = vector.load %arg11[%get3A_157, %get3A_158] : memref<256x64xf32, #tpu.memory_space<vmem>>, vector<256x64xf32>
      %dot_general3A_160 = arith.constant dense<0.000000e+00> : vector<2048x64xf32>
      %dot_general3A_161 = tpu.matmul %get3A_152, %get3A_159, %dot_general3A_160 {dimension_numbers = #tpu.dot_dimension_numbers<[1], [0], [0], [1], [0, 0, 1, 1], [], []>, transpose_lhs_hint = false} : vector<2048x256xf32>, vector<256x64xf32>, vector<2048x64xf32> -> vector<2048x64xf32>
      %swap3A_162 = arith.constant 0 : index
      %swap3A_163 = arith.constant 0 : index
      %swap3A_164 = vector.load %arg26[%swap3A_162, %swap3A_163] : memref<2048x64xf32, #tpu.memory_space<vmem>>, vector<2048x64xf32>
      tpu.vector_store %arg26[%swap3A_162, %swap3A_163], %dot_general3A_161 {strides = array<i32>} : memref<2048x64xf32, #tpu.memory_space<vmem>>, vector<2048x64xf32>,
    } else {
    }
    %get3A = arith.index_cast %arg0 : i32 to index
    %get3A_2 = arith.constant 0 : index
    %get3A_3 = arith.constant 0 : index
    %get3A_4 = vector.load %arg24[%get3A, %get3A_2, %get3A_3] : memref<8x2048x8xbf16, #tpu.memory_space<vmem>>, vector<1x2048x8xbf16>
    %get3A_5 = vector.shape_cast %get3A_4 : vector<1x2048x8xbf16> to vector<2048x8xbf16>
    %convert_element_type3A_6 = arith.extf %get3A_5 : vector<2048x8xbf16> to vector<2048x8xf32>
    %get3A_7 = arith.constant 0 : index
    %get3A_8 = arith.constant 0 : index
    %get3A_9 = vector.load %arg25[%get3A_7, %get3A_8] : memref<2048x256xbf16, #tpu.memory_space<vmem>>, vector<2048x256xbf16>
    %get3A_10 = arith.constant 0 : index
    %get3A_11 = arith.constant 0 : index
    %get3A_12 = vector.load %arg10[%get3A_10, %get3A_11] : memref<256x512xbf16, #tpu.memory_space<vmem>>, vector<256x512xbf16>
    %dot_general3A = arith.constant dense<0.000000e+00> : vector<2048x512xf32>
    %dot_general3A_13 = tpu.matmul %get3A_9, %get3A_12, %dot_general3A {dimension_numbers = #tpu.dot_dimension_numbers<[1], [0], [0], [1], [0, 0, 1, 1], [], []>, transpose_lhs_hint = false} : vector<2048x256xbf16>, vector<256x512xbf16>, vector<2048x512xf32> -> vector<2048x512xf32>
    %get3A_14 = arith.constant 0 : index
    %get3A_15 = arith.constant 0 : index
    %get3A_16 = vector.load %arg26[%get3A_14, %get3A_15] : memref<2048x64xf32, #tpu.memory_space<vmem>>, vector<2048x64xf32>
    %slice3A = vector.extract_strided_slice %convert_element_type3A_6 {offsets = [0, 0], sizes = [2048, 1], strides = [1, 1]} : vector<2048x8xf32> to vector<2048x1xf32>
    %slice3A_17 = vector.extract_strided_slice %dot_general3A_13 {offsets = [0, 0], sizes = [2048, 64], strides = [1, 1]} : vector<2048x512xf32> to vector<2048x64xf32>
    %mul3A = vector.broadcast %slice3A : vector<2048x1xf32> to vector<2048x64xf32>
    %mul3A_18 = arith.mulf %mul3A, %slice3A_17 : vector<2048x64xf32>
    %add3A = arith.addf %get3A_16, %mul3A_18 : vector<2048x64xf32>
    %slice3A_19 = vector.extract_strided_slice %convert_element_type3A_6 {offsets = [0, 1], sizes = [2048, 1], strides = [1, 1]} : vector<2048x8xf32> to vector<2048x1xf32>
    %slice3A_20 = vector.extract_strided_slice %dot_general3A_13 {offsets = [0, 64], sizes = [2048, 64], strides = [1, 1]} : vector<2048x512xf32> to vector<2048x64xf32>
    %mul3A_21 = vector.broadcast %slice3A_19 : vector<2048x1xf32> to vector<2048x64xf32>
    %mul3A_22 = arith.mulf %mul3A_21, %slice3A_20 : vector<2048x64xf32>
    %add3A_23 = arith.addf %add3A, %mul3A_22 : vector<2048x64xf32>
    %slice3A_24 = vector.extract_strided_slice %convert_element_type3A_6 {offsets = [0, 2], sizes = [2048, 1], strides = [1, 1]} : vector<2048x8xf32> to vector<2048x1xf32>
    %slice3A_25 = vector.extract_strided_slice %dot_general3A_13 {offsets = [0, 128], sizes = [2048, 64], strides = [1, 1]} : vector<2048x512xf32> to vector<2048x64xf32>
    %mul3A_26 = vector.broadcast %slice3A_24 : vector<2048x1xf32> to vector<2048x64xf32>
    %mul3A_27 = arith.mulf %mul3A_26, %slice3A_25 : vector<2048x64xf32>
    %add3A_28 = arith.addf %add3A_23, %mul3A_27 : vector<2048x64xf32>
    %slice3A_29 = vector.extract_strided_slice %convert_element_type3A_6 {offsets = [0, 3], sizes = [2048, 1], strides = [1, 1]} : vector<2048x8xf32> to vector<2048x1xf32>
    %slice3A_30 = vector.extract_strided_slice %dot_general3A_13 {offsets = [0, 192], sizes = [2048, 64], strides = [1, 1]} : vector<2048x512xf32> to vector<2048x64xf32>
    %mul3A_31 = vector.broadcast %slice3A_29 : vector<2048x1xf32> to vector<2048x64xf32>
    %mul3A_32 = arith.mulf %mul3A_31, %slice3A_30 : vector<2048x64xf32>
    %add3A_33 = arith.addf %add3A_28, %mul3A_32 : vector<2048x64xf32>
    %slice3A_34 = vector.extract_strided_slice %convert_element_type3A_6 {offsets = [0, 4], sizes = [2048, 1], strides = [1, 1]} : vector<2048x8xf32> to vector<2048x1xf32>
    %slice3A_35 = vector.extract_strided_slice %dot_general3A_13 {offsets = [0, 256], sizes = [2048, 64], strides = [1, 1]} : vector<2048x512xf32> to vector<2048x64xf32>
    %mul3A_36 = vector.broadcast %slice3A_34 : vector<2048x1xf32> to vector<2048x64xf32>
    %mul3A_37 = arith.mulf %mul3A_36, %slice3A_35 : vector<2048x64xf32>
    %add3A_38 = arith.addf %add3A_33, %mul3A_37 : vector<2048x64xf32>
    %slice3A_39 = vector.extract_strided_slice %convert_element_type3A_6 {offsets = [0, 5], sizes = [2048, 1], strides = [1, 1]} : vector<2048x8xf32> to vector<2048x1xf32>
    %slice3A_40 = vector.extract_strided_slice %dot_general3A_13 {offsets = [0, 320], sizes = [2048, 64], strides = [1, 1]} : vector<2048x512xf32> to vector<2048x64xf32>
    %mul3A_41 = vector.broadcast %slice3A_39 : vector<2048x1xf32> to vector<2048x64xf32>
    %mul3A_42 = arith.mulf %mul3A_41, %slice3A_40 : vector<2048x64xf32>
    %add3A_43 = arith.addf %add3A_38, %mul3A_42 : vector<2048x64xf32>
    %slice3A_44 = vector.extract_strided_slice %convert_element_type3A_6 {offsets = [0, 6], sizes = [2048, 1], strides = [1, 1]} : vector<2048x8xf32> to vector<2048x1xf32>
    %slice3A_45 = vector.extract_strided_slice %dot_general3A_13 {offsets = [0, 384], sizes = [2048, 64], strides = [1, 1]} : vector<2048x512xf32> to vector<2048x64xf32>
    %mul3A_46 = vector.broadcast %slice3A_44 : vector<2048x1xf32> to vector<2048x64xf32>
    %mul3A_47 = arith.mulf %mul3A_46, %slice3A_45 : vector<2048x64xf32>
    %add3A_48 = arith.addf %add3A_43, %mul3A_47 : vector<2048x64xf32>
    %slice3A_49 = vector.extract_strided_slice %convert_element_type3A_6 {offsets = [0, 7], sizes = [2048, 1], strides = [1, 1]} : vector<2048x8xf32> to vector<2048x1xf32>
    %slice3A_50 = vector.extract_strided_slice %dot_general3A_13 {offsets = [0, 448], sizes = [2048, 64], strides = [1, 1]} : vector<2048x512xf32> to vector<2048x64xf32>
    %mul3A_51 = vector.broadcast %slice3A_49 : vector<2048x1xf32> to vector<2048x64xf32>
    %mul3A_52 = arith.mulf %mul3A_51, %slice3A_50 : vector<2048x64xf32>
    %add3A_53 = arith.addf %add3A_48, %mul3A_52 : vector<2048x64xf32>
    %swap3A = arith.constant 0 : index
    %swap3A_54 = arith.constant 0 : index
    %swap3A_55 = vector.load %arg26[%swap3A, %swap3A_54] : memref<2048x64xf32, #tpu.memory_space<vmem>>, vector<2048x64xf32>
    tpu.vector_store %arg26[%swap3A, %swap3A_54], %add3A_53 {strides = array<i32>} : memref<2048x64xf32, #tpu.memory_space<vmem>>, vector<2048x64xf32>,
    %eq3A_56 = arith.constant 7 : i32
    %eq3A_57 = arith.cmpi eq, %arg0, %eq3A_56 : i32
    %convert_element_type3A_58 = arith.extui %eq3A_57 : i1 to i32
    %cond3A_59 = arith.constant 0 : i32
    %cond3A_60 = arith.cmpi ne, %convert_element_type3A_58, %cond3A_59 : i32
    scf.if %cond3A_60 {
      %iota3A = tpu.iota {dimensions = array<i32: 0>} : vector<1024x2048xi32>
      %get3A_61 = arith.constant 0 : index
      %get3A_62 = arith.constant 0 : index
      %get3A_63 = vector.load %arg3[%get3A_61, %get3A_62] : memref<1x2048xi32, #tpu.memory_space<vmem>>, vector<1x2048xi32>
      %eq3A_64 = vector.broadcast %get3A_63 : vector<1x2048xi32> to vector<1024x2048xi32>
      %eq3A_65 = arith.cmpi eq, %eq3A_64, %iota3A : vector<1024x2048xi32>
      %convert_element_type3A_66 = arith.extui %eq3A_65 : vector<1024x2048xi1> to vector<1024x2048xi32>
      %convert_element_type3A_67 = arith.sitofp %convert_element_type3A_66 : vector<1024x2048xi32> to vector<1024x2048xf32>
      %get3A_68 = arith.constant 0 : index
      %get3A_69 = arith.constant 0 : index
      %get3A_70 = vector.load %arg26[%get3A_68, %get3A_69] : memref<2048x64xf32, #tpu.memory_space<vmem>>, vector<2048x64xf32>
      %convert_element_type3A_71 = arith.truncf %get3A_70 : vector<2048x64xf32> to vector<2048x64xbf16>
      %convert_element_type3A_72 = arith.extf %convert_element_type3A_71 : vector<2048x64xbf16> to vector<2048x64xf32>
      %dot_general3A_73 = arith.constant dense<0.000000e+00> : vector<1024x64xf32>
      %dot_general3A_74 = tpu.matmul %convert_element_type3A_67, %convert_element_type3A_72, %dot_general3A_73 {dimension_numbers = #tpu.dot_dimension_numbers<[1], [0], [0], [1], [0, 0, 1, 1], [], []>, transpose_lhs_hint = false} : vector<1024x2048xf32>, vector<2048x64xf32>, vector<1024x64xf32> -> vector<1024x64xf32>
      %sub3A = arith.subf %get3A_70, %convert_element_type3A_72 : vector<2048x64xf32>
      %dot_general3A_75 = arith.constant dense<0.000000e+00> : vector<1024x64xf32>
      %dot_general3A_76 = tpu.matmul %convert_element_type3A_67, %sub3A, %dot_general3A_75 {dimension_numbers = #tpu.dot_dimension_numbers<[1], [0], [0], [1], [0, 0, 1, 1], [], []>, transpose_lhs_hint = false} : vector<1024x2048xf32>, vector<2048x64xf32>, vector<1024x64xf32> -> vector<1024x64xf32>
      %add3A_77 = arith.addf %dot_general3A_74, %dot_general3A_76 : vector<1024x64xf32>
      %get3A_78 = arith.constant 0 : index
      %get3A_79 = arith.constant 0 : index
      %get3A_80 = vector.load %arg1[%get3A_78, %get3A_79] : memref<1024x256xf32, #tpu.memory_space<vmem>>, vector<1024x256xf32>
      %get3A_81 = arith.constant 0 : index
      %get3A_82 = arith.constant 0 : index
      %get3A_83 = vector.load %arg12[%get3A_81, %get3A_82] : memref<256x64xf32, #tpu.memory_space<vmem>>, vector<256x64xf32>
      %dot_general3A_84 = arith.constant dense<0.000000e+00> : vector<1024x64xf32>
      %dot_general3A_85 = tpu.matmul %get3A_80, %get3A_83, %dot_general3A_84 {dimension_numbers = #tpu.dot_dimension_numbers<[1], [0], [0], [1], [0, 0, 1, 1], [], []>, transpose_lhs_hint = false} : vector<1024x256xf32>, vector<256x64xf32>, vector<1024x64xf32> -> vector<1024x64xf32>
      %add3A_86 = arith.addf %add3A_77, %dot_general3A_85 : vector<1024x64xf32>
      %get3A_87 = arith.constant 0 : index
      %get3A_88 = arith.constant 0 : index
      %get3A_89 = vector.load %arg13[%get3A_87, %get3A_88] : memref<1x64xf32, #tpu.memory_space<vmem>>, vector<1x64xf32>
      %add3A_90 = vector.broadcast %get3A_89 : vector<1x64xf32> to vector<1024x64xf32>
      %add3A_91 = arith.addf %add3A_86, %add3A_90 : vector<1024x64xf32>
      %max3A = arith.constant 0.000000e+00 : f32
      %max3A_92 = vector.broadcast %max3A : f32 to vector<1024x64xf32>
      %max3A_93 = arith.maximumf %add3A_91, %max3A_92 : vector<1024x64xf32>
      %get3A_94 = arith.constant 0 : index
      %get3A_95 = arith.constant 0 : index
      %get3A_96 = vector.load %arg15[%get3A_94, %get3A_95] : memref<64x128xf32, #tpu.memory_space<vmem>>, vector<64x128xf32>
      %dot_general3A_97 = arith.constant dense<0.000000e+00> : vector<1024x128xf32>
      %dot_general3A_98 = tpu.matmul %max3A_93, %get3A_96, %dot_general3A_97 {dimension_numbers = #tpu.dot_dimension_numbers<[1], [0], [0], [1], [0, 0, 1, 1], [], []>, transpose_lhs_hint = false} : vector<1024x64xf32>, vector<64x128xf32>, vector<1024x128xf32> -> vector<1024x128xf32>
      %get3A_99 = arith.constant 0 : index
      %get3A_100 = arith.constant 0 : index
      %get3A_101 = vector.load %arg16[%get3A_99, %get3A_100] : memref<1x128xf32, #tpu.memory_space<vmem>>, vector<1x128xf32>
      %add3A_102 = vector.broadcast %get3A_101 : vector<1x128xf32> to vector<1024x128xf32>
      %add3A_103 = arith.addf %dot_general3A_98, %add3A_102 : vector<1024x128xf32>
      %get3A_104 = arith.constant 0 : index
      %get3A_105 = arith.constant 0 : index
      %get3A_106 = vector.load %arg17[%get3A_104, %get3A_105] : memref<128x64xf32, #tpu.memory_space<vmem>>, vector<128x64xf32>
      %dot_general3A_107 = arith.constant dense<0.000000e+00> : vector<1024x64xf32>
      %dot_general3A_108 = tpu.matmul %add3A_103, %get3A_106, %dot_general3A_107 {dimension_numbers = #tpu.dot_dimension_numbers<[1], [0], [0], [1], [0, 0, 1, 1], [], []>, transpose_lhs_hint = false} : vector<1024x128xf32>, vector<128x64xf32>, vector<1024x64xf32> -> vector<1024x64xf32>
      %get3A_109 = arith.constant 0 : index
      %get3A_110 = arith.constant 0 : index
      %get3A_111 = vector.load %arg18[%get3A_109, %get3A_110] : memref<1x64xf32, #tpu.memory_space<vmem>>, vector<1x64xf32>
      %add3A_112 = vector.broadcast %get3A_111 : vector<1x64xf32> to vector<1024x64xf32>
      %add3A_113 = arith.addf %dot_general3A_108, %add3A_112 : vector<1024x64xf32>
      %get3A_114 = arith.constant 0 : index
      %get3A_115 = arith.constant 0 : index
      %get3A_116 = vector.load %arg19[%get3A_114, %get3A_115] : memref<64x64xf32, #tpu.memory_space<vmem>>, vector<64x64xf32>
      %dot_general3A_117 = arith.constant dense<0.000000e+00> : vector<1024x64xf32>
      %dot_general3A_118 = tpu.matmul %add3A_113, %get3A_116, %dot_general3A_117 {dimension_numbers = #tpu.dot_dimension_numbers<[1], [0], [0], [1], [0, 0, 1, 1], [], []>, transpose_lhs_hint = false} : vector<1024x64xf32>, vector<64x64xf32>, vector<1024x64xf32> -> vector<1024x64xf32>
      %get3A_119 = arith.constant 0 : index
      %get3A_120 = arith.constant 0 : index
      %get3A_121 = vector.load %arg20[%get3A_119, %get3A_120] : memref<1x64xf32, #tpu.memory_space<vmem>>, vector<1x64xf32>
      %add3A_122 = vector.broadcast %get3A_121 : vector<1x64xf32> to vector<1024x64xf32>
      %add3A_123 = arith.addf %dot_general3A_118, %add3A_122 : vector<1024x64xf32>
      %iota3A_124 = tpu.iota {dimensions = array<i32: 0>} : vector<32x1024xi32>
      %get3A_125 = arith.constant 0 : index
      %get3A_126 = arith.constant 0 : index
      %get3A_127 = vector.load %arg14[%get3A_125, %get3A_126] : memref<1x1024xi32, #tpu.memory_space<vmem>>, vector<1x1024xi32>
      %lt3A = vector.broadcast %get3A_127 : vector<1x1024xi32> to vector<32x1024xi32>
      %lt3A_128 = arith.cmpi slt, %lt3A, %iota3A_124 : vector<32x1024xi32>
      %convert_element_type3A_129 = arith.extui %lt3A_128 : vector<32x1024xi1> to vector<32x1024xi32>
      %reduce_sum3A = arith.constant dense<0> : vector<32xi32>
      %reduce_sum3A_130 = vector.multi_reduction <add>, %convert_element_type3A_129, %reduce_sum3A [1] : vector<32x1024xi32> to vector<32xi32>
      %broadcast_in_dim3A = vector.shape_cast %reduce_sum3A_130 : vector<32xi32> to vector<32x1xi32>
      %iota3A_131 = tpu.iota {dimensions = array<i32: 1>} : vector<32x1024xi32>
      %get3A_132 = arith.constant 0 : index
      %get3A_133 = arith.constant 0 : index
      %get3A_134 = vector.load %arg22[%get3A_132, %get3A_133] : memref<1x1xf32, #tpu.memory_space<vmem>>, vector<1x1xf32>
      %add3A_135 = arith.constant 0 : i32
      %add3A_136 = vector.broadcast %add3A_135 : i32 to vector<32x1xi32>
      %add3A_137 = arith.addi %broadcast_in_dim3A, %add3A_136 : vector<32x1xi32>
      %eq3A_138 = vector.broadcast %add3A_137 : vector<32x1xi32> to vector<32x1024xi32>
      %eq3A_139 = arith.cmpi eq, %iota3A_131, %eq3A_138 : vector<32x1024xi32>
      %convert_element_type3A_140 = arith.extui %eq3A_139 : vector<32x1024xi1> to vector<32x1024xi32>
      %convert_element_type3A_141 = arith.sitofp %convert_element_type3A_140 : vector<32x1024xi32> to vector<32x1024xf32>
      %dot_general3A_142 = arith.constant dense<0.000000e+00> : vector<32x64xf32>
      %dot_general3A_143 = tpu.matmul %convert_element_type3A_141, %add3A_123, %dot_general3A_142 {dimension_numbers = #tpu.dot_dimension_numbers<[1], [0], [0], [1], [0, 0, 1, 1], [], []>, transpose_lhs_hint = false} : vector<32x1024xf32>, vector<1024x64xf32>, vector<32x64xf32> -> vector<32x64xf32>
      %get3A_144 = arith.constant 0 : index
      %get3A_145 = arith.constant 0 : index
      %get3A_146 = vector.load %arg21[%get3A_144, %get3A_145] : memref<192x1xf32, #tpu.memory_space<vmem>>, vector<192x1xf32>
      %slice3A_147 = vector.extract_strided_slice %get3A_146 {offsets = [0, 0], sizes = [64, 1], strides = [1, 1]} : vector<192x1xf32> to vector<64x1xf32>
      %dot_general3A_148 = arith.constant dense<0.000000e+00> : vector<32x1xf32>
      %dot_general3A_149 = tpu.matmul %dot_general3A_143, %slice3A_147, %dot_general3A_148 {dimension_numbers = #tpu.dot_dimension_numbers<[1], [0], [0], [1], [0, 0, 1, 1], [], []>, transpose_lhs_hint = false} : vector<32x64xf32>, vector<64x1xf32>, vector<32x1xf32> -> vector<32x1xf32>
      %add3A_150 = vector.broadcast %get3A_134 : vector<1x1xf32> to vector<32x1xf32>
      %add3A_151 = arith.addf %add3A_150, %dot_general3A_149 : vector<32x1xf32>
      %add3A_152 = arith.constant 1 : i32
      %add3A_153 = vector.broadcast %add3A_152 : i32 to vector<32x1xi32>
      %add3A_154 = arith.addi %broadcast_in_dim3A, %add3A_153 : vector<32x1xi32>
      %eq3A_155 = vector.broadcast %add3A_154 : vector<32x1xi32> to vector<32x1024xi32>
      %eq3A_156 = arith.cmpi eq, %iota3A_131, %eq3A_155 : vector<32x1024xi32>
      %convert_element_type3A_157 = arith.extui %eq3A_156 : vector<32x1024xi1> to vector<32x1024xi32>
      %convert_element_type3A_158 = arith.sitofp %convert_element_type3A_157 : vector<32x1024xi32> to vector<32x1024xf32>
      %dot_general3A_159 = arith.constant dense<0.000000e+00> : vector<32x64xf32>
      %dot_general3A_160 = tpu.matmul %convert_element_type3A_158, %add3A_123, %dot_general3A_159 {dimension_numbers = #tpu.dot_dimension_numbers<[1], [0], [0], [1], [0, 0, 1, 1], [], []>, transpose_lhs_hint = false} : vector<32x1024xf32>, vector<1024x64xf32>, vector<32x64xf32> -> vector<32x64xf32>
      %get3A_161 = arith.constant 0 : index
      %get3A_162 = arith.constant 0 : index
      %get3A_163 = vector.load %arg21[%get3A_161, %get3A_162] : memref<192x1xf32, #tpu.memory_space<vmem>>, vector<192x1xf32>
      %slice3A_164 = vector.extract_strided_slice %get3A_163 {offsets = [64, 0], sizes = [64, 1], strides = [1, 1]} : vector<192x1xf32> to vector<64x1xf32>
      %dot_general3A_165 = arith.constant dense<0.000000e+00> : vector<32x1xf32>
      %dot_general3A_166 = tpu.matmul %dot_general3A_160, %slice3A_164, %dot_general3A_165 {dimension_numbers = #tpu.dot_dimension_numbers<[1], [0], [0], [1], [0, 0, 1, 1], [], []>, transpose_lhs_hint = false} : vector<32x64xf32>, vector<64x1xf32>, vector<32x1xf32> -> vector<32x1xf32>
      %add3A_167 = arith.addf %add3A_151, %dot_general3A_166 : vector<32x1xf32>
      %add3A_168 = arith.constant 2 : i32
      %add3A_169 = vector.broadcast %add3A_168 : i32 to vector<32x1xi32>
      %add3A_170 = arith.addi %broadcast_in_dim3A, %add3A_169 : vector<32x1xi32>
      %eq3A_171 = vector.broadcast %add3A_170 : vector<32x1xi32> to vector<32x1024xi32>
      %eq3A_172 = arith.cmpi eq, %iota3A_131, %eq3A_171 : vector<32x1024xi32>
      %convert_element_type3A_173 = arith.extui %eq3A_172 : vector<32x1024xi1> to vector<32x1024xi32>
      %convert_element_type3A_174 = arith.sitofp %convert_element_type3A_173 : vector<32x1024xi32> to vector<32x1024xf32>
      %dot_general3A_175 = arith.constant dense<0.000000e+00> : vector<32x64xf32>
      %dot_general3A_176 = tpu.matmul %convert_element_type3A_174, %add3A_123, %dot_general3A_175 {dimension_numbers = #tpu.dot_dimension_numbers<[1], [0], [0], [1], [0, 0, 1, 1], [], []>, transpose_lhs_hint = false} : vector<32x1024xf32>, vector<1024x64xf32>, vector<32x64xf32> -> vector<32x64xf32>
      %get3A_177 = arith.constant 0 : index
      %get3A_178 = arith.constant 0 : index
      %get3A_179 = vector.load %arg21[%get3A_177, %get3A_178] : memref<192x1xf32, #tpu.memory_space<vmem>>, vector<192x1xf32>
      %slice3A_180 = vector.extract_strided_slice %get3A_179 {offsets = [128, 0], sizes = [64, 1], strides = [1, 1]} : vector<192x1xf32> to vector<64x1xf32>
      %dot_general3A_181 = arith.constant dense<0.000000e+00> : vector<32x1xf32>
      %dot_general3A_182 = tpu.matmul %dot_general3A_176, %slice3A_180, %dot_general3A_181 {dimension_numbers = #tpu.dot_dimension_numbers<[1], [0], [0], [1], [0, 0, 1, 1], [], []>, transpose_lhs_hint = false} : vector<32x64xf32>, vector<64x1xf32>, vector<32x1xf32> -> vector<32x1xf32>
      %add3A_183 = arith.addf %add3A_167, %dot_general3A_182 : vector<32x1xf32>
      %swap3A_184 = arith.constant 0 : index
      %swap3A_185 = arith.constant 0 : index
      %swap3A_186 = vector.load %arg23[%swap3A_184, %swap3A_185] : memref<32x1xf32, #tpu.memory_space<vmem>>, vector<32x1xf32>
      tpu.vector_store %arg23[%swap3A_184, %swap3A_185], %add3A_183 {strides = array<i32>} : memref<32x1xf32, #tpu.memory_space<vmem>>, vector<32x1xf32>,
    } else {
    }
    return
  }
  func.func @transform_0(%arg0: i32) -> (i32, i32) {
    %c0_i32 = arith.constant 0 : i32
    %c0_i32_0 = arith.constant 0 : i32
    %c0_i32_1 = arith.constant 0 : i32
    return %c0_i32, %c0_i32_0 : i32, i32
  }
  func.func @transform_1(%arg0: i32) -> (i32, i32) {
    %c0_i32 = arith.constant 0 : i32
    %c0_i32_0 = arith.constant 0 : i32
    %c0_i32_1 = arith.constant 0 : i32
    return %c0_i32, %c0_i32_0 : i32, i32
  }
  func.func @transform_2(%arg0: i32) -> (i32, i32) {
    %c0_i32 = arith.constant 0 : i32
    %c0_i32_0 = arith.constant 0 : i32
    %c0_i32_1 = arith.constant 0 : i32
    return %c0_i32, %c0_i32_0 : i32, i32
  }
  func.func @transform_3(%arg0: i32) -> (i32, i32) {
    %c0_i32 = arith.constant 0 : i32
    %c0_i32_0 = arith.constant 0 : i32
    %c0_i32_1 = arith.constant 0 : i32
    return %c0_i32, %c0_i32_0 : i32, i32
  }
  func.func @transform_4(%arg0: i32) -> (i32, i32) {
    %c0_i32 = arith.constant 0 : i32
    %c0_i32_0 = arith.constant 0 : i32
    %c0_i32_1 = arith.constant 0 : i32
    return %c0_i32, %c0_i32_0 : i32, i32
  }
  func.func @transform_5(%arg0: i32) -> (i32, i32) {
    %c0_i32 = arith.constant 0 : i32
    %c0_i32_0 = arith.constant 0 : i32
    %c0_i32_1 = arith.constant 0 : i32
    return %c0_i32, %c0_i32_0 : i32, i32
  }
  func.func @transform_6(%arg0: i32) -> (i32, i32) {
    %c0_i32 = arith.constant 0 : i32
    %c0_i32_0 = arith.constant 0 : i32
    %c0_i32_1 = arith.constant 0 : i32
    return %c0_i32, %c0_i32_0 : i32, i32
  }
  func.func @transform_7(%arg0: i32) -> (i32, i32) {
    %c0_i32 = arith.constant 0 : i32
    %c0_i32_0 = arith.constant 0 : i32
    %c0_i32_1 = arith.constant 0 : i32
    return %c0_i32, %c0_i32_0 : i32, i32
  }
  func.func @transform_8(%arg0: i32) -> (i32, i32) {
    %c0_i32 = arith.constant 0 : i32
    %c0_i32_0 = arith.constant 0 : i32
    %c0_i32_1 = arith.constant 0 : i32
    return %c0_i32, %c0_i32_0 : i32, i32
  }
  func.func @transform_9(%arg0: i32) -> (i32, i32) {
    %c0_i32 = arith.constant 0 : i32
    %c0_i32_0 = arith.constant 0 : i32
    return %c0_i32, %arg0 : i32, i32
  }
  func.func @transform_10(%arg0: i32) -> (i32, i32) {
    %c0_i32 = arith.constant 0 : i32
    %c0_i32_0 = arith.constant 0 : i32
    %c0_i32_1 = arith.constant 0 : i32
    return %c0_i32, %c0_i32_0 : i32, i32
  }
  func.func @transform_11(%arg0: i32) -> (i32, i32) {
    %c0_i32 = arith.constant 0 : i32
    %c0_i32_0 = arith.constant 0 : i32
    %c0_i32_1 = arith.constant 0 : i32
    return %c0_i32, %c0_i32_0 : i32, i32
  }
  func.func @transform_12(%arg0: i32) -> (i32, i32) {
    %c0_i32 = arith.constant 0 : i32
    %c0_i32_0 = arith.constant 0 : i32
    %c0_i32_1 = arith.constant 0 : i32
    return %c0_i32, %c0_i32_0 : i32, i32
  }
  func.func @transform_13(%arg0: i32) -> (i32, i32) {
    %c0_i32 = arith.constant 0 : i32
    %c0_i32_0 = arith.constant 0 : i32
    %c0_i32_1 = arith.constant 0 : i32
    return %c0_i32, %c0_i32_0 : i32, i32
  }
  func.func @transform_14(%arg0: i32) -> (i32, i32) {
    %c0_i32 = arith.constant 0 : i32
    %c0_i32_0 = arith.constant 0 : i32
    %c0_i32_1 = arith.constant 0 : i32
    return %c0_i32, %c0_i32_0 : i32, i32
  }
  func.func @transform_15(%arg0: i32) -> (i32, i32) {
    %c0_i32 = arith.constant 0 : i32
    %c0_i32_0 = arith.constant 0 : i32
    %c0_i32_1 = arith.constant 0 : i32
    return %c0_i32, %c0_i32_0 : i32, i32
  }
  func.func @transform_16(%arg0: i32) -> (i32, i32) {
    %c0_i32 = arith.constant 0 : i32
    %c0_i32_0 = arith.constant 0 : i32
    %c0_i32_1 = arith.constant 0 : i32
    return %c0_i32, %c0_i32_0 : i32, i32
  }
  func.func @transform_17(%arg0: i32) -> (i32, i32) {
    %c0_i32 = arith.constant 0 : i32
    %c0_i32_0 = arith.constant 0 : i32
    %c0_i32_1 = arith.constant 0 : i32
    return %c0_i32, %c0_i32_0 : i32, i32
  }
  func.func @transform_18(%arg0: i32) -> (i32, i32) {
    %c0_i32 = arith.constant 0 : i32
    %c0_i32_0 = arith.constant 0 : i32
    %c0_i32_1 = arith.constant 0 : i32
    return %c0_i32, %c0_i32_0 : i32, i32
  }
  func.func @transform_19(%arg0: i32) -> (i32, i32) {
    %c0_i32 = arith.constant 0 : i32
    %c0_i32_0 = arith.constant 0 : i32
    %c0_i32_1 = arith.constant 0 : i32
    return %c0_i32, %c0_i32_0 : i32, i32
  }
  func.func @transform_20(%arg0: i32) -> (i32, i32) {
    %c0_i32 = arith.constant 0 : i32
    %c0_i32_0 = arith.constant 0 : i32
    %c0_i32_1 = arith.constant 0 : i32
    return %c0_i32, %c0_i32_0 : i32, i32
  }
  func.func @transform_21(%arg0: i32) -> (i32, i32) {
    %c0_i32 = arith.constant 0 : i32
    %c0_i32_0 = arith.constant 0 : i32
    %c0_i32_1 = arith.constant 0 : i32
    return %c0_i32, %c0_i32_0 : i32, i32
  }
  func.func @transform_22(%arg0: i32) -> (i32, i32) {
    %c0_i32 = arith.constant 0 : i32
    %c0_i32_0 = arith.constant 0 : i32
    %c0_i32_1 = arith.constant 0 : i32
    return %c0_i32, %c0_i32_0 : i32, i32
  }
}

</mosaic_0001>

<sc_bundles>
// kernel: kernel.10.cloned.1.call-start
scs
__scs_entry_jumppad:
0x0: {  	(pc) =	sbr.rel $0x88, $3  }
0x1: {  	(tag) =	ssettag $0x0;
	lr =	simm.s32 $0x1  }
0x2: {  	[smem:$0x3F74] =	sst lr;
	_ =	strace $0xD0000000  }
0x3: {  	_ = 	snop  }
0x4: {  	_ = 	snop  }
0x5: {  	_ = 	snop  }
0x6: {  	_ = 	snop  }
0x7: {  	_ = 	snop  }
__scs_overlays_trampoline_lowered:
0x8: {  	[smem:$0x3F83] =	sst s0  }
0x9: {  	[smem:$0x3F84] =	sst s1  }
0xa: {  	[smem:$0x3F85] =	sst s2  }
0xb: {  	[smem:$0x3F86] =	sst s3  }
0xc: {  	[smem:$0x3F87] =	sst s4  }
0xd: {  	[smem:$0x3F88] =	sst s5  }
0xe: {  	[smem:$0x3F89] =	sst s6  }
0xf: {  	[smem:$0x3F8A] =	sst s7  }
0x10: {  	[smem:$0x3F8B] =	sst s8  }
0x11: {  	[smem:$0x3F8C] =	sst s9;
	s0 =	simm.s32 @!p0 $0x0  }
0x12: {  	s1 =	sld [smem:$0x3F72];
	s0 =	simm.s32 @p0 $0x1  }
0x13: {  	[smem:$0x3F8D] =	sst s0;
	s0 =	simm.s32 @!p1 $0x0  }
0x14: {  	s2 =	sld [smem:$0x3F71];
	s0 =	simm.s32 @p1 $0x1  }
0x15: {  	[smem:$0x3F8E] =	sst s0;
	s0 =	simm.s32 @!p2 $0x0  }
0x16: {  	s3 =	sld [smem:$0x3FDB];
	s0 =	simm.s32 @p2 $0x1  }
0x17: {  	s4 =	simm.s32 $0x1BF5;
	[smem:$0x3F90] =	sst s0  }
0x18: {  	s0 =	sld [smem:$0x3F73];
	_ =	swait.ge [sflag:s4], $0x0  }
0x19: {  	s7 =	sld [smem:$0x3F74]  }
0x1a: {  	s8 =	sadd.s32 $0xFFFFE003, lr  }
0x1b: {  	s9 =	sadd.s32 $0xFFFFFEF7, lr;
	s5 =	simm.s32 $0xFFFFFFFF;
	p2 =	slt.u32 s8, $0xFFFFF086  }
0x1c: {  	p1 =	slt.u32 s9, $0xF7A;
	s5 =	simm.s32 @!p2 $0x0  }
0x1d: {  	s5 =	simm.s32 @p1 $0x1;
	p0 =	seq.s32 s7, s2  }
0x1e: {  	s7 =	smul.u32 @!p0 $0xF7A, s2;
	p2 =	seq.s32 @!p0 s5, $0x0  }
0x1f: {  	s9 =	smul.u32 $0xF7A, s1;
	s8 =	simm.s32 @!p0 $0x1BF5;
	p2 =	por !p2, p0  }
0x20: {  	[sflag:s8] =	ssyncset.s32 @!p0 $0xFFFFF086;
	s6 =	sadd.s32 @!p0 s3, s7;
	s7 =	simm.s32 @!p0 $0x108  }
0x21: {  	s3 =	sadd.s32 s3, s9;
	s6 =	sadd.s32 @!p0 $0x88, s6;
	s7 =	simm.s32 @p2 $0x1082  }
0x22: {  	[simem:s7], [sflag:s8] =	dma.local @!p0 [hbm:s6], $0xF7A  }
0x23: {  	s9 =	sor.u32 $0xD0000000, s2;
	s6 =	simm.s32 $0x108;
	_ =	swait.ge @!p0 [sflag:s8], $0x0  }
0x24: {  	s3 =	sadd.s32 $0x88, s3;
	s6 =	simm.s32 @!p1 $0x1082;
	[sflag:s4] =	ssyncset.s32 $0xFFFFF086  }
0x25: {  	[simem:s6], [sflag:s4] =	dma.local [hbm:s3], $0xF7A  }
0x26: {  	[smem:$0x3F74] =	sst s1;
	(tag) =	ssettag s2;
	_ =	strace s9  }
0x27: {  	s1 =	sld [smem:$0x3F84]  }
0x28: {  	s2 =	sld [smem:$0x3F85]  }
0x29: {  	s4 =	sld [smem:$0x3F87]  }
0x2a: {  	p0 =	seq.s32 s5, $0x0;
	s5 =	sld [smem:$0x3F88]  }
0x2b: {  	s6 =	sld [smem:$0x3F89]  }
0x2c: {  	s7 =	sld [smem:$0x3F8A]  }
0x2d: {  	s3 =	simm.s32 $0x108;
	s8 =	sld [smem:$0x3F8B]  }
0x2e: {  	s3 =	simm.s32 @!p0 $0x1082;
	s9 =	sld [smem:$0x3F8C]  }
0x2f: {  	lr =	sadd.s32 s0, s3;
	s0 =	sld [smem:$0x3F83]  }
0x30: {  	s3 =	sld [smem:$0x3F86]  }
0x31: {  	[smem:$0x3F8F] =	sst s10  }
0x32: {  	s10 =	sld [smem:$0x3F8D];
	_ =	sdelay $0x3  }
0x33: {  	p0 =	seq.s32 s10, $0x1;
	s10 =	sld [smem:$0x3F8F];
	_ =	sdelay $0x3  }
0x34: {  	[smem:$0x3F8F] =	sst s10  }
0x35: {  	s10 =	sld [smem:$0x3F8E];
	_ =	sdelay $0x3  }
0x36: {  	p1 =	seq.s32 s10, $0x1;
	s10 =	sld [smem:$0x3F8F];
	_ =	sdelay $0x3  }
0x37: {  	[smem:$0x3F8F] =	sst s10  }
0x38: {  	s10 =	sld [smem:$0x3F90]  }
0x39: {  	_ = 	snop;
	(pc) =	sbr.ind lr, $3  }
0x3a: {  	_ = 	snop  }
0x3b: {  	_ = 	snop  }
0x3c: {  	p2 =	seq.s32 s10, $0x1;
	s10 =	sld [smem:$0x3F8F]  }
0x3d: {  	_ =	shalt  }
0x3e: {  	_ =	shalt  }
0x3f: {  	_ =	shalt  }
0x40: {  	_ =	shalt  }
0x41: {  	_ =	shalt  }
0x42: {  	_ =	shalt  }
0x43: {  	_ =	shalt  }
0x44: {  	_ =	shalt  }
0x45: {  	_ =	shalt  }
0x46: {  	_ =	shalt  }
0x47: {  	_ =	shalt  }
0x48: {  	_ =	shalt  }
0x49: {  	_ =	shalt  }
0x4a: {  	_ =	shalt  }
0x4b: {  	_ =	shalt  }
0x4c: {  	_ =	shalt  }
0x4d: {  	_ =	shalt  }
0x4e: {  	_ =	shalt  }
0x4f: {  	_ =	shalt  }
0x50: {  	_ =	shalt  }
0x51: {  	_ =	shalt  }
0x52: {  	_ =	shalt  }
0x53: {  	_ =	shalt  }
0x54: {  	_ =	shalt  }
0x55: {  	_ =	shalt  }
0x56: {  	_ =	shalt  }
0x57: {  	_ =	shalt  }
0x58: {  	_ =	shalt  }
0x59: {  	_ =	shalt  }
0x5a: {  	_ =	shalt  }
0x5b: {  	_ =	shalt  }
0x5c: {  	_ =	shalt  }
0x5d: {  	_ =	shalt  }
0x5e: {  	_ =	shalt  }
0x5f: {  	_ =	shalt  }
0x60: {  	_ =	shalt  }
0x61: {  	_ =	shalt  }
0x62: {  	_ =	shalt  }
0x63: {  	_ =	shalt  }
0x64: {  	_ =	shalt  }
0x65: {  	_ =	shalt  }
0x66: {  	_ =	shalt  }
0x67: {  	_ =	shalt  }
0x68: {  	_ =	shalt  }
0x69: {  	_ =	shalt  }
0x6a: {  	_ =	shalt  }
0x6b: {  	_ =	shalt  }
0x6c: {  	_ =	shalt  }
0x6d: {  	_ =	shalt  }
0x6e: {  	_ =	shalt  }
0x6f: {  	_ =	shalt  }
0x70: {  	_ =	shalt  }
0x71: {  	_ =	shalt  }
0x72: {  	_ =	shalt  }
0x73: {  	_ =	shalt  }
0x74: {  	_ =	shalt  }
0x75: {  	_ =	shalt  }
0x76: {  	_ =	shalt  }
0x77: {  	_ =	shalt  }
0x78: {  	_ =	shalt  }
0x79: {  	_ =	shalt  }
0x7a: {  	_ =	shalt  }
0x7b: {  	_ =	shalt  }
0x7c: {  	_ =	shalt  }
0x7d: {  	_ =	shalt  }
0x7e: {  	_ =	shalt  }
0x7f: {  	_ =	shalt  }
0x80: {  	_ =	shalt  }
0x81: {  	_ =	shalt  }
0x82: {  	_ =	shalt  }
0x83: {  	_ =	shalt  }
0x84: {  	_ =	shalt  }
0x85: {  	_ =	shalt  }
0x86: {  	_ =	shalt  }
0x87: {  	_ =	shalt  }
.Lfunc_end0:
.L_simem_size_0:
called_computation_lowered:
.L_overlay_start_0:
0x88: {  	s2 =	sld [smem:$0x3FD9]  }
0x89: {  	s3 =	sld [smem:$0x3FFE];
	_ =	sdelay $0x1  }
0x8a: {  	s1 =	srdreg.scid  }
0x8b: {  	s0 =	sand.u32 $0x1, s1  }
0x8c: {  	s16 =	sshll.u32 s0, $0xA;
	s2 =	sadd.s32 s3, s2  }
0x8d: {  	s2 =	sadd.s32 s2, s16  }
0x8e: {  	[smem:$0x3F9B] =	sst s2  }
0x8f: {  	_ = 	snop  }
0x90: {  	(tm) =	ssettm $0x1  }
0x91: {  	s17 =	sld [smem:$0x3FFB];
	_ =	sdelay $0x3  }
0x92: {  	_ =	strace s17  }
0x93: {  	s2 =	sld [smem:$0x3FFC];
	_ =	sdelay $0x3  }
0x94: {  	_ =	strace s2  }
0x95: {  	s2 =	sld [smem:$0x3FFD];
	_ =	sdelay $0x3  }
0x96: {  	_ =	strace s2  }
0x97: {  	_ =	strace $0x8FFFFFFF  }
0x98: {  	s18 =	sld [smem:$0x3FDB];
	_ =	sdelay $0x1  }
0x99: {  	s19 =	simm.s32 $_scs_section_size  }
0x9a: {  	s4 =	simm.s32 $_size__tile_overlayer_lowered;
	s5 =	simm.s32 $_tile_overlayer_lowered  }
0x9b: {  	s22 =	simm.s32 $0x1BFF;
	s21 =	sshll.u32 s5, $0x1;
	s2 =	sadd.s32 s19, s18  }
0x9c: {  	s6 =	simm.s32 $0x0;
	s20 =	sshll.u32 s4, $0x1;
	s4 =	sadd.s32 s21, s2  }
0x9d: {  	[timem:s6], [sflag:s22] =	dma.local [hbm:s4], s20  }
0x9e: {  	_ =	swait.ge [sflag:s22], s20  }
0x9f: {  	s3 =	ssub.s32 $0x0, s20;
	[sflag:s22] =	ssyncset.done $0x0  }
0xa0: {  	[sflag:s22] =	ssyncadd.s32 s3;
	_ =	sdelay $0x1  }
0xa1: {  	s23 =	simm.s32 $0x1B8B  }
0xa2: {  	_ =	swait.ge [sflag:s23], $0x1  }
0xa3: {  	[sflag:s23] =	ssyncset.done $0x0  }
0xa4: {  	s25 =	simm.s32 $0x1B8E;
	s24 =	sld [smem:$0x3FFE];
	[sflag:s23] =	ssyncadd.s32 $0xFFFFFFFF  }
0xa5: {  	s26 =	simm.s32 $execute0_lowered;
	[smem:$0x3FD2] =	sst s25  }
0xa6: {  	s4 =	sshll.u32 s26, $0x1;
	_ =	strace $0x80000046;
	[dreg:$0x1] =	wrdreg $0xFFFFFFFF  }
0xa7: {  	s28 =	simm.s32 $_size_execute0_lowered;
	s2 =	sadd.s32 s2, s4;
	[dreg:$0x0] =	wrdreg $0x0  }
0xa8: {  	s4 =	sshll.u32 s28, $0x1;
	[dreg:$0x2] =	wrdreg s2  }
0xa9: {  	[dreg:$0x3] =	wrdreg s4  }
0xaa: {  	[dreg:$0x4] =	wrdreg $0xC0  }
0xab: {  	_ =	task [dreg:s6], $0x5FFFF  }
0xac: {  	[dreg:$0x1] =	wrdreg $0xFFFFFFFF  }
0xad: {  	[dreg:$0x0] =	wrdreg $0x60  }
0xae: {  	[dreg:$0x2] =	wrdreg s24  }
0xaf: {  	[dreg:$0x3] =	wrdreg $0x9  }
0xb0: {  	_ =	task.clear_ibuf [dreg:s6], $0x4FFFF;
	_ =	strace $0x90000046  }
0xb1: {  	s29 =	simm.s32 $0x9;
	_ =	strace $0x80000048  }
0xb2: {  	_ =	swait.ge [sflag:s29], $0x1  }
0xb3: {  	[sflag:s29] =	ssyncadd.s32 $0xFFFFFFFF  }
0xb4: {  	_ =	strace $0x90000048  }
0xb5: {  	_ =	sfence  }
0xb6: {  	s30 =	sld [smem:$0x0];
	_ =	sdelay $0x2  }
0xb7: {  	s31 =	sshll.u32 s1, $0xD;
	s1 =	sshrl.u32 s1, $0x2  }
0xb8: {  	s3 =	sand.u32 $0x4000, s31;
	s1 =	sadd.s32 s1, s30  }
0xb9: {  	s0 =	sor.u32 s3, s0;
	s1 =	sshll.u32 s1, $0x11  }
0xba: {  	s0 =	sor.u32 s1, s0  }
0xbb: {  	s0 =	sadd.s32 $0x8F2B, s0  }
0xbc: {  	[sflag:s0] =	ssyncadd.remote.s32 $0x1  }
0xbd: {  	_ =	sfence.sel $0xFFFF  }
0xbe: {  	[dreg:$0x0] =	wrdreg $0xFFFFFFFF;
	(pc) =	sbr.abs _section_cstart, $3  }
0xbf: {  	[dreg:$0x1] =	wrdreg $0xFFFFFFFF  }
0xc0: {  	_ =	task.clear_ibuf [dreg:s6], $0x2FFFF;
	_ =	strace $0x9FFFFFFF  }
0xc1: {  	(tm) =	ssettm $0x7FFFFFFF  }
tec
execute0_lowered:
.L_overlay_start_1:
0x0: {  	(tag) =	ssettag $0x1  }
0x1: {  	s1 =	srdreg.scid  }
0x2: {  	s0 =	stileid.u32;
	s9 =	rddreg [dreg:$0x0];
	s6 =	sand.u32 $0x1, s1  }
0x3: {  	s7 =	simm.s32 $0x80;
	s30 =	sshll.u32 s0, $0x7;
	s2 =	sshll.u32 s6, $0x6  }
0x4: {  	s8 =	simm.s32 $0x1;
	s1 =	rddreg [dreg:$0x1];
	s10 =	sor.u32 s2, s30  }
0x5: {  	s5 =	sadd.s32 $0x8400, s9;
	s2 =	simm.s32 $0x0;
	s3 =	sshrl.u32 s10, $0x3  }
0x6: {  	s11 =	ssub.s32 $0x2, s6;
	[smem:$0x7FF] =	sst s2;
	s3 =	sadd.s32 s3, s9  }
0x7: {  	_ =	strace $0x80000047;
	s4 =	sadd.s32 $0x8200, s3;
	s3 =	simm.s32 $0x2  }
0x8: {  	[tilespmem:s2], [sflag:$0x2] =	stream.linear.gather [hbm4b:s4+s2], $0x40, $0x38;
	[tilespmem:$0x2080] =	vst v63  }
0x9: {  	s6 =	simm.s32 $0x40;
	s12 =	sshrl.u32 s11, $0x1;
	_ =	swait.ge [sflag:s3], $0x40  }
0xa: {  	s10 =	sshll.u32 s10, $0x4;
	s31 =	ssub.s32 s11, s12;
	[sflag:s3] =	ssyncset.done $0x0  }
0xb: {  	s9 =	sadd.s32 s10, s9;
	s10 =	smax.u32 s31, $0x1;
	[sflag:s3] =	ssyncadd.s32 $0xFFFFFFC0  }
0xc: {  	[tilespmem:s7], [sflag:$0x1] =	stream.indirect.gather [hbm4b:s5+s6], $0x80, s2, s6, $0xb8;
	[tilespmem:$0x2080] =	vst v63  }
0xd: {  	p0 =	sne.s32 s10, $0x1;
	_ =	swait.ge [sflag:s8], $0x2000  }
.Ltmp0:
0xe: {  	[sflag:s8] =	ssyncset.done $0x0;
	(pc) =	sbr.rel @!p0 .LBB2_2-.Ltmp0, $4  }
0xf: {  	s9 =	sadd.s32 $0xC400, s9;
	[sflag:s8] =	ssyncadd.s32 $0xFFFFE000  }
0x10: {  	[hbm4b:s9+s2] =	stream.linear.scatter [tilespmem:s7], [sflag:$0x2], $0x2000, $0x38;
	[tilespmem:$0x2080] =	vst v63  }
0x11: {  	_ =	swait.ge [sflag:s3], $0x2000  }
0x12: {  	s10 =	sadd.s32 $0xFFFFFFFF, s10;
	[sflag:s3] =	ssyncset.done $0x0  }
.LBB2_1:
0x13: {  	p0 =	sne.s32 s10, $0x1;
	s10 =	sadd.s32 $0xFFFFFFFF, s10;
	[sflag:s3] =	ssyncadd.s32 $0xFFFFE000  }
0x14: {  	[tilespmem:s2], [sflag:$0x2] =	stream.linear.gather [hbm4b:s4+s2], $0x40, $0x38;
	[tilespmem:$0x2080] =	vst v63  }
0x15: {  	_ =	swait.ge [sflag:s3], $0x40  }
0x16: {  	[sflag:s3] =	ssyncset.done $0x0  }
0x17: {  	[sflag:s3] =	ssyncadd.s32 $0xFFFFFFC0  }
0x18: {  	[tilespmem:s7], [sflag:$0x1] =	stream.indirect.gather [hbm4b:s5+s6], $0x80, s2, s6, $0xb8;
	[tilespmem:$0x2080] =	vst v63  }
0x19: {  	_ =	swait.ge [sflag:s8], $0x2000  }
.Ltmp1:
0x1a: {  	[sflag:s8] =	ssyncset.done $0x0;
	(pc) =	sbr.rel @p0 .LBB2_1-.Ltmp1, $4  }
0x1b: {  	[sflag:s8] =	ssyncadd.s32 $0xFFFFE000  }
0x1c: {  	[hbm4b:s9+s2] =	stream.linear.scatter [tilespmem:s7], [sflag:$0x2], $0x2000, $0x38;
	[tilespmem:$0x2080] =	vst v63  }
0x1d: {  	_ =	swait.ge [sflag:s3], $0x2000  }
0x1e: {  	[sflag:s3] =	ssyncset.done $0x0  }
.LBB2_2:
0x1f: {  	[sflag:s3] =	ssyncadd.s32 $0xFFFFE000  }
0x20: {  	_ =	sfence.sel $0x180000  }
0x21: {  	[bflag:$0x0] =	sbarrier.arrive $0xFFFF  }
0x22: {  	p0 =	sne.s32 s0, $0x0;
	_ =	strace $0x90000047  }
0x23: {  	s0 =	sadd.s32 @!p0 $0x100000, s1;
	[bflag:$0x2] =	sbarrier.arrive $0xFFFF  }
0x24: {  	[sflag:s0] =	ssyncadd.tile.s32 @!p0 $0x1;
	_ =	shalt  }
.Lfunc_end2:
_tile_overlayer_lowered:
.L_overlay_start_2:
0x25: {  	(tag) =	ssettag $0x2  }
0x26: {  	s0 =	rddreg [dreg:$0x0];
	s2 =	stileid.u32  }
0x27: {  	s1 =	rddreg [dreg:$0x1];
	p0 =	sne.s32 s2, $0x0  }
0x28: {  	s3 =	rddreg [dreg:$0x2];
	[bflag:$0x3] =	sbarrier.arrive $0xFFFF;
	s2 =	simm.s32 @!p0 $0x1C02  }
0x29: {  	[timem:s3], [sflag:s2] =	dma.local @!p0 [hbm:s0], s1  }
0x2a: {  	s0 =	simm.s32 @!p0 $0x2  }
0x2b: {  	_ =	swait.ge @!p0 [sflag:s0], s1  }
0x2c: {  	s1 =	ssub.s32 @!p0 $0x0, s1;
	[sflag:s0] =	ssyncset.done @!p0 $0x0  }
0x2d: {  	[sflag:s0] =	ssyncadd.s32 @!p0 s1  }
0x2e: {  	[bflag:$0x3] =	sbarrier.arrive $0xFFFF  }
0x2f: {  	_ =	shalt  }

// kernel: kernel.13.cloned.1.call-start
scs
__scs_entry_jumppad:
0x0: {  	(pc) =	sbr.rel $0x88, $3  }
0x1: {  	(tag) =	ssettag $0x0;
	lr =	simm.s32 $0x1  }
0x2: {  	[smem:$0x3F74] =	sst lr;
	_ =	strace $0xD0000000  }
0x3: {  	_ = 	snop  }
0x4: {  	_ = 	snop  }
0x5: {  	_ = 	snop  }
0x6: {  	_ = 	snop  }
0x7: {  	_ = 	snop  }
__scs_overlays_trampoline_lowered:
0x8: {  	[smem:$0x3F83] =	sst s0  }
0x9: {  	[smem:$0x3F84] =	sst s1  }
0xa: {  	[smem:$0x3F85] =	sst s2  }
0xb: {  	[smem:$0x3F86] =	sst s3  }
0xc: {  	[smem:$0x3F87] =	sst s4  }
0xd: {  	[smem:$0x3F88] =	sst s5  }
0xe: {  	[smem:$0x3F89] =	sst s6  }
0xf: {  	[smem:$0x3F8A] =	sst s7  }
0x10: {  	[smem:$0x3F8B] =	sst s8  }
0x11: {  	[smem:$0x3F8C] =	sst s9;
	s0 =	simm.s32 @!p0 $0x0  }
0x12: {  	s1 =	sld [smem:$0x3F72];
	s0 =	simm.s32 @p0 $0x1  }
0x13: {  	[smem:$0x3F8D] =	sst s0;
	s0 =	simm.s32 @!p1 $0x0  }
0x14: {  	s2 =	sld [smem:$0x3F71];
	s0 =	simm.s32 @p1 $0x1  }
0x15: {  	[smem:$0x3F8E] =	sst s0;
	s0 =	simm.s32 @!p2 $0x0  }
0x16: {  	s3 =	sld [smem:$0x3FDB];
	s0 =	simm.s32 @p2 $0x1  }
0x17: {  	s4 =	simm.s32 $0x1BF5;
	[smem:$0x3F90] =	sst s0  }
0x18: {  	s0 =	sld [smem:$0x3F73];
	_ =	swait.ge [sflag:s4], $0x0  }
0x19: {  	s7 =	sld [smem:$0x3F74]  }
0x1a: {  	s8 =	sadd.s32 $0xFFFFE003, lr  }
0x1b: {  	s9 =	sadd.s32 $0xFFFFFEF7, lr;
	s5 =	simm.s32 $0xFFFFFFFF;
	p2 =	slt.u32 s8, $0xFFFFF086  }
0x1c: {  	p1 =	slt.u32 s9, $0xF7A;
	s5 =	simm.s32 @!p2 $0x0  }
0x1d: {  	s5 =	simm.s32 @p1 $0x1;
	p0 =	seq.s32 s7, s2  }
0x1e: {  	s7 =	smul.u32 @!p0 $0xF7A, s2;
	p2 =	seq.s32 @!p0 s5, $0x0  }
0x1f: {  	s9 =	smul.u32 $0xF7A, s1;
	s8 =	simm.s32 @!p0 $0x1BF5;
	p2 =	por !p2, p0  }
0x20: {  	[sflag:s8] =	ssyncset.s32 @!p0 $0xFFFFF086;
	s6 =	sadd.s32 @!p0 s3, s7;
	s7 =	simm.s32 @!p0 $0x108  }
0x21: {  	s3 =	sadd.s32 s3, s9;
	s6 =	sadd.s32 @!p0 $0x88, s6;
	s7 =	simm.s32 @p2 $0x1082  }
0x22: {  	[simem:s7], [sflag:s8] =	dma.local @!p0 [hbm:s6], $0xF7A  }
0x23: {  	s9 =	sor.u32 $0xD0000000, s2;
	s6 =	simm.s32 $0x108;
	_ =	swait.ge @!p0 [sflag:s8], $0x0  }
0x24: {  	s3 =	sadd.s32 $0x88, s3;
	s6 =	simm.s32 @!p1 $0x1082;
	[sflag:s4] =	ssyncset.s32 $0xFFFFF086  }
0x25: {  	[simem:s6], [sflag:s4] =	dma.local [hbm:s3], $0xF7A  }
0x26: {  	[smem:$0x3F74] =	sst s1;
	(tag) =	ssettag s2;
	_ =	strace s9  }
0x27: {  	s1 =	sld [smem:$0x3F84]  }
0x28: {  	s2 =	sld [smem:$0x3F85]  }
0x29: {  	s4 =	sld [smem:$0x3F87]  }
0x2a: {  	p0 =	seq.s32 s5, $0x0;
	s5 =	sld [smem:$0x3F88]  }
0x2b: {  	s6 =	sld [smem:$0x3F89]  }
0x2c: {  	s7 =	sld [smem:$0x3F8A]  }
0x2d: {  	s3 =	simm.s32 $0x108;
	s8 =	sld [smem:$0x3F8B]  }
0x2e: {  	s3 =	simm.s32 @!p0 $0x1082;
	s9 =	sld [smem:$0x3F8C]  }
0x2f: {  	lr =	sadd.s32 s0, s3;
	s0 =	sld [smem:$0x3F83]  }
0x30: {  	s3 =	sld [smem:$0x3F86]  }
0x31: {  	[smem:$0x3F8F] =	sst s10  }
0x32: {  	s10 =	sld [smem:$0x3F8D];
	_ =	sdelay $0x3  }
0x33: {  	p0 =	seq.s32 s10, $0x1;
	s10 =	sld [smem:$0x3F8F];
	_ =	sdelay $0x3  }
0x34: {  	[smem:$0x3F8F] =	sst s10  }
0x35: {  	s10 =	sld [smem:$0x3F8E];
	_ =	sdelay $0x3  }
0x36: {  	p1 =	seq.s32 s10, $0x1;
	s10 =	sld [smem:$0x3F8F];
	_ =	sdelay $0x3  }
0x37: {  	[smem:$0x3F8F] =	sst s10  }
0x38: {  	s10 =	sld [smem:$0x3F90]  }
0x39: {  	_ = 	snop;
	(pc) =	sbr.ind lr, $3  }
0x3a: {  	_ = 	snop  }
0x3b: {  	_ = 	snop  }
0x3c: {  	p2 =	seq.s32 s10, $0x1;
	s10 =	sld [smem:$0x3F8F]  }
0x3d: {  	_ =	shalt  }
0x3e: {  	_ =	shalt  }
0x3f: {  	_ =	shalt  }
0x40: {  	_ =	shalt  }
0x41: {  	_ =	shalt  }
0x42: {  	_ =	shalt  }
0x43: {  	_ =	shalt  }
0x44: {  	_ =	shalt  }
0x45: {  	_ =	shalt  }
0x46: {  	_ =	shalt  }
0x47: {  	_ =	shalt  }
0x48: {  	_ =	shalt  }
0x49: {  	_ =	shalt  }
0x4a: {  	_ =	shalt  }
0x4b: {  	_ =	shalt  }
0x4c: {  	_ =	shalt  }
0x4d: {  	_ =	shalt  }
0x4e: {  	_ =	shalt  }
0x4f: {  	_ =	shalt  }
0x50: {  	_ =	shalt  }
0x51: {  	_ =	shalt  }
0x52: {  	_ =	shalt  }
0x53: {  	_ =	shalt  }
0x54: {  	_ =	shalt  }
0x55: {  	_ =	shalt  }
0x56: {  	_ =	shalt  }
0x57: {  	_ =	shalt  }
0x58: {  	_ =	shalt  }
0x59: {  	_ =	shalt  }
0x5a: {  	_ =	shalt  }
0x5b: {  	_ =	shalt  }
0x5c: {  	_ =	shalt  }
0x5d: {  	_ =	shalt  }
0x5e: {  	_ =	shalt  }
0x5f: {  	_ =	shalt  }
0x60: {  	_ =	shalt  }
0x61: {  	_ =	shalt  }
0x62: {  	_ =	shalt  }
0x63: {  	_ =	shalt  }
0x64: {  	_ =	shalt  }
0x65: {  	_ =	shalt  }
0x66: {  	_ =	shalt  }
0x67: {  	_ =	shalt  }
0x68: {  	_ =	shalt  }
0x69: {  	_ =	shalt  }
0x6a: {  	_ =	shalt  }
0x6b: {  	_ =	shalt  }
0x6c: {  	_ =	shalt  }
0x6d: {  	_ =	shalt  }
0x6e: {  	_ =	shalt  }
0x6f: {  	_ =	shalt  }
0x70: {  	_ =	shalt  }
0x71: {  	_ =	shalt  }
0x72: {  	_ =	shalt  }
0x73: {  	_ =	shalt  }
0x74: {  	_ =	shalt  }
0x75: {  	_ =	shalt  }
0x76: {  	_ =	shalt  }
0x77: {  	_ =	shalt  }
0x78: {  	_ =	shalt  }
0x79: {  	_ =	shalt  }
0x7a: {  	_ =	shalt  }
0x7b: {  	_ =	shalt  }
0x7c: {  	_ =	shalt  }
0x7d: {  	_ =	shalt  }
0x7e: {  	_ =	shalt  }
0x7f: {  	_ =	shalt  }
0x80: {  	_ =	shalt  }
0x81: {  	_ =	shalt  }
0x82: {  	_ =	shalt  }
0x83: {  	_ =	shalt  }
0x84: {  	_ =	shalt  }
0x85: {  	_ =	shalt  }
0x86: {  	_ =	shalt  }
0x87: {  	_ =	shalt  }
.Lfunc_end0:
.L_simem_size_0:
called_computation.1_lowered:
.L_overlay_start_0:
0x88: {  	s2 =	sld [smem:$0x3FD9]  }
0x89: {  	s3 =	sld [smem:$0x3FFE];
	_ =	sdelay $0x1  }
0x8a: {  	s1 =	srdreg.scid  }
0x8b: {  	s0 =	sand.u32 $0x1, s1  }
0x8c: {  	s16 =	sshll.u32 s0, $0xA;
	s2 =	sadd.s32 s3, s2  }
0x8d: {  	s2 =	sadd.s32 s2, s16  }
0x8e: {  	[smem:$0x3F9B] =	sst s2  }
0x8f: {  	_ = 	snop  }
0x90: {  	(tm) =	ssettm $0x1  }
0x91: {  	s17 =	sld [smem:$0x3FFB];
	_ =	sdelay $0x3  }
0x92: {  	_ =	strace s17  }
0x93: {  	s2 =	sld [smem:$0x3FFC];
	_ =	sdelay $0x3  }
0x94: {  	_ =	strace s2  }
0x95: {  	s2 =	sld [smem:$0x3FFD];
	_ =	sdelay $0x3  }
0x96: {  	_ =	strace s2  }
0x97: {  	_ =	strace $0x8FFFFFFF  }
0x98: {  	s18 =	sld [smem:$0x3FDB];
	_ =	sdelay $0x1  }
0x99: {  	s19 =	simm.s32 $_scs_section_size  }
0x9a: {  	s4 =	simm.s32 $_size__tile_overlayer_lowered;
	s5 =	simm.s32 $_tile_overlayer_lowered  }
0x9b: {  	s22 =	simm.s32 $0x1BFF;
	s21 =	sshll.u32 s5, $0x1;
	s2 =	sadd.s32 s19, s18  }
0x9c: {  	s6 =	simm.s32 $0x0;
	s20 =	sshll.u32 s4, $0x1;
	s4 =	sadd.s32 s21, s2  }
0x9d: {  	[timem:s6], [sflag:s22] =	dma.local [hbm:s4], s20  }
0x9e: {  	_ =	swait.ge [sflag:s22], s20  }
0x9f: {  	s3 =	ssub.s32 $0x0, s20;
	[sflag:s22] =	ssyncset.done $0x0  }
0xa0: {  	[sflag:s22] =	ssyncadd.s32 s3;
	_ =	sdelay $0x1  }
0xa1: {  	s23 =	simm.s32 $0x1B8B  }
0xa2: {  	_ =	swait.ge [sflag:s23], $0x1  }
0xa3: {  	[sflag:s23] =	ssyncset.done $0x0  }
0xa4: {  	s25 =	simm.s32 $0x1B8E;
	s24 =	sld [smem:$0x3FFE];
	[sflag:s23] =	ssyncadd.s32 $0xFFFFFFFF  }
0xa5: {  	s26 =	simm.s32 $execute0_lowered;
	[smem:$0x3FD2] =	sst s25  }
0xa6: {  	s4 =	sshll.u32 s26, $0x1;
	_ =	strace $0x80000049;
	[dreg:$0x1] =	wrdreg $0xFFFFFFFF  }
0xa7: {  	s28 =	simm.s32 $_size_execute0_lowered;
	s2 =	sadd.s32 s2, s4;
	[dreg:$0x0] =	wrdreg $0x0  }
0xa8: {  	s4 =	sshll.u32 s28, $0x1;
	[dreg:$0x2] =	wrdreg s2  }
0xa9: {  	[dreg:$0x3] =	wrdreg s4  }
0xaa: {  	[dreg:$0x4] =	wrdreg $0xC0  }
0xab: {  	_ =	task [dreg:s6], $0x5FFFF  }
0xac: {  	[dreg:$0x1] =	wrdreg $0xFFFFFFFF  }
0xad: {  	[dreg:$0x0] =	wrdreg $0x60  }
0xae: {  	[dreg:$0x2] =	wrdreg s24  }
0xaf: {  	[dreg:$0x3] =	wrdreg $0x9  }
0xb0: {  	_ =	task.clear_ibuf [dreg:s6], $0x4FFFF;
	_ =	strace $0x90000049  }
0xb1: {  	s29 =	simm.s32 $0x9;
	_ =	strace $0x8000004B  }
0xb2: {  	_ =	swait.ge [sflag:s29], $0x1  }
0xb3: {  	[sflag:s29] =	ssyncadd.s32 $0xFFFFFFFF  }
0xb4: {  	_ =	strace $0x9000004B  }
0xb5: {  	_ =	sfence  }
0xb6: {  	s30 =	sld [smem:$0x0];
	_ =	sdelay $0x2  }
0xb7: {  	s31 =	sshll.u32 s1, $0xD;
	s1 =	sshrl.u32 s1, $0x2  }
0xb8: {  	s3 =	sand.u32 $0x4000, s31;
	s1 =	sadd.s32 s1, s30  }
0xb9: {  	s0 =	sor.u32 s3, s0;
	s1 =	sshll.u32 s1, $0x11  }
0xba: {  	s0 =	sor.u32 s1, s0  }
0xbb: {  	s0 =	sadd.s32 $0x8F2B, s0  }
0xbc: {  	[sflag:s0] =	ssyncadd.remote.s32 $0x1  }
0xbd: {  	_ =	sfence.sel $0xFFFF  }
0xbe: {  	[dreg:$0x0] =	wrdreg $0xFFFFFFFF;
	(pc) =	sbr.abs _section_cstart, $3  }
0xbf: {  	[dreg:$0x1] =	wrdreg $0xFFFFFFFF  }
0xc0: {  	_ =	task.clear_ibuf [dreg:s6], $0x2FFFF;
	_ =	strace $0x9FFFFFFF  }
0xc1: {  	(tm) =	ssettm $0x7FFFFFFF  }
tec
execute0_lowered:
.L_overlay_start_1:
0x0: {  	(tag) =	ssettag $0x1  }
0x1: {  	s1 =	srdreg.scid  }
0x2: {  	s0 =	stileid.u32;
	s9 =	rddreg [dreg:$0x0];
	s6 =	sand.u32 $0x1, s1  }
0x3: {  	s7 =	simm.s32 $0x80;
	s30 =	sshll.u32 s0, $0x7;
	s2 =	sshll.u32 s6, $0x6  }
0x4: {  	s8 =	simm.s32 $0x1;
	s1 =	rddreg [dreg:$0x1];
	s10 =	sor.u32 s2, s30  }
0x5: {  	s5 =	sadd.s32 $0x8400, s9;
	s2 =	simm.s32 $0x0;
	s3 =	sshrl.u32 s10, $0x3  }
0x6: {  	s11 =	ssub.s32 $0x2, s6;
	[smem:$0x7FF] =	sst s2;
	s3 =	sadd.s32 s3, s9  }
0x7: {  	_ =	strace $0x8000004A;
	s4 =	sadd.s32 $0x8200, s3;
	s3 =	simm.s32 $0x2  }
0x8: {  	[tilespmem:s2], [sflag:$0x2] =	stream.linear.gather [hbm4b:s4+s2], $0x40, $0x38;
	[tilespmem:$0x2080] =	vst v63  }
0x9: {  	s6 =	simm.s32 $0x40;
	s12 =	sshrl.u32 s11, $0x1;
	_ =	swait.ge [sflag:s3], $0x40  }
0xa: {  	s10 =	sshll.u32 s10, $0x4;
	s31 =	ssub.s32 s11, s12;
	[sflag:s3] =	ssyncset.done $0x0  }
0xb: {  	s9 =	sadd.s32 s10, s9;
	s10 =	smax.u32 s31, $0x1;
	[sflag:s3] =	ssyncadd.s32 $0xFFFFFFC0  }
0xc: {  	[tilespmem:s7], [sflag:$0x1] =	stream.indirect.gather [hbm4b:s5+s6], $0x80, s2, s6, $0xb8;
	[tilespmem:$0x2080] =	vst v63  }
0xd: {  	p0 =	sne.s32 s10, $0x1;
	_ =	swait.ge [sflag:s8], $0x2000  }
.Ltmp0:
0xe: {  	[sflag:s8] =	ssyncset.done $0x0;
	(pc) =	sbr.rel @!p0 .LBB2_2-.Ltmp0, $4  }
0xf: {  	s9 =	sadd.s32 $0xC400, s9;
	[sflag:s8] =	ssyncadd.s32 $0xFFFFE000  }
0x10: {  	[hbm4b:s9+s2] =	stream.linear.scatter [tilespmem:s7], [sflag:$0x2], $0x2000, $0x38;
	[tilespmem:$0x2080] =	vst v63  }
0x11: {  	_ =	swait.ge [sflag:s3], $0x2000  }
0x12: {  	s10 =	sadd.s32 $0xFFFFFFFF, s10;
	[sflag:s3] =	ssyncset.done $0x0  }
.LBB2_1:
0x13: {  	p0 =	sne.s32 s10, $0x1;
	s10 =	sadd.s32 $0xFFFFFFFF, s10;
	[sflag:s3] =	ssyncadd.s32 $0xFFFFE000  }
0x14: {  	[tilespmem:s2], [sflag:$0x2] =	stream.linear.gather [hbm4b:s4+s2], $0x40, $0x38;
	[tilespmem:$0x2080] =	vst v63  }
0x15: {  	_ =	swait.ge [sflag:s3], $0x40  }
0x16: {  	[sflag:s3] =	ssyncset.done $0x0  }
0x17: {  	[sflag:s3] =	ssyncadd.s32 $0xFFFFFFC0  }
0x18: {  	[tilespmem:s7], [sflag:$0x1] =	stream.indirect.gather [hbm4b:s5+s6], $0x80, s2, s6, $0xb8;
	[tilespmem:$0x2080] =	vst v63  }
0x19: {  	_ =	swait.ge [sflag:s8], $0x2000  }
.Ltmp1:
0x1a: {  	[sflag:s8] =	ssyncset.done $0x0;
	(pc) =	sbr.rel @p0 .LBB2_1-.Ltmp1, $4  }
0x1b: {  	[sflag:s8] =	ssyncadd.s32 $0xFFFFE000  }
0x1c: {  	[hbm4b:s9+s2] =	stream.linear.scatter [tilespmem:s7], [sflag:$0x2], $0x2000, $0x38;
	[tilespmem:$0x2080] =	vst v63  }
0x1d: {  	_ =	swait.ge [sflag:s3], $0x2000  }
0x1e: {  	[sflag:s3] =	ssyncset.done $0x0  }
.LBB2_2:
0x1f: {  	[sflag:s3] =	ssyncadd.s32 $0xFFFFE000  }
0x20: {  	_ =	sfence.sel $0x180000  }
0x21: {  	[bflag:$0x0] =	sbarrier.arrive $0xFFFF  }
0x22: {  	p0 =	sne.s32 s0, $0x0;
	_ =	strace $0x9000004A  }
0x23: {  	s0 =	sadd.s32 @!p0 $0x100000, s1;
	[bflag:$0x2] =	sbarrier.arrive $0xFFFF  }
0x24: {  	[sflag:s0] =	ssyncadd.tile.s32 @!p0 $0x1;
	_ =	shalt  }
.Lfunc_end2:
_tile_overlayer_lowered:
.L_overlay_start_2:
0x25: {  	(tag) =	ssettag $0x2  }
0x26: {  	s0 =	rddreg [dreg:$0x0];
	s2 =	stileid.u32  }
0x27: {  	s1 =	rddreg [dreg:$0x1];
	p0 =	sne.s32 s2, $0x0  }
0x28: {  	s3 =	rddreg [dreg:$0x2];
	[bflag:$0x3] =	sbarrier.arrive $0xFFFF;
	s2 =	simm.s32 @!p0 $0x1C02  }
0x29: {  	[timem:s3], [sflag:s2] =	dma.local @!p0 [hbm:s0], s1  }
0x2a: {  	s0 =	simm.s32 @!p0 $0x2  }
0x2b: {  	_ =	swait.ge @!p0 [sflag:s0], s1  }
0x2c: {  	s1 =	ssub.s32 @!p0 $0x0, s1;
	[sflag:s0] =	ssyncset.done @!p0 $0x0  }
0x2d: {  	[sflag:s0] =	ssyncadd.s32 @!p0 s1  }
0x2e: {  	[bflag:$0x3] =	sbarrier.arrive $0xFFFF  }
0x2f: {  	_ =	shalt  }

// kernel: kernel.16.cloned.1.call-start
scs
__scs_entry_jumppad:
0x0: {  	(pc) =	sbr.rel $0x88, $3  }
0x1: {  	(tag) =	ssettag $0x0;
	lr =	simm.s32 $0x1  }
0x2: {  	[smem:$0x3F74] =	sst lr;
	_ =	strace $0xD0000000  }
0x3: {  	_ = 	snop  }
0x4: {  	_ = 	snop  }
0x5: {  	_ = 	snop  }
0x6: {  	_ = 	snop  }
0x7: {  	_ = 	snop  }
__scs_overlays_trampoline_lowered:
0x8: {  	[smem:$0x3F83] =	sst s0  }
0x9: {  	[smem:$0x3F84] =	sst s1  }
0xa: {  	[smem:$0x3F85] =	sst s2  }
0xb: {  	[smem:$0x3F86] =	sst s3  }
0xc: {  	[smem:$0x3F87] =	sst s4  }
0xd: {  	[smem:$0x3F88] =	sst s5  }
0xe: {  	[smem:$0x3F89] =	sst s6  }
0xf: {  	[smem:$0x3F8A] =	sst s7  }
0x10: {  	[smem:$0x3F8B] =	sst s8  }
0x11: {  	[smem:$0x3F8C] =	sst s9;
	s0 =	simm.s32 @!p0 $0x0  }
0x12: {  	s1 =	sld [smem:$0x3F72];
	s0 =	simm.s32 @p0 $0x1  }
0x13: {  	[smem:$0x3F8D] =	sst s0;
	s0 =	simm.s32 @!p1 $0x0  }
0x14: {  	s2 =	sld [smem:$0x3F71];
	s0 =	simm.s32 @p1 $0x1  }
0x15: {  	[smem:$0x3F8E] =	sst s0;
	s0 =	simm.s32 @!p2 $0x0  }
0x16: {  	s3 =	sld [smem:$0x3FDB];
	s0 =	simm.s32 @p2 $0x1  }
0x17: {  	s4 =	simm.s32 $0x1BF5;
	[smem:$0x3F90] =	sst s0  }
0x18: {  	s0 =	sld [smem:$0x3F73];
	_ =	swait.ge [sflag:s4], $0x0  }
0x19: {  	s7 =	sld [smem:$0x3F74]  }
0x1a: {  	s8 =	sadd.s32 $0xFFFFE003, lr  }
0x1b: {  	s9 =	sadd.s32 $0xFFFFFEF7, lr;
	s5 =	simm.s32 $0xFFFFFFFF;
	p2 =	slt.u32 s8, $0xFFFFF086  }
0x1c: {  	p1 =	slt.u32 s9, $0xF7A;
	s5 =	simm.s32 @!p2 $0x0  }
0x1d: {  	s5 =	simm.s32 @p1 $0x1;
	p0 =	seq.s32 s7, s2  }
0x1e: {  	s7 =	smul.u32 @!p0 $0xF7A, s2;
	p2 =	seq.s32 @!p0 s5, $0x0  }
0x1f: {  	s9 =	smul.u32 $0xF7A, s1;
	s8 =	simm.s32 @!p0 $0x1BF5;
	p2 =	por !p2, p0  }
0x20: {  	[sflag:s8] =	ssyncset.s32 @!p0 $0xFFFFF086;
	s6 =	sadd.s32 @!p0 s3, s7;
	s7 =	simm.s32 @!p0 $0x108  }
0x21: {  	s3 =	sadd.s32 s3, s9;
	s6 =	sadd.s32 @!p0 $0x88, s6;
	s7 =	simm.s32 @p2 $0x1082  }
0x22: {  	[simem:s7], [sflag:s8] =	dma.local @!p0 [hbm:s6], $0xF7A  }
0x23: {  	s9 =	sor.u32 $0xD0000000, s2;
	s6 =	simm.s32 $0x108;
	_ =	swait.ge @!p0 [sflag:s8], $0x0  }
0x24: {  	s3 =	sadd.s32 $0x88, s3;
	s6 =	simm.s32 @!p1 $0x1082;
	[sflag:s4] =	ssyncset.s32 $0xFFFFF086  }
0x25: {  	[simem:s6], [sflag:s4] =	dma.local [hbm:s3], $0xF7A  }
0x26: {  	[smem:$0x3F74] =	sst s1;
	(tag) =	ssettag s2;
	_ =	strace s9  }
0x27: {  	s1 =	sld [smem:$0x3F84]  }
0x28: {  	s2 =	sld [smem:$0x3F85]  }
0x29: {  	s4 =	sld [smem:$0x3F87]  }
0x2a: {  	p0 =	seq.s32 s5, $0x0;
	s5 =	sld [smem:$0x3F88]  }
0x2b: {  	s6 =	sld [smem:$0x3F89]  }
0x2c: {  	s7 =	sld [smem:$0x3F8A]  }
0x2d: {  	s3 =	simm.s32 $0x108;
	s8 =	sld [smem:$0x3F8B]  }
0x2e: {  	s3 =	simm.s32 @!p0 $0x1082;
	s9 =	sld [smem:$0x3F8C]  }
0x2f: {  	lr =	sadd.s32 s0, s3;
	s0 =	sld [smem:$0x3F83]  }
0x30: {  	s3 =	sld [smem:$0x3F86]  }
0x31: {  	[smem:$0x3F8F] =	sst s10  }
0x32: {  	s10 =	sld [smem:$0x3F8D];
	_ =	sdelay $0x3  }
0x33: {  	p0 =	seq.s32 s10, $0x1;
	s10 =	sld [smem:$0x3F8F];
	_ =	sdelay $0x3  }
0x34: {  	[smem:$0x3F8F] =	sst s10  }
0x35: {  	s10 =	sld [smem:$0x3F8E];
	_ =	sdelay $0x3  }
0x36: {  	p1 =	seq.s32 s10, $0x1;
	s10 =	sld [smem:$0x3F8F];
	_ =	sdelay $0x3  }
0x37: {  	[smem:$0x3F8F] =	sst s10  }
0x38: {  	s10 =	sld [smem:$0x3F90]  }
0x39: {  	_ = 	snop;
	(pc) =	sbr.ind lr, $3  }
0x3a: {  	_ = 	snop  }
0x3b: {  	_ = 	snop  }
0x3c: {  	p2 =	seq.s32 s10, $0x1;
	s10 =	sld [smem:$0x3F8F]  }
0x3d: {  	_ =	shalt  }
0x3e: {  	_ =	shalt  }
0x3f: {  	_ =	shalt  }
0x40: {  	_ =	shalt  }
0x41: {  	_ =	shalt  }
0x42: {  	_ =	shalt  }
0x43: {  	_ =	shalt  }
0x44: {  	_ =	shalt  }
0x45: {  	_ =	shalt  }
0x46: {  	_ =	shalt  }
0x47: {  	_ =	shalt  }
0x48: {  	_ =	shalt  }
0x49: {  	_ =	shalt  }
0x4a: {  	_ =	shalt  }
0x4b: {  	_ =	shalt  }
0x4c: {  	_ =	shalt  }
0x4d: {  	_ =	shalt  }
0x4e: {  	_ =	shalt  }
0x4f: {  	_ =	shalt  }
0x50: {  	_ =	shalt  }
0x51: {  	_ =	shalt  }
0x52: {  	_ =	shalt  }
0x53: {  	_ =	shalt  }
0x54: {  	_ =	shalt  }
0x55: {  	_ =	shalt  }
0x56: {  	_ =	shalt  }
0x57: {  	_ =	shalt  }
0x58: {  	_ =	shalt  }
0x59: {  	_ =	shalt  }
0x5a: {  	_ =	shalt  }
0x5b: {  	_ =	shalt  }
0x5c: {  	_ =	shalt  }
0x5d: {  	_ =	shalt  }
0x5e: {  	_ =	shalt  }
0x5f: {  	_ =	shalt  }
0x60: {  	_ =	shalt  }
0x61: {  	_ =	shalt  }
0x62: {  	_ =	shalt  }
0x63: {  	_ =	shalt  }
0x64: {  	_ =	shalt  }
0x65: {  	_ =	shalt  }
0x66: {  	_ =	shalt  }
0x67: {  	_ =	shalt  }
0x68: {  	_ =	shalt  }
0x69: {  	_ =	shalt  }
0x6a: {  	_ =	shalt  }
0x6b: {  	_ =	shalt  }
0x6c: {  	_ =	shalt  }
0x6d: {  	_ =	shalt  }
0x6e: {  	_ =	shalt  }
0x6f: {  	_ =	shalt  }
0x70: {  	_ =	shalt  }
0x71: {  	_ =	shalt  }
0x72: {  	_ =	shalt  }
0x73: {  	_ =	shalt  }
0x74: {  	_ =	shalt  }
0x75: {  	_ =	shalt  }
0x76: {  	_ =	shalt  }
0x77: {  	_ =	shalt  }
0x78: {  	_ =	shalt  }
0x79: {  	_ =	shalt  }
0x7a: {  	_ =	shalt  }
0x7b: {  	_ =	shalt  }
0x7c: {  	_ =	shalt  }
0x7d: {  	_ =	shalt  }
0x7e: {  	_ =	shalt  }
0x7f: {  	_ =	shalt  }
0x80: {  	_ =	shalt  }
0x81: {  	_ =	shalt  }
0x82: {  	_ =	shalt  }
0x83: {  	_ =	shalt  }
0x84: {  	_ =	shalt  }
0x85: {  	_ =	shalt  }
0x86: {  	_ =	shalt  }
0x87: {  	_ =	shalt  }
.Lfunc_end0:
.L_simem_size_0:
called_computation.2_lowered:
.L_overlay_start_0:
0x88: {  	s2 =	sld [smem:$0x3FD9]  }
0x89: {  	s3 =	sld [smem:$0x3FFE];
	_ =	sdelay $0x1  }
0x8a: {  	s1 =	srdreg.scid  }
0x8b: {  	s0 =	sand.u32 $0x1, s1  }
0x8c: {  	s16 =	sshll.u32 s0, $0xA;
	s2 =	sadd.s32 s3, s2  }
0x8d: {  	s2 =	sadd.s32 s2, s16  }
0x8e: {  	[smem:$0x3F9B] =	sst s2  }
0x8f: {  	_ = 	snop  }
0x90: {  	(tm) =	ssettm $0x1  }
0x91: {  	s17 =	sld [smem:$0x3FFB];
	_ =	sdelay $0x3  }
0x92: {  	_ =	strace s17  }
0x93: {  	s2 =	sld [smem:$0x3FFC];
	_ =	sdelay $0x3  }
0x94: {  	_ =	strace s2  }
0x95: {  	s2 =	sld [smem:$0x3FFD];
	_ =	sdelay $0x3  }
0x96: {  	_ =	strace s2  }
0x97: {  	_ =	strace $0x8FFFFFFF  }
0x98: {  	s18 =	sld [smem:$0x3FDB];
	_ =	sdelay $0x1  }
0x99: {  	s19 =	simm.s32 $_scs_section_size  }
0x9a: {  	s4 =	simm.s32 $_size__tile_overlayer_lowered;
	s5 =	simm.s32 $_tile_overlayer_lowered  }
0x9b: {  	s22 =	simm.s32 $0x1BFF;
	s21 =	sshll.u32 s5, $0x1;
	s2 =	sadd.s32 s19, s18  }
0x9c: {  	s6 =	simm.s32 $0x0;
	s20 =	sshll.u32 s4, $0x1;
	s4 =	sadd.s32 s21, s2  }
0x9d: {  	[timem:s6], [sflag:s22] =	dma.local [hbm:s4], s20  }
0x9e: {  	_ =	swait.ge [sflag:s22], s20  }
0x9f: {  	s3 =	ssub.s32 $0x0, s20;
	[sflag:s22] =	ssyncset.done $0x0  }
0xa0: {  	[sflag:s22] =	ssyncadd.s32 s3;
	_ =	sdelay $0x1  }
0xa1: {  	s23 =	simm.s32 $0x1B8B  }
0xa2: {  	_ =	swait.ge [sflag:s23], $0x1  }
0xa3: {  	[sflag:s23] =	ssyncset.done $0x0  }
0xa4: {  	s25 =	simm.s32 $0x1B8E;
	s24 =	sld [smem:$0x3FFE];
	[sflag:s23] =	ssyncadd.s32 $0xFFFFFFFF  }
0xa5: {  	s26 =	simm.s32 $execute0_lowered;
	[smem:$0x3FD2] =	sst s25  }
0xa6: {  	s4 =	sshll.u32 s26, $0x1;
	_ =	strace $0x8000004C;
	[dreg:$0x1] =	wrdreg $0xFFFFFFFF  }
0xa7: {  	s28 =	simm.s32 $_size_execute0_lowered;
	s2 =	sadd.s32 s2, s4;
	[dreg:$0x0] =	wrdreg $0x0  }
0xa8: {  	s4 =	sshll.u32 s28, $0x1;
	[dreg:$0x2] =	wrdreg s2  }
0xa9: {  	[dreg:$0x3] =	wrdreg s4  }
0xaa: {  	[dreg:$0x4] =	wrdreg $0xC0  }
0xab: {  	_ =	task [dreg:s6], $0x5FFFF  }
0xac: {  	[dreg:$0x1] =	wrdreg $0xFFFFFFFF  }
0xad: {  	[dreg:$0x0] =	wrdreg $0x60  }
0xae: {  	[dreg:$0x2] =	wrdreg s24  }
0xaf: {  	[dreg:$0x3] =	wrdreg $0x9  }
0xb0: {  	_ =	task.clear_ibuf [dreg:s6], $0x4FFFF;
	_ =	strace $0x9000004C  }
0xb1: {  	s29 =	simm.s32 $0x9;
	_ =	strace $0x8000004E  }
0xb2: {  	_ =	swait.ge [sflag:s29], $0x1  }
0xb3: {  	[sflag:s29] =	ssyncadd.s32 $0xFFFFFFFF  }
0xb4: {  	_ =	strace $0x9000004E  }
0xb5: {  	_ =	sfence  }
0xb6: {  	s30 =	sld [smem:$0x0];
	_ =	sdelay $0x2  }
0xb7: {  	s31 =	sshll.u32 s1, $0xD;
	s1 =	sshrl.u32 s1, $0x2  }
0xb8: {  	s3 =	sand.u32 $0x4000, s31;
	s1 =	sadd.s32 s1, s30  }
0xb9: {  	s0 =	sor.u32 s3, s0;
	s1 =	sshll.u32 s1, $0x11  }
0xba: {  	s0 =	sor.u32 s1, s0  }
0xbb: {  	s0 =	sadd.s32 $0x8F2B, s0  }
0xbc: {  	[sflag:s0] =	ssyncadd.remote.s32 $0x1  }
0xbd: {  	_ =	sfence.sel $0xFFFF  }
0xbe: {  	[dreg:$0x0] =	wrdreg $0xFFFFFFFF;
	(pc) =	sbr.abs _section_cstart, $3  }
0xbf: {  	[dreg:$0x1] =	wrdreg $0xFFFFFFFF  }
0xc0: {  	_ =	task.clear_ibuf [dreg:s6], $0x2FFFF;
	_ =	strace $0x9FFFFFFF  }
0xc1: {  	(tm) =	ssettm $0x7FFFFFFF  }
tec
execute0_lowered:
.L_overlay_start_1:
0x0: {  	(tag) =	ssettag $0x1  }
0x1: {  	s1 =	srdreg.scid  }
0x2: {  	s0 =	stileid.u32;
	s9 =	rddreg [dreg:$0x0];
	s6 =	sand.u32 $0x1, s1  }
0x3: {  	s7 =	simm.s32 $0x80;
	s30 =	sshll.u32 s0, $0x7;
	s2 =	sshll.u32 s6, $0x6  }
0x4: {  	s8 =	simm.s32 $0x1;
	s1 =	rddreg [dreg:$0x1];
	s10 =	sor.u32 s2, s30  }
0x5: {  	s5 =	sadd.s32 $0x8400, s9;
	s2 =	simm.s32 $0x0;
	s3 =	sshrl.u32 s10, $0x3  }
0x6: {  	s11 =	ssub.s32 $0x2, s6;
	[smem:$0x7FF] =	sst s2;
	s3 =	sadd.s32 s3, s9  }
0x7: {  	_ =	strace $0x8000004D;
	s4 =	sadd.s32 $0x8200, s3;
	s3 =	simm.s32 $0x2  }
0x8: {  	[tilespmem:s2], [sflag:$0x2] =	stream.linear.gather [hbm4b:s4+s2], $0x40, $0x38;
	[tilespmem:$0x2080] =	vst v63  }
0x9: {  	s6 =	simm.s32 $0x40;
	s12 =	sshrl.u32 s11, $0x1;
	_ =	swait.ge [sflag:s3], $0x40  }
0xa: {  	s10 =	sshll.u32 s10, $0x4;
	s31 =	ssub.s32 s11, s12;
	[sflag:s3] =	ssyncset.done $0x0  }
0xb: {  	s9 =	sadd.s32 s10, s9;
	s10 =	smax.u32 s31, $0x1;
	[sflag:s3] =	ssyncadd.s32 $0xFFFFFFC0  }
0xc: {  	[tilespmem:s7], [sflag:$0x1] =	stream.indirect.gather [hbm4b:s5+s6], $0x80, s2, s6, $0xb8;
	[tilespmem:$0x2080] =	vst v63  }
0xd: {  	p0 =	sne.s32 s10, $0x1;
	_ =	swait.ge [sflag:s8], $0x2000  }
.Ltmp0:
0xe: {  	[sflag:s8] =	ssyncset.done $0x0;
	(pc) =	sbr.rel @!p0 .LBB2_2-.Ltmp0, $4  }
0xf: {  	s9 =	sadd.s32 $0xC400, s9;
	[sflag:s8] =	ssyncadd.s32 $0xFFFFE000  }
0x10: {  	[hbm4b:s9+s2] =	stream.linear.scatter [tilespmem:s7], [sflag:$0x2], $0x2000, $0x38;
	[tilespmem:$0x2080] =	vst v63  }
0x11: {  	_ =	swait.ge [sflag:s3], $0x2000  }
0x12: {  	s10 =	sadd.s32 $0xFFFFFFFF, s10;
	[sflag:s3] =	ssyncset.done $0x0  }
.LBB2_1:
0x13: {  	p0 =	sne.s32 s10, $0x1;
	s10 =	sadd.s32 $0xFFFFFFFF, s10;
	[sflag:s3] =	ssyncadd.s32 $0xFFFFE000  }
0x14: {  	[tilespmem:s2], [sflag:$0x2] =	stream.linear.gather [hbm4b:s4+s2], $0x40, $0x38;
	[tilespmem:$0x2080] =	vst v63  }
0x15: {  	_ =	swait.ge [sflag:s3], $0x40  }
0x16: {  	[sflag:s3] =	ssyncset.done $0x0  }
0x17: {  	[sflag:s3] =	ssyncadd.s32 $0xFFFFFFC0  }
0x18: {  	[tilespmem:s7], [sflag:$0x1] =	stream.indirect.gather [hbm4b:s5+s6], $0x80, s2, s6, $0xb8;
	[tilespmem:$0x2080] =	vst v63  }
0x19: {  	_ =	swait.ge [sflag:s8], $0x2000  }
.Ltmp1:
0x1a: {  	[sflag:s8] =	ssyncset.done $0x0;
	(pc) =	sbr.rel @p0 .LBB2_1-.Ltmp1, $4  }
0x1b: {  	[sflag:s8] =	ssyncadd.s32 $0xFFFFE000  }
0x1c: {  	[hbm4b:s9+s2] =	stream.linear.scatter [tilespmem:s7], [sflag:$0x2], $0x2000, $0x38;
	[tilespmem:$0x2080] =	vst v63  }
0x1d: {  	_ =	swait.ge [sflag:s3], $0x2000  }
0x1e: {  	[sflag:s3] =	ssyncset.done $0x0  }
.LBB2_2:
0x1f: {  	[sflag:s3] =	ssyncadd.s32 $0xFFFFE000  }
0x20: {  	_ =	sfence.sel $0x180000  }
0x21: {  	[bflag:$0x0] =	sbarrier.arrive $0xFFFF  }
0x22: {  	p0 =	sne.s32 s0, $0x0;
	_ =	strace $0x9000004D  }
0x23: {  	s0 =	sadd.s32 @!p0 $0x100000, s1;
	[bflag:$0x2] =	sbarrier.arrive $0xFFFF  }
0x24: {  	[sflag:s0] =	ssyncadd.tile.s32 @!p0 $0x1;
	_ =	shalt  }
.Lfunc_end2:
_tile_overlayer_lowered:
.L_overlay_start_2:
0x25: {  	(tag) =	ssettag $0x2  }
0x26: {  	s0 =	rddreg [dreg:$0x0];
	s2 =	stileid.u32  }
0x27: {  	s1 =	rddreg [dreg:$0x1];
	p0 =	sne.s32 s2, $0x0  }
0x28: {  	s3 =	rddreg [dreg:$0x2];
	[bflag:$0x3] =	sbarrier.arrive $0xFFFF;
	s2 =	simm.s32 @!p0 $0x1C02  }
0x29: {  	[timem:s3], [sflag:s2] =	dma.local @!p0 [hbm:s0], s1  }
0x2a: {  	s0 =	simm.s32 @!p0 $0x2  }
0x2b: {  	_ =	swait.ge @!p0 [sflag:s0], s1  }
0x2c: {  	s1 =	ssub.s32 @!p0 $0x0, s1;
	[sflag:s0] =	ssyncset.done @!p0 $0x0  }
0x2d: {  	[sflag:s0] =	ssyncadd.s32 @!p0 s1  }
0x2e: {  	[bflag:$0x3] =	sbarrier.arrive $0xFFFF  }
0x2f: {  	_ =	shalt  }

// kernel: kernel.19.cloned.1.call-start
scs
__scs_entry_jumppad:
0x0: {  	(pc) =	sbr.rel $0x88, $3  }
0x1: {  	(tag) =	ssettag $0x0;
	lr =	simm.s32 $0x1  }
0x2: {  	[smem:$0x3F74] =	sst lr;
	_ =	strace $0xD0000000  }
0x3: {  	_ = 	snop  }
0x4: {  	_ = 	snop  }
0x5: {  	_ = 	snop  }
0x6: {  	_ = 	snop  }
0x7: {  	_ = 	snop  }
__scs_overlays_trampoline_lowered:
0x8: {  	[smem:$0x3F83] =	sst s0  }
0x9: {  	[smem:$0x3F84] =	sst s1  }
0xa: {  	[smem:$0x3F85] =	sst s2  }
0xb: {  	[smem:$0x3F86] =	sst s3  }
0xc: {  	[smem:$0x3F87] =	sst s4  }
0xd: {  	[smem:$0x3F88] =	sst s5  }
0xe: {  	[smem:$0x3F89] =	sst s6  }
0xf: {  	[smem:$0x3F8A] =	sst s7  }
0x10: {  	[smem:$0x3F8B] =	sst s8  }
0x11: {  	[smem:$0x3F8C] =	sst s9;
	s0 =	simm.s32 @!p0 $0x0  }
0x12: {  	s1 =	sld [smem:$0x3F72];
	s0 =	simm.s32 @p0 $0x1  }
0x13: {  	[smem:$0x3F8D] =	sst s0;
	s0 =	simm.s32 @!p1 $0x0  }
0x14: {  	s2 =	sld [smem:$0x3F71];
	s0 =	simm.s32 @p1 $0x1  }
0x15: {  	[smem:$0x3F8E] =	sst s0;
	s0 =	simm.s32 @!p2 $0x0  }
0x16: {  	s3 =	sld [smem:$0x3FDB];
	s0 =	simm.s32 @p2 $0x1  }
0x17: {  	s4 =	simm.s32 $0x1BF5;
	[smem:$0x3F90] =	sst s0  }
0x18: {  	s0 =	sld [smem:$0x3F73];
	_ =	swait.ge [sflag:s4], $0x0  }
0x19: {  	s7 =	sld [smem:$0x3F74]  }
0x1a: {  	s8 =	sadd.s32 $0xFFFFE003, lr  }
0x1b: {  	s9 =	sadd.s32 $0xFFFFFEF7, lr;
	s5 =	simm.s32 $0xFFFFFFFF;
	p2 =	slt.u32 s8, $0xFFFFF086  }
0x1c: {  	p1 =	slt.u32 s9, $0xF7A;
	s5 =	simm.s32 @!p2 $0x0  }
0x1d: {  	s5 =	simm.s32 @p1 $0x1;
	p0 =	seq.s32 s7, s2  }
0x1e: {  	s7 =	smul.u32 @!p0 $0xF7A, s2;
	p2 =	seq.s32 @!p0 s5, $0x0  }
0x1f: {  	s9 =	smul.u32 $0xF7A, s1;
	s8 =	simm.s32 @!p0 $0x1BF5;
	p2 =	por !p2, p0  }
0x20: {  	[sflag:s8] =	ssyncset.s32 @!p0 $0xFFFFF086;
	s6 =	sadd.s32 @!p0 s3, s7;
	s7 =	simm.s32 @!p0 $0x108  }
0x21: {  	s3 =	sadd.s32 s3, s9;
	s6 =	sadd.s32 @!p0 $0x88, s6;
	s7 =	simm.s32 @p2 $0x1082  }
0x22: {  	[simem:s7], [sflag:s8] =	dma.local @!p0 [hbm:s6], $0xF7A  }
0x23: {  	s9 =	sor.u32 $0xD0000000, s2;
	s6 =	simm.s32 $0x108;
	_ =	swait.ge @!p0 [sflag:s8], $0x0  }
0x24: {  	s3 =	sadd.s32 $0x88, s3;
	s6 =	simm.s32 @!p1 $0x1082;
	[sflag:s4] =	ssyncset.s32 $0xFFFFF086  }
0x25: {  	[simem:s6], [sflag:s4] =	dma.local [hbm:s3], $0xF7A  }
0x26: {  	[smem:$0x3F74] =	sst s1;
	(tag) =	ssettag s2;
	_ =	strace s9  }
0x27: {  	s1 =	sld [smem:$0x3F84]  }
0x28: {  	s2 =	sld [smem:$0x3F85]  }
0x29: {  	s4 =	sld [smem:$0x3F87]  }
0x2a: {  	p0 =	seq.s32 s5, $0x0;
	s5 =	sld [smem:$0x3F88]  }
0x2b: {  	s6 =	sld [smem:$0x3F89]  }
0x2c: {  	s7 =	sld [smem:$0x3F8A]  }
0x2d: {  	s3 =	simm.s32 $0x108;
	s8 =	sld [smem:$0x3F8B]  }
0x2e: {  	s3 =	simm.s32 @!p0 $0x1082;
	s9 =	sld [smem:$0x3F8C]  }
0x2f: {  	lr =	sadd.s32 s0, s3;
	s0 =	sld [smem:$0x3F83]  }
0x30: {  	s3 =	sld [smem:$0x3F86]  }
0x31: {  	[smem:$0x3F8F] =	sst s10  }
0x32: {  	s10 =	sld [smem:$0x3F8D];
	_ =	sdelay $0x3  }
0x33: {  	p0 =	seq.s32 s10, $0x1;
	s10 =	sld [smem:$0x3F8F];
	_ =	sdelay $0x3  }
0x34: {  	[smem:$0x3F8F] =	sst s10  }
0x35: {  	s10 =	sld [smem:$0x3F8E];
	_ =	sdelay $0x3  }
0x36: {  	p1 =	seq.s32 s10, $0x1;
	s10 =	sld [smem:$0x3F8F];
	_ =	sdelay $0x3  }
0x37: {  	[smem:$0x3F8F] =	sst s10  }
0x38: {  	s10 =	sld [smem:$0x3F90]  }
0x39: {  	_ = 	snop;
	(pc) =	sbr.ind lr, $3  }
0x3a: {  	_ = 	snop  }
0x3b: {  	_ = 	snop  }
0x3c: {  	p2 =	seq.s32 s10, $0x1;
	s10 =	sld [smem:$0x3F8F]  }
0x3d: {  	_ =	shalt  }
0x3e: {  	_ =	shalt  }
0x3f: {  	_ =	shalt  }
0x40: {  	_ =	shalt  }
0x41: {  	_ =	shalt  }
0x42: {  	_ =	shalt  }
0x43: {  	_ =	shalt  }
0x44: {  	_ =	shalt  }
0x45: {  	_ =	shalt  }
0x46: {  	_ =	shalt  }
0x47: {  	_ =	shalt  }
0x48: {  	_ =	shalt  }
0x49: {  	_ =	shalt  }
0x4a: {  	_ =	shalt  }
0x4b: {  	_ =	shalt  }
0x4c: {  	_ =	shalt  }
0x4d: {  	_ =	shalt  }
0x4e: {  	_ =	shalt  }
0x4f: {  	_ =	shalt  }
0x50: {  	_ =	shalt  }
0x51: {  	_ =	shalt  }
0x52: {  	_ =	shalt  }
0x53: {  	_ =	shalt  }
0x54: {  	_ =	shalt  }
0x55: {  	_ =	shalt  }
0x56: {  	_ =	shalt  }
0x57: {  	_ =	shalt  }
0x58: {  	_ =	shalt  }
0x59: {  	_ =	shalt  }
0x5a: {  	_ =	shalt  }
0x5b: {  	_ =	shalt  }
0x5c: {  	_ =	shalt  }
0x5d: {  	_ =	shalt  }
0x5e: {  	_ =	shalt  }
0x5f: {  	_ =	shalt  }
0x60: {  	_ =	shalt  }
0x61: {  	_ =	shalt  }
0x62: {  	_ =	shalt  }
0x63: {  	_ =	shalt  }
0x64: {  	_ =	shalt  }
0x65: {  	_ =	shalt  }
0x66: {  	_ =	shalt  }
0x67: {  	_ =	shalt  }
0x68: {  	_ =	shalt  }
0x69: {  	_ =	shalt  }
0x6a: {  	_ =	shalt  }
0x6b: {  	_ =	shalt  }
0x6c: {  	_ =	shalt  }
0x6d: {  	_ =	shalt  }
0x6e: {  	_ =	shalt  }
0x6f: {  	_ =	shalt  }
0x70: {  	_ =	shalt  }
0x71: {  	_ =	shalt  }
0x72: {  	_ =	shalt  }
0x73: {  	_ =	shalt  }
0x74: {  	_ =	shalt  }
0x75: {  	_ =	shalt  }
0x76: {  	_ =	shalt  }
0x77: {  	_ =	shalt  }
0x78: {  	_ =	shalt  }
0x79: {  	_ =	shalt  }
0x7a: {  	_ =	shalt  }
0x7b: {  	_ =	shalt  }
0x7c: {  	_ =	shalt  }
0x7d: {  	_ =	shalt  }
0x7e: {  	_ =	shalt  }
0x7f: {  	_ =	shalt  }
0x80: {  	_ =	shalt  }
0x81: {  	_ =	shalt  }
0x82: {  	_ =	shalt  }
0x83: {  	_ =	shalt  }
0x84: {  	_ =	shalt  }
0x85: {  	_ =	shalt  }
0x86: {  	_ =	shalt  }
0x87: {  	_ =	shalt  }
.Lfunc_end0:
.L_simem_size_0:
called_computation.3_lowered:
.L_overlay_start_0:
0x88: {  	s2 =	sld [smem:$0x3FD9]  }
0x89: {  	s3 =	sld [smem:$0x3FFE];
	_ =	sdelay $0x1  }
0x8a: {  	s1 =	srdreg.scid  }
0x8b: {  	s0 =	sand.u32 $0x1, s1  }
0x8c: {  	s16 =	sshll.u32 s0, $0xA;
	s2 =	sadd.s32 s3, s2  }
0x8d: {  	s2 =	sadd.s32 s2, s16  }
0x8e: {  	[smem:$0x3F9B] =	sst s2  }
0x8f: {  	_ = 	snop  }
0x90: {  	(tm) =	ssettm $0x1  }
0x91: {  	s17 =	sld [smem:$0x3FFB];
	_ =	sdelay $0x3  }
0x92: {  	_ =	strace s17  }
0x93: {  	s2 =	sld [smem:$0x3FFC];
	_ =	sdelay $0x3  }
0x94: {  	_ =	strace s2  }
0x95: {  	s2 =	sld [smem:$0x3FFD];
	_ =	sdelay $0x3  }
0x96: {  	_ =	strace s2  }
0x97: {  	_ =	strace $0x8FFFFFFF  }
0x98: {  	s18 =	sld [smem:$0x3FDB];
	_ =	sdelay $0x1  }
0x99: {  	s19 =	simm.s32 $_scs_section_size  }
0x9a: {  	s4 =	simm.s32 $_size__tile_overlayer_lowered;
	s5 =	simm.s32 $_tile_overlayer_lowered  }
0x9b: {  	s22 =	simm.s32 $0x1BFF;
	s21 =	sshll.u32 s5, $0x1;
	s2 =	sadd.s32 s19, s18  }
0x9c: {  	s6 =	simm.s32 $0x0;
	s20 =	sshll.u32 s4, $0x1;
	s4 =	sadd.s32 s21, s2  }
0x9d: {  	[timem:s6], [sflag:s22] =	dma.local [hbm:s4], s20  }
0x9e: {  	_ =	swait.ge [sflag:s22], s20  }
0x9f: {  	s3 =	ssub.s32 $0x0, s20;
	[sflag:s22] =	ssyncset.done $0x0  }
0xa0: {  	[sflag:s22] =	ssyncadd.s32 s3;
	_ =	sdelay $0x1  }
0xa1: {  	s23 =	simm.s32 $0x1B8B  }
0xa2: {  	_ =	swait.ge [sflag:s23], $0x1  }
0xa3: {  	[sflag:s23] =	ssyncset.done $0x0  }
0xa4: {  	s25 =	simm.s32 $0x1B8E;
	s24 =	sld [smem:$0x3FFE];
	[sflag:s23] =	ssyncadd.s32 $0xFFFFFFFF  }
0xa5: {  	s26 =	simm.s32 $execute0_lowered;
	[smem:$0x3FD2] =	sst s25  }
0xa6: {  	s4 =	sshll.u32 s26, $0x1;
	_ =	strace $0x8000004F;
	[dreg:$0x1] =	wrdreg $0xFFFFFFFF  }
0xa7: {  	s28 =	simm.s32 $_size_execute0_lowered;
	s2 =	sadd.s32 s2, s4;
	[dreg:$0x0] =	wrdreg $0x0  }
0xa8: {  	s4 =	sshll.u32 s28, $0x1;
	[dreg:$0x2] =	wrdreg s2  }
0xa9: {  	[dreg:$0x3] =	wrdreg s4  }
0xaa: {  	[dreg:$0x4] =	wrdreg $0xC0  }
0xab: {  	_ =	task [dreg:s6], $0x5FFFF  }
0xac: {  	[dreg:$0x1] =	wrdreg $0xFFFFFFFF  }
0xad: {  	[dreg:$0x0] =	wrdreg $0x60  }
0xae: {  	[dreg:$0x2] =	wrdreg s24  }
0xaf: {  	[dreg:$0x3] =	wrdreg $0x9  }
0xb0: {  	_ =	task.clear_ibuf [dreg:s6], $0x4FFFF;
	_ =	strace $0x9000004F  }
0xb1: {  	s29 =	simm.s32 $0x9;
	_ =	strace $0x80000051  }
0xb2: {  	_ =	swait.ge [sflag:s29], $0x1  }
0xb3: {  	[sflag:s29] =	ssyncadd.s32 $0xFFFFFFFF  }
0xb4: {  	_ =	strace $0x90000051  }
0xb5: {  	_ =	sfence  }
0xb6: {  	s30 =	sld [smem:$0x0];
	_ =	sdelay $0x2  }
0xb7: {  	s31 =	sshll.u32 s1, $0xD;
	s1 =	sshrl.u32 s1, $0x2  }
0xb8: {  	s3 =	sand.u32 $0x4000, s31;
	s1 =	sadd.s32 s1, s30  }
0xb9: {  	s0 =	sor.u32 s3, s0;
	s1 =	sshll.u32 s1, $0x11  }
0xba: {  	s0 =	sor.u32 s1, s0  }
0xbb: {  	s0 =	sadd.s32 $0x8F2B, s0  }
0xbc: {  	[sflag:s0] =	ssyncadd.remote.s32 $0x1  }
0xbd: {  	_ =	sfence.sel $0xFFFF  }
0xbe: {  	[dreg:$0x0] =	wrdreg $0xFFFFFFFF;
	(pc) =	sbr.abs _section_cstart, $3  }
0xbf: {  	[dreg:$0x1] =	wrdreg $0xFFFFFFFF  }
0xc0: {  	_ =	task.clear_ibuf [dreg:s6], $0x2FFFF;
	_ =	strace $0x9FFFFFFF  }
0xc1: {  	(tm) =	ssettm $0x7FFFFFFF  }
tec
execute0_lowered:
.L_overlay_start_1:
0x0: {  	(tag) =	ssettag $0x1  }
0x1: {  	s4 =	rddreg [dreg:$0x0]  }
0x2: {  	s0 =	rddreg [dreg:$0x1]  }
0x3: {  	s3 =	srdreg.scid;
	s2 =	simm.s32 $0x0;
	s1 =	stileid.u32  }
0x4: {  	s9 =	simm.s32 $0x880;
	s10 =	simm.s32 $0x1080;
	s11 =	simm.s32 $0x1880  }
0x5: {  	s12 =	simm.s32 $0x2080;
	s13 =	simm.s32 $0x2880;
	s14 =	simm.s32 $0x3080  }
0x6: {  	s15 =	simm.s32 $0x3880;
	s16 =	simm.s32 $0x1;
	s5 =	sand.u32 $0x1, s3  }
0x7: {  	[smem:$0x7FF] =	sst s2;
	s31 =	sshll.u32 s1, $0x7;
	s6 =	sshll.u32 s5, $0x6  }
0x8: {  	s3 =	sadd.s32 $0x8400, s4;
	_ =	strace $0x80000050;
	s6 =	sor.u32 s6, s31  }
0x9: {  	s5 =	ssub.s32 $0x2, s5;
	s7 =	sshrl.u32 s6, $0x3;
	s6 =	sshll.u32 s6, $0x5  }
0xa: {  	v2 =	vlaneseq.u32;
	s8 =	sshrl.u32 s5, $0x1;
	s7 =	sadd.s32 s7, s4;
	s6 =	sadd.s32 s6, s4  }
0xb: {  	vm0 =	vmmov $0xffff;
	v1 =	vshrl.u32 v2, $0x3;
	s8 =	ssub.s32 s5, s8;
	s4 =	sadd.s32 $0x8200, s7;
	s5 =	sadd.s32 $0x10400, s6  }
0xc: {  	v0 =	vand.u32 $0x7, v2;
	v2 =	vor.u32 $0x8, v2;
	v1 =	vmul.u32 $0x8, v1;
	s6 =	smax.u32 s8, $0x1;
	s7 =	simm.s32 $0x2;
	s8 =	simm.s32 $0x80  }
.LBB2_1:
0xd: {  	[tilespmem:s2], [sflag:$0x2] =	stream.linear.gather [hbm4b:s4+s2], $0x40, $0x38;
	[tilespmem:$0x4080] =	vst v63  }
0xe: {  	_ =	swait.ge [sflag:s7], $0x40  }
0xf: {  	[sflag:s7] =	ssyncset.done $0x0  }
0x10: {  	[sflag:s7] =	ssyncadd.s32 $0xFFFFFFC0  }
0x11: {  	v3 =	vld [tilespmem:$0x0];
	_ =	sdelay $0x4  }
0x12: {  	v4 =	vshll.u32 v3, $0x1  }
0x13: {  	v3 =	vand.u32 $0x7, v3;
	v4 =	vand.u32 $0xFFFFFFF0, v4  }
0x14: {  	v3 =	vor.u32 v3, v4  }
0x15: {  	v4 =	vperm.xlane v3, v0;
	_ =	sdelay $0x1  }
0x16: {  	v3 =	vperm.xlane v3, v2;
	v4 =	vadd.s32 v1, v4;
	_ =	sdelay $0x1  }
0x17: {  	v3 =	vadd.s32 v1, v3;
	_ =	sdelay $0x2  }
0x18: {  	[tilespmem:s8], [sflag:$0x1] =	stream.indirect_vreg.gather [hbm4b:s3+s2], $0x80, v4, vm0, $0xb8;
	[tilespmem:$0x4080] =	vst v63  }
0x19: {  	_ = 	snop  }
0x1a: {  	[tilespmem:s9], [sflag:$0x1] =	stream.indirect_vreg.gather [hbm4b:s3+s2], $0x80, v3, vm0, $0xb8;
	[tilespmem:$0x4080] =	vst v63  }
0x1b: {  	v3 =	vld [tilespmem:$0x10];
	_ =	sdelay $0x4  }
0x1c: {  	v61 =	vshll.u32 v3, $0x1  }
0x1d: {  	v3 =	vand.u32 $0x7, v3;
	v4 =	vand.u32 $0xFFFFFFF0, v61  }
0x1e: {  	v3 =	vor.u32 v3, v4  }
0x1f: {  	v4 =	vperm.xlane v3, v0;
	_ =	sdelay $0x1  }
0x20: {  	v3 =	vperm.xlane v3, v2;
	v4 =	vadd.s32 v1, v4;
	_ =	sdelay $0x1  }
0x21: {  	v3 =	vadd.s32 v1, v3;
	_ =	sdelay $0x2  }
0x22: {  	[tilespmem:s10], [sflag:$0x1] =	stream.indirect_vreg.gather [hbm4b:s3+s2], $0x80, v4, vm0, $0xb8;
	[tilespmem:$0x4080] =	vst v63  }
0x23: {  	_ = 	snop  }
0x24: {  	[tilespmem:s11], [sflag:$0x1] =	stream.indirect_vreg.gather [hbm4b:s3+s2], $0x80, v3, vm0, $0xb8;
	[tilespmem:$0x4080] =	vst v63  }
0x25: {  	v3 =	vld [tilespmem:$0x20];
	_ =	sdelay $0x4  }
0x26: {  	v62 =	vshll.u32 v3, $0x1  }
0x27: {  	v3 =	vand.u32 $0x7, v3;
	v4 =	vand.u32 $0xFFFFFFF0, v62  }
0x28: {  	v3 =	vor.u32 v3, v4  }
0x29: {  	v4 =	vperm.xlane v3, v0;
	_ =	sdelay $0x1  }
0x2a: {  	v3 =	vperm.xlane v3, v2;
	v4 =	vadd.s32 v1, v4;
	_ =	sdelay $0x1  }
0x2b: {  	v3 =	vadd.s32 v1, v3;
	_ =	sdelay $0x2  }
0x2c: {  	[tilespmem:s12], [sflag:$0x1] =	stream.indirect_vreg.gather [hbm4b:s3+s2], $0x80, v4, vm0, $0xb8;
	[tilespmem:$0x4080] =	vst v63  }
0x2d: {  	_ = 	snop  }
0x2e: {  	[tilespmem:s13], [sflag:$0x1] =	stream.indirect_vreg.gather [hbm4b:s3+s2], $0x80, v3, vm0, $0xb8;
	[tilespmem:$0x4080] =	vst v63  }
0x2f: {  	v3 =	vld [tilespmem:$0x30];
	_ =	sdelay $0x4  }
0x30: {  	v63 =	vshll.u32 v3, $0x1  }
0x31: {  	v3 =	vand.u32 $0x7, v3;
	v4 =	vand.u32 $0xFFFFFFF0, v63  }
0x32: {  	v3 =	vor.u32 v3, v4  }
0x33: {  	v4 =	vperm.xlane v3, v0;
	_ =	sdelay $0x1  }
0x34: {  	v3 =	vperm.xlane v3, v2;
	v4 =	vadd.s32 v1, v4;
	_ =	sdelay $0x1  }
0x35: {  	v3 =	vadd.s32 v1, v3;
	_ =	sdelay $0x2  }
0x36: {  	[tilespmem:s14], [sflag:$0x1] =	stream.indirect_vreg.gather [hbm4b:s3+s2], $0x80, v4, vm0, $0xb8;
	[tilespmem:$0x4080] =	vst v63  }
0x37: {  	_ = 	snop  }
0x38: {  	[tilespmem:s15], [sflag:$0x1] =	stream.indirect_vreg.gather [hbm4b:s3+s2], $0x80, v3, vm0, $0xb8;
	[tilespmem:$0x4080] =	vst v63  }
0x39: {  	_ =	swait.ge [sflag:s16], $0x4000  }
0x3a: {  	p0 =	sne.s32 s6, $0x1;
	[sflag:s16] =	ssyncset.done $0x0  }
.Ltmp0:
0x3b: {  	[sflag:s16] =	ssyncadd.s32 $0xFFFFC000;
	(pc) =	sbr.rel @p0 .LBB2_1-.Ltmp0, $4  }
0x3c: {  	[hbm4b:s5+s2] =	stream.linear.scatter [tilespmem:s8], [sflag:$0x2], $0x4000, $0x38;
	[tilespmem:$0x4080] =	vst v63  }
0x3d: {  	_ =	swait.ge [sflag:s7], $0x4000  }
0x3e: {  	[sflag:s7] =	ssyncset.done $0x0  }
0x3f: {  	s6 =	sadd.s32 $0xFFFFFFFF, s6;
	[sflag:s7] =	ssyncadd.s32 $0xFFFFC000  }
0x40: {  	_ =	sfence.sel $0x180000  }
0x41: {  	[bflag:$0x0] =	sbarrier.arrive $0xFFFF  }
0x42: {  	p0 =	sne.s32 s1, $0x0;
	_ =	strace $0x90000050  }
0x43: {  	s0 =	sadd.s32 @!p0 $0x100000, s0;
	[bflag:$0x2] =	sbarrier.arrive $0xFFFF  }
0x44: {  	[sflag:s0] =	ssyncadd.tile.s32 @!p0 $0x1;
	_ =	shalt  }
.Lfunc_end2:
_tile_overlayer_lowered:
.L_overlay_start_2:
0x45: {  	(tag) =	ssettag $0x2  }
0x46: {  	s0 =	rddreg [dreg:$0x0];
	s2 =	stileid.u32  }
0x47: {  	s1 =	rddreg [dreg:$0x1];
	p0 =	sne.s32 s2, $0x0  }
0x48: {  	s3 =	rddreg [dreg:$0x2];
	[bflag:$0x3] =	sbarrier.arrive $0xFFFF;
	s2 =	simm.s32 @!p0 $0x1C02  }
0x49: {  	[timem:s3], [sflag:s2] =	dma.local @!p0 [hbm:s0], s1  }
0x4a: {  	s0 =	simm.s32 @!p0 $0x2  }
0x4b: {  	_ =	swait.ge @!p0 [sflag:s0], s1  }
0x4c: {  	s1 =	ssub.s32 @!p0 $0x0, s1;
	[sflag:s0] =	ssyncset.done @!p0 $0x0  }
0x4d: {  	[sflag:s0] =	ssyncadd.s32 @!p0 s1  }
0x4e: {  	[bflag:$0x3] =	sbarrier.arrive $0xFFFF  }
0x4f: {  	_ =	shalt  }

</sc_bundles>
